<compile_context>
chip_gen: v7x
topology: tpu7x:2x2x1
jax: 0.10.2.dev20260603
libtpu: 0.0.44.dev20260713+nightly
codegen_flags: <defaults>
</compile_context>

<pallas_src>
import functools

import jax
import jax.numpy as jnp
from jax import lax
from jax.experimental import pallas as pl
from jax.experimental.pallas import tpu as pltpu
from jax.experimental.pallas import tpu_sc as plsc

NC = 2
NS = 16
NW = NC * NS
LANES = 16
CH = 48
NPH = 2
RB = 512
ZR = 40


def _prologue_body(x_ref, pos_ref, wh1_ref, bh1_ref, wh2_ref, bh2_ref,
                   wfx_ref, wfp_ref, bf_ref, a_ref, b_ref):
    xb = x_ref[...]
    pb = pos_ref[...]
    h = jnp.maximum(
        jnp.dot(xb, wh1_ref[...], preferred_element_type=jnp.float32)
        + bh1_ref[...], 0.0)
    dl = jnp.tanh(
        jnp.dot(h, wh2_ref[...], preferred_element_type=jnp.float32)
        + bh2_ref[...])
    a_ref[...] = (
        jnp.dot(xb, wfx_ref[...], preferred_element_type=jnp.float32)
        + jnp.dot(pb, wfp_ref[...], preferred_element_type=jnp.float32))
    b_ref[...] = (
        jnp.dot(dl - pb, wfp_ref[...], preferred_element_type=jnp.float32)
        + bf_ref[...])


def _epilogue_body(parts_ref, x_ref, wg1_ref, bg1_ref, wg2_ref, bg2_ref,
                   out_ref):
    agg = parts_ref[0] + parts_ref[1]
    g = jnp.maximum(
        jnp.dot(agg, wg1_ref[...], preferred_element_type=jnp.float32)
        + bg1_ref[...], 0.0)
    o = jnp.maximum(
        jnp.dot(g, wg2_ref[...], preferred_element_type=jnp.float32)
        + bg2_ref[...], 0.0)
    out_ref[...] = x_ref[...] + o


def _sc_edge_body(npad, tpw2, a_hbm, b_hbm, src_hbm, dst_hbm, out_hbm,
                  sidx_all, didx_all, ar0, br0, ar1, br1, ar2, br2,
                  di0, di1, di2, acc,
                  ga0, gb0, ga1, gb1, ga2, gb2, sc0, sc1, sc2):
    c = lax.axis_index("c")
    s = lax.axis_index("s")
    w = s * NC + c
    sets = ((ar0, br0, di0, ga0, gb0, sc0),
            (ar1, br1, di1, ga1, gb1, sc1),
            (ar2, br2, di2, ga2, gb2, sc2))
    nsl = ar0.shape[1] // LANES
    isl = CH // LANES

    zero16 = jnp.zeros((LANES,), jnp.float32)

    def zfill(i, carry):
        r = i // nsl
        cc = i % nsl
        ar0[r, pl.ds(cc * LANES, LANES)] = zero16
        return carry

    lax.fori_loop(0, ZR * nsl, zfill, 0)

    rpt = npad // NS
    rbase = s * rpt

    def zinit(k, carry):
        pltpu.sync_copy(ar0.at[pl.ds(0, ZR)],
                        acc.at[pl.ds(rbase + k * ZR, ZR)])
        return carry

    lax.fori_loop(0, rpt // ZR, zinit, 0)
    plsc.subcore_barrier()

    def issue_a(ch, st):
        pltpu.async_copy(
            a_hbm.at[sidx_all.at[pl.ds(ch * CH, CH)]], st[0], st[3])

    def issue_b(ch, st):
        pltpu.async_copy(
            b_hbm.at[didx_all.at[pl.ds(ch * CH, CH)]], st[1], st[4])

    def gwait(ch, st):
        pltpu.make_async_copy(
            a_hbm.at[sidx_all.at[pl.ds(ch * CH, CH)]], st[0], st[3]).wait()
        pltpu.make_async_copy(
            b_hbm.at[didx_all.at[pl.ds(ch * CH, CH)]], st[1], st[4]).wait()

    for ph in range(NPH):
        pltpu.sync_copy(src_hbm.at[w, ph], sidx_all)
        pltpu.sync_copy(dst_hbm.at[w, ph], didx_all)

        issue_a(0, sets[0])
        issue_b(0, sets[0])
        issue_a(1, sets[1])
        issue_b(1, sets[1])

        def iter3(i, carry):
            for k in range(3):
                ar, br, di, ga, gb, sc = sets[k]
                ch = 3 * i + k
                j = (k + 2) % 3
                brj, dij, scj = sets[j][1], sets[j][2], sets[j][5]

                @pl.when(ch + 2 < tpw2)
                def _():
                    issue_a(ch + 2, sets[j])

                gwait(ch, sets[k])

                for cc in range(isl):
                    di[pl.ds(cc * LANES, LANES)] = (
                        didx_all[pl.ds(ch * CH + cc * LANES, LANES)])

                def row(r, carry2):
                    for cc in range(nsl):
                        sl = pl.ds(cc * LANES, LANES)
                        br[r, sl] = jnp.maximum(ar[r, sl] + br[r, sl], 0.0)
                    return carry2

                lax.fori_loop(0, CH, row, 0)
                pltpu.async_copy(br, acc.at[di], sc, add=True)

                @pl.when(ch > 0)
                def _():
                    pltpu.make_async_copy(brj, acc.at[dij], scj).wait()

                @pl.when(ch + 2 < tpw2)
                def _():
                    issue_b(ch + 2, sets[j])
            return carry

        lax.fori_loop(0, tpw2 // 3, iter3, 0)
        pltpu.make_async_copy(
            sets[2][1], acc.at[sets[2][2]], sets[2][5]).wait()

    plsc.subcore_barrier()
    pltpu.sync_copy(acc.at[pl.ds(rbase, rpt)],
                    out_hbm.at[c].at[pl.ds(rbase, rpt)])


def kernel(x, pos, Wh1, bh1, Wh2, bh2, Wf, bf, Wg1, bg1, Wg2, bg2, edge_index):
    n, d = x.shape
    e = edge_index.shape[1]
    npad = ((n + NS * ZR - 1) // (NS * ZR)) * (NS * ZR)
    tpw = (e + NW * CH - 1) // (NW * CH)
    tpw = ((tpw + 3 * NPH - 1) // (3 * NPH)) * (3 * NPH)
    tpw2 = tpw // NPH
    epad = NW * CH * tpw

    xp = jnp.pad(x, ((0, npad - n), (0, 0)))
    posp = jnp.pad(pos, ((0, npad - n), (0, d - pos.shape[1])))
    wfp = jnp.pad(Wf[:3], ((0, d - 3), (0, 0)))
    wfx = Wf[3:]
    wh2p = jnp.pad(Wh2, ((0, 0), (0, d - Wh2.shape[1])))
    bh2p = jnp.pad(bh2, (0, d - bh2.shape[0])).reshape(1, d)
    bh1r = bh1.reshape(1, d)
    bfr = bf.reshape(1, d)
    bg1r = bg1.reshape(1, -1)
    bg2r = bg2.reshape(1, -1)
    src = jnp.pad(edge_index[0], (0, epad - e)).reshape(NW, NPH, tpw2 * CH)
    dst = jnp.pad(edge_index[1], (0, epad - e),
                  constant_values=n).reshape(NW, NPH, tpw2 * CH)

    grid1 = (npad // RB,)
    row_spec = pl.BlockSpec((RB, d), lambda i: (i, 0))
    w_spec = pl.BlockSpec((d, d), lambda i: (0, 0))
    bias_spec = pl.BlockSpec((1, d), lambda i: (0, 0))
    a_tab, b_tab = pl.pallas_call(
        _prologue_body,
        grid=grid1,
        in_specs=[row_spec, row_spec, w_spec, bias_spec, w_spec, bias_spec,
                  w_spec, w_spec, bias_spec],
        out_specs=[row_spec, row_spec],
        out_shape=[jax.ShapeDtypeStruct((npad, d), jnp.float32)] * 2,
    )(xp, posp, Wh1, bh1r, wh2p, bh2p, wfx, wfp, bfr)

    mesh = plsc.VectorSubcoreMesh(core_axis_name="c", subcore_axis_name="s",
                                  num_cores=NC, num_subcores=NS)
    sc_edge = functools.partial(
        pl.kernel,
        out_type=jax.ShapeDtypeStruct((NC, npad, d), jnp.float32),
        mesh=mesh,
        scratch_types=(
            [pltpu.VMEM((tpw2 * CH,), jnp.int32)] * 2
            + [pltpu.VMEM((CH, d), jnp.float32)] * 6
            + [pltpu.VMEM((CH,), jnp.int32)] * 3
            + [pltpu.VMEM_SHARED((npad, d), jnp.float32)]
            + [pltpu.SemaphoreType.DMA] * 9
        ),
    )(functools.partial(_sc_edge_body, npad, tpw2))
    parts = sc_edge(a_tab, b_tab, src, dst)

    rbe = 1000 if n % 1000 == 0 else RB
    grid3 = ((n + rbe - 1) // rbe,)
    parts_spec = pl.BlockSpec((NC, rbe, d), lambda i: (0, i, 0))
    row_spec_e = pl.BlockSpec((rbe, d), lambda i: (i, 0))
    out = pl.pallas_call(
        _epilogue_body,
        grid=grid3,
        in_specs=[parts_spec, row_spec_e, w_spec, bias_spec, w_spec,
                  bias_spec],
        out_specs=row_spec_e,
        out_shape=jax.ShapeDtypeStruct((n, d), jnp.float32),
    )(parts, x, Wg1, bg1r, Wg2, bg2r)
    return out

# --- scband reference (transcript-rebuilt; emitter-appended) ---
"""Pipeline reference for scband-block-67989332296091 (READ-ONLY COPY).

The authoritative reference and input builder live on the scoring server;
editing this copy changes nothing except your own understanding.
"""

import jax, jax.numpy as jnp
import numpy as np

N = 10000
E = 320000
D = 128
DOUT = 128


def _init_linear(key, fan_in, fan_out):
    k1, k2 = jax.random.split(key)
    bound = 1.0 / np.sqrt(fan_in)
    W = jax.random.uniform(k1, (fan_in, fan_out), jnp.float32, -bound, bound)
    b = jax.random.uniform(k2, (fan_out,), jnp.float32, -bound, bound)
    return W, b


def setup_inputs(seed: int = 0) -> dict:
    key = jax.random.key(seed)
    ks = jax.random.split(key, 10)
    x = jax.random.normal(ks[0], (N, D), jnp.float32)
    pos = jax.random.normal(ks[1], (N, 3), jnp.float32)
    edge_index = jax.random.randint(ks[2], (2, E), 0, N, jnp.int32)
    # mlp_h: Linear(D, D) -> ReLU -> Linear(D, 3) -> Tanh
    Wh1, bh1 = _init_linear(ks[3], D, D)
    Wh2, bh2 = _init_linear(ks[4], D, 3)
    # mlp_f: Linear(D + 3, DOUT) -> ReLU
    Wf, bf = _init_linear(ks[5], D + 3, DOUT)
    # mlp_g: Linear(DOUT, DOUT) -> ReLU -> Linear(DOUT, D) -> ReLU
    Wg1, bg1 = _init_linear(ks[6], DOUT, DOUT)
    Wg2, bg2 = _init_linear(ks[7], DOUT, D)
    return {
        "x": x, "pos": pos,
        "Wh1": Wh1, "bh1": bh1, "Wh2": Wh2, "bh2": bh2,
        "Wf": Wf, "bf": bf,
        "Wg1": Wg1, "bg1": bg1, "Wg2": Wg2, "bg2": bg2,
        "edge_index": edge_index,
    }


def reference(x, pos, Wh1, bh1, Wh2, bh2, Wf, bf, Wg1, bg1, Wg2, bg2, edge_index):
    # PyG PointGNNConv semantics: edge_index[0]=src (j), edge_index[1]=dst (i)
    src = edge_index[0]
    dst = edge_index[1]
    x_i = jnp.take(x, dst, axis=0)
    x_j = jnp.take(x, src, axis=0)
    pos_i = jnp.take(pos, dst, axis=0)
    pos_j = jnp.take(pos, src, axis=0)
    # message: delta = mlp_h(x_i); e = cat([pos_j - pos_i + delta, x_j]); mlp_f(e)
    h = jax.nn.relu(x_i @ Wh1 + bh1)
    delta = jnp.tanh(h @ Wh2 + bh2)
    e = jnp.concatenate([pos_j - pos_i + delta, x_j], axis=-1)
    m = jax.nn.relu(e @ Wf + bf)
    # aggregate: sum over dst
    aggr = jax.ops.segment_sum(m, dst, num_segments=x.shape[0])
    # update: x + mlp_g(aggr)
    g = jax.nn.relu(aggr @ Wg1 + bg1)
    out = jax.nn.relu(g @ Wg2 + bg2)
    return x + out

if __name__ == "__main__":
    import jax
    _d = setup_inputs()
    print(jax.jit(kernel)(*tuple(_d.values())))

</pallas_src>

<mosaic_0001>
#map = affine_map<(d0, d1) -> (0, 0)>
#map1 = affine_map<(d0, d1) -> (0, 0, 0)>
module attributes {stable_mosaic.version = 14 : i64} {
  func.func @_sc_edge_body(%arg0: i32, %arg1: i32, %arg2: memref<10240x128xf32, #tpu.memory_space<hbm>>, %arg3: memref<10240x128xf32, #tpu.memory_space<hbm>>, %arg4: memref<32x2x5040xi32, #tpu.memory_space<hbm>>, %arg5: memref<32x2x5040xi32, #tpu.memory_space<hbm>>, %arg6: memref<2x10240x128xf32, #tpu.memory_space<hbm>>, %arg7: memref<5040xi32, #tpu.memory_space<vmem>>, %arg8: memref<5040xi32, #tpu.memory_space<vmem>>, %arg9: memref<48x128xf32, #tpu.memory_space<vmem>>, %arg10: memref<48x128xf32, #tpu.memory_space<vmem>>, %arg11: memref<48x128xf32, #tpu.memory_space<vmem>>, %arg12: memref<48x128xf32, #tpu.memory_space<vmem>>, %arg13: memref<48x128xf32, #tpu.memory_space<vmem>>, %arg14: memref<48x128xf32, #tpu.memory_space<vmem>>, %arg15: memref<48xi32, #tpu.memory_space<vmem>>, %arg16: memref<48xi32, #tpu.memory_space<vmem>>, %arg17: memref<48xi32, #tpu.memory_space<vmem>>, %arg18: memref<10240x128xf32, #tpu.memory_space<vmem_shared>>, %arg19: memref<!tpu.dma_semaphore, #tpu.memory_space<semaphore_mem>>, %arg20: memref<!tpu.dma_semaphore, #tpu.memory_space<semaphore_mem>>, %arg21: memref<!tpu.dma_semaphore, #tpu.memory_space<semaphore_mem>>, %arg22: memref<!tpu.dma_semaphore, #tpu.memory_space<semaphore_mem>>, %arg23: memref<!tpu.dma_semaphore, #tpu.memory_space<semaphore_mem>>, %arg24: memref<!tpu.dma_semaphore, #tpu.memory_space<semaphore_mem>>, %arg25: memref<!tpu.dma_semaphore, #tpu.memory_space<semaphore_mem>>, %arg26: memref<!tpu.dma_semaphore, #tpu.memory_space<semaphore_mem>>, %arg27: memref<!tpu.dma_semaphore, #tpu.memory_space<semaphore_mem>>) attributes {dimension_semantics = [#tpu.dimension_semantics<core_parallel>, #tpu.dimension_semantics<subcore_parallel>], iteration_bounds = array<i64: 2, 16>, scalar_prefetch = 0 : i64, scratch_operands = 21 : i64, tpu.core_type = #tpu.core_type<sc_vector_subcore>, window_params = [{transform_indices = #map}, {transform_indices = #map}, {transform_indices = #map1}, {transform_indices = #map1}, {transform_indices = #map1}]} {
    %mul3A = arith.constant 2 : i32
    %mul3A_0 = arith.muli %arg1, %mul3A : i32
    %add3A = arith.addi %mul3A_0, %arg0 : i32
    %broadcast_in_dim3A = arith.constant 0.000000e+00 : f32
    %broadcast_in_dim3A_1 = vector.broadcast %broadcast_in_dim3A : f32 to vector<16xf32>
    %scan3A = arith.constant 0 : i32
    %scan3A_2 = arith.constant 0 : i32
    %scan3A_3 = arith.constant 320 : i32
    %scan3A_4 = arith.addi %scan3A_2, %scan3A_3 : i32
    %scan3A_5 = arith.constant 1 : i32
    scf.for %scan3A_75 = %scan3A_2 to %scan3A_4 step %scan3A_5  : i32 {
      %jit3A = arith.constant 8 : i32
      %div3A = arith.divsi %scan3A_75, %jit3A : i32
      %sign3A = arith.constant 0 : i32
      %sign3A_76 = arith.cmpi sgt, %scan3A_75, %sign3A : i32
      %sign3A_77 = arith.extui %sign3A_76 : i1 to i32
      %sign3A_78 = arith.constant 0 : i32
      %sign3A_79 = arith.cmpi slt, %scan3A_75, %sign3A_78 : i32
      %sign3A_80 = arith.extui %sign3A_79 : i1 to i32
      %sign3A_81 = arith.subi %sign3A_77, %sign3A_80 : i32
      %sign3A_82 = arith.constant 0 : i32
      %sign3A_83 = arith.cmpi sgt, %jit3A, %sign3A_82 : i32
      %sign3A_84 = arith.extui %sign3A_83 : i1 to i32
      %sign3A_85 = arith.constant 0 : i32
      %sign3A_86 = arith.cmpi slt, %jit3A, %sign3A_85 : i32
      %sign3A_87 = arith.extui %sign3A_86 : i1 to i32
      %sign3A_88 = arith.subi %sign3A_84, %sign3A_87 : i32
      %ne3A = arith.cmpi ne, %sign3A_81, %sign3A_88 : i32
      %rem3A = arith.remsi %scan3A_75, %jit3A : i32
      %ne3A_89 = arith.constant 0 : i32
      %ne3A_90 = arith.cmpi ne, %rem3A, %ne3A_89 : i32
      %and3A = arith.andi %ne3A, %ne3A_90 : i1
      %sub3A = arith.constant 1 : i32
      %sub3A_91 = arith.subi %div3A, %sub3A : i32
      %select_n3A = arith.select %and3A, %sub3A_91, %div3A : i32
      %jit3A_92 = arith.constant 8 : i32
      %eq3A = arith.constant 0 : i32
      %eq3A_93 = arith.cmpi eq, %jit3A_92, %eq3A : i32
      %jit3A_94 = arith.constant 1 : i32
      %select_n3A_95 = arith.select %eq3A_93, %jit3A_94, %jit3A_92 : i32
      %rem3A_96 = arith.remsi %scan3A_75, %select_n3A_95 : i32
      %ne3A_97 = arith.constant 0 : i32
      %ne3A_98 = arith.cmpi ne, %rem3A_96, %ne3A_97 : i32
      %lt3A = arith.constant 0 : i32
      %lt3A_99 = arith.cmpi slt, %rem3A_96, %lt3A : i32
      %lt3A_100 = arith.constant 0 : i32
      %lt3A_101 = arith.cmpi slt, %select_n3A_95, %lt3A_100 : i32
      %ne3A_102 = arith.xori %lt3A_99, %lt3A_101 : i1
      %and3A_103 = arith.andi %ne3A_102, %ne3A_98 : i1
      %add3A_104 = arith.addi %rem3A_96, %select_n3A_95 : i32
      %select_n3A_105 = arith.select %and3A_103, %add3A_104, %rem3A_96 : i32
      %mul3A_106 = arith.constant 16 : i32
      %mul3A_107 = arith.muli %select_n3A_105, %mul3A_106 : i32
      %swap3A = arith.index_cast %select_n3A : i32 to index
      %swap3A_108 = arith.index_cast %mul3A_107 : i32 to index
      %swap3A_109 = tpu.vector_load %arg9[%swap3A, %swap3A_108] {strides = array<i32>} : memref<48x128xf32, #tpu.memory_space<vmem>>, vector<1x16xf32>,
      %swap3A_110 = vector.shape_cast %swap3A_109 : vector<1x16xf32> to vector<16xf32>
      %swap3A_111 = vector.shape_cast %broadcast_in_dim3A_1 : vector<16xf32> to vector<1x16xf32>
      tpu.vector_store %arg9[%swap3A, %swap3A_108], %swap3A_111 {strides = array<i32>} : memref<48x128xf32, #tpu.memory_space<vmem>>, vector<1x16xf32>,
    }
    %scan3A_6 = arith.constant 320 : i32
    %mul3A_7 = arith.constant 640 : i32
    %mul3A_8 = arith.muli %arg1, %mul3A_7 : i32
    %scan3A_9 = arith.constant 0 : i32
    %scan3A_10 = arith.constant 0 : i32
    %scan3A_11 = arith.constant 16 : i32
    %scan3A_12 = arith.addi %scan3A_10, %scan3A_11 : i32
    %scan3A_13 = arith.constant 1 : i32
    scf.for %scan3A_75 = %scan3A_10 to %scan3A_12 step %scan3A_13  : i32 {
      %mul3A_76 = arith.constant 40 : i32
      %mul3A_77 = arith.muli %scan3A_75, %mul3A_76 : i32
      %add3A_78 = arith.addi %mul3A_8, %mul3A_77 : i32
      "tpu.region"() ({
        %run_scoped3A_79 = tpu.sem_alloc : memref<!tpu.dma_semaphore, #tpu.memory_space<semaphore_mem>>
        %dma_start3A_80 = arith.constant 0 : i32
        %dma_start3A_81 = arith.constant 0 : i32
        %dma_start3A_82 = tpu.memref_slice %arg9[%dma_start3A_80, %dma_start3A_81] : memref<48x128xf32, #tpu.memory_space<vmem>> -> memref<40x128xf32, #tpu.memory_space<vmem>>
        %dma_start3A_83 = arith.constant 0 : i32
        %dma_start3A_84 = tpu.memref_slice %arg18[%add3A_78, %dma_start3A_83] : memref<10240x128xf32, #tpu.memory_space<vmem_shared>> -> memref<40x128xf32, #tpu.memory_space<vmem_shared>>
        %dma_start3A_85 = arith.constant 0 : i32
        %dma_start3A_86 = tpu.memref_slice %arg18[%add3A_78, %dma_start3A_85] : memref<10240x128xf32, #tpu.memory_space<vmem_shared>> -> memref<40x128xf32, #tpu.memory_space<vmem_shared>>
        %dma_start3A_87 = arith.constant 0 : i32
        %dma_start3A_88 = arith.constant 0 : i32
        %dma_start3A_89 = tpu.memref_slice %arg9[%dma_start3A_87, %dma_start3A_88] : memref<48x128xf32, #tpu.memory_space<vmem>> -> memref<40x128xf32, #tpu.memory_space<vmem>>
        tpu.enqueue_dma source(%dma_start3A_89 : memref<40x128xf32, #tpu.memory_space<vmem>>) target(%dma_start3A_86 : memref<40x128xf32, #tpu.memory_space<vmem_shared>>) target_semaphore(%run_scoped3A_79 : memref<!tpu.dma_semaphore, #tpu.memory_space<semaphore_mem>>)
        %dma_wait3A_90 = arith.constant 0 : i32
        %dma_wait3A_91 = arith.constant 0 : i32
        %dma_wait3A_92 = tpu.memref_slice %arg9[%dma_wait3A_90, %dma_wait3A_91] : memref<48x128xf32, #tpu.memory_space<vmem>> -> memref<40x128xf32, #tpu.memory_space<vmem>>
        %dma_wait3A_93 = arith.constant 0 : i32
        %dma_wait3A_94 = tpu.memref_slice %arg18[%add3A_78, %dma_wait3A_93] : memref<10240x128xf32, #tpu.memory_space<vmem_shared>> -> memref<40x128xf32, #tpu.memory_space<vmem_shared>>
        %dma_wait3A_95 = arith.constant 0 : i32
        %dma_wait3A_96 = tpu.memref_slice %arg18[%add3A_78, %dma_wait3A_95] : memref<10240x128xf32, #tpu.memory_space<vmem_shared>> -> memref<40x128xf32, #tpu.memory_space<vmem_shared>>
        %dma_wait3A_97 = arith.constant 0 : i32
        %dma_wait3A_98 = arith.constant 0 : i32
        %dma_wait3A_99 = tpu.memref_slice %arg9[%dma_wait3A_97, %dma_wait3A_98] : memref<48x128xf32, #tpu.memory_space<vmem>> -> memref<40x128xf32, #tpu.memory_space<vmem>>
        tpu.wait_dma2 semaphore(%run_scoped3A_79 : memref<!tpu.dma_semaphore, #tpu.memory_space<semaphore_mem>>) src(%dma_wait3A_99 : memref<40x128xf32, #tpu.memory_space<vmem>>) dst(%dma_wait3A_96 : memref<40x128xf32, #tpu.memory_space<vmem_shared>>)
        tpu.yield
      }) : () -> ()
    }
    %scan3A_14 = arith.constant 16 : i32
    %barrier3A = arith.constant 0 : index
    tpu.barrier barrier_id(%barrier3A)
    %run_scoped3A = arith.constant 0 : i32
    "tpu.region"() ({
      %run_scoped3A_75 = tpu.sem_alloc : memref<!tpu.dma_semaphore, #tpu.memory_space<semaphore_mem>>
      %dma_start3A_76 = arith.constant 0 : i32
      %dma_start3A_77 = tpu.memref_slice %arg4[%add3A, %run_scoped3A, %dma_start3A_76] : memref<32x2x5040xi32, #tpu.memory_space<hbm>> -> memref<1x1x5040xi32, #tpu.memory_space<hbm>>
      %dma_start3A_78 = tpu.memref_squeeze %dma_start3A_77 : memref<1x1x5040xi32, #tpu.memory_space<hbm>> -> memref<5040xi32, #tpu.memory_space<hbm>>
      %dma_start3A_79 = arith.constant 0 : i32
      %dma_start3A_80 = tpu.memref_slice %arg4[%add3A, %run_scoped3A, %dma_start3A_79] : memref<32x2x5040xi32, #tpu.memory_space<hbm>> -> memref<1x1x5040xi32, #tpu.memory_space<hbm>>
      %dma_start3A_81 = tpu.memref_squeeze %dma_start3A_80 : memref<1x1x5040xi32, #tpu.memory_space<hbm>> -> memref<5040xi32, #tpu.memory_space<hbm>>
      tpu.enqueue_dma source(%dma_start3A_81 : memref<5040xi32, #tpu.memory_space<hbm>>) target(%arg7 : memref<5040xi32, #tpu.memory_space<vmem>>) target_semaphore(%run_scoped3A_75 : memref<!tpu.dma_semaphore, #tpu.memory_space<semaphore_mem>>)
      %dma_wait3A_82 = arith.constant 0 : i32
      %dma_wait3A_83 = tpu.memref_slice %arg4[%add3A, %run_scoped3A, %dma_wait3A_82] : memref<32x2x5040xi32, #tpu.memory_space<hbm>> -> memref<1x1x5040xi32, #tpu.memory_space<hbm>>
      %dma_wait3A_84 = tpu.memref_squeeze %dma_wait3A_83 : memref<1x1x5040xi32, #tpu.memory_space<hbm>> -> memref<5040xi32, #tpu.memory_space<hbm>>
      %dma_wait3A_85 = arith.constant 0 : i32
      %dma_wait3A_86 = tpu.memref_slice %arg4[%add3A, %run_scoped3A, %dma_wait3A_85] : memref<32x2x5040xi32, #tpu.memory_space<hbm>> -> memref<1x1x5040xi32, #tpu.memory_space<hbm>>
      %dma_wait3A_87 = tpu.memref_squeeze %dma_wait3A_86 : memref<1x1x5040xi32, #tpu.memory_space<hbm>> -> memref<5040xi32, #tpu.memory_space<hbm>>
      tpu.wait_dma2 semaphore(%run_scoped3A_75 : memref<!tpu.dma_semaphore, #tpu.memory_space<semaphore_mem>>) src(%dma_wait3A_87 : memref<5040xi32, #tpu.memory_space<hbm>>) dst(%arg7 : memref<5040xi32, #tpu.memory_space<vmem>>)
      tpu.yield
    }) : () -> ()
    %run_scoped3A_15 = arith.constant 0 : i32
    "tpu.region"() ({
      %run_scoped3A_75 = tpu.sem_alloc : memref<!tpu.dma_semaphore, #tpu.memory_space<semaphore_mem>>
      %dma_start3A_76 = arith.constant 0 : i32
      %dma_start3A_77 = tpu.memref_slice %arg5[%add3A, %run_scoped3A_15, %dma_start3A_76] : memref<32x2x5040xi32, #tpu.memory_space<hbm>> -> memref<1x1x5040xi32, #tpu.memory_space<hbm>>
      %dma_start3A_78 = tpu.memref_squeeze %dma_start3A_77 : memref<1x1x5040xi32, #tpu.memory_space<hbm>> -> memref<5040xi32, #tpu.memory_space<hbm>>
      %dma_start3A_79 = arith.constant 0 : i32
      %dma_start3A_80 = tpu.memref_slice %arg5[%add3A, %run_scoped3A_15, %dma_start3A_79] : memref<32x2x5040xi32, #tpu.memory_space<hbm>> -> memref<1x1x5040xi32, #tpu.memory_space<hbm>>
      %dma_start3A_81 = tpu.memref_squeeze %dma_start3A_80 : memref<1x1x5040xi32, #tpu.memory_space<hbm>> -> memref<5040xi32, #tpu.memory_space<hbm>>
      tpu.enqueue_dma source(%dma_start3A_81 : memref<5040xi32, #tpu.memory_space<hbm>>) target(%arg8 : memref<5040xi32, #tpu.memory_space<vmem>>) target_semaphore(%run_scoped3A_75 : memref<!tpu.dma_semaphore, #tpu.memory_space<semaphore_mem>>)
      %dma_wait3A_82 = arith.constant 0 : i32
      %dma_wait3A_83 = tpu.memref_slice %arg5[%add3A, %run_scoped3A_15, %dma_wait3A_82] : memref<32x2x5040xi32, #tpu.memory_space<hbm>> -> memref<1x1x5040xi32, #tpu.memory_space<hbm>>
      %dma_wait3A_84 = tpu.memref_squeeze %dma_wait3A_83 : memref<1x1x5040xi32, #tpu.memory_space<hbm>> -> memref<5040xi32, #tpu.memory_space<hbm>>
      %dma_wait3A_85 = arith.constant 0 : i32
      %dma_wait3A_86 = tpu.memref_slice %arg5[%add3A, %run_scoped3A_15, %dma_wait3A_85] : memref<32x2x5040xi32, #tpu.memory_space<hbm>> -> memref<1x1x5040xi32, #tpu.memory_space<hbm>>
      %dma_wait3A_87 = tpu.memref_squeeze %dma_wait3A_86 : memref<1x1x5040xi32, #tpu.memory_space<hbm>> -> memref<5040xi32, #tpu.memory_space<hbm>>
      tpu.wait_dma2 semaphore(%run_scoped3A_75 : memref<!tpu.dma_semaphore, #tpu.memory_space<semaphore_mem>>) src(%dma_wait3A_87 : memref<5040xi32, #tpu.memory_space<hbm>>) dst(%arg8 : memref<5040xi32, #tpu.memory_space<vmem>>)
      tpu.yield
    }) : () -> ()
    %dma_start3A = arith.constant 0 : i32
    %dma_start3A_16 = tpu.memref_slice %arg7[%dma_start3A] : memref<5040xi32, #tpu.memory_space<vmem>> -> memref<48xi32, #tpu.memory_space<vmem>>
    %dma_start3A_17 = arith.constant 0 : i32
    %dma_start3A_18 = arith.constant 0 : i32
    %dma_start3A_19 = tpu.memref_slice %arg2[%dma_start3A_17, %dma_start3A_18] : memref<10240x128xf32, #tpu.memory_space<hbm>> -> memref<10240x128xf32, #tpu.memory_space<hbm>>
    tpu.enqueue_indirect_dma source(%dma_start3A_19 : memref<10240x128xf32, #tpu.memory_space<hbm>>) target(%arg9 : memref<48x128xf32, #tpu.memory_space<vmem>>) offsets(%dma_start3A_16 : memref<48xi32, #tpu.memory_space<vmem>>) semaphore(%arg19 : memref<!tpu.dma_semaphore, #tpu.memory_space<semaphore_mem>>)
    %dma_start3A_20 = arith.constant 0 : i32
    %dma_start3A_21 = tpu.memref_slice %arg8[%dma_start3A_20] : memref<5040xi32, #tpu.memory_space<vmem>> -> memref<48xi32, #tpu.memory_space<vmem>>
    %dma_start3A_22 = arith.constant 0 : i32
    %dma_start3A_23 = arith.constant 0 : i32
    %dma_start3A_24 = tpu.memref_slice %arg3[%dma_start3A_22, %dma_start3A_23] : memref<10240x128xf32, #tpu.memory_space<hbm>> -> memref<10240x128xf32, #tpu.memory_space<hbm>>
    tpu.enqueue_indirect_dma source(%dma_start3A_24 : memref<10240x128xf32, #tpu.memory_space<hbm>>) target(%arg10 : memref<48x128xf32, #tpu.memory_space<vmem>>) offsets(%dma_start3A_21 : memref<48xi32, #tpu.memory_space<vmem>>) semaphore(%arg20 : memref<!tpu.dma_semaphore, #tpu.memory_space<semaphore_mem>>)
    %dma_start3A_25 = arith.constant 48 : i32
    %dma_start3A_26 = tpu.memref_slice %arg7[%dma_start3A_25] : memref<5040xi32, #tpu.memory_space<vmem>> -> memref<48xi32, #tpu.memory_space<vmem>>
    %dma_start3A_27 = arith.constant 0 : i32
    %dma_start3A_28 = arith.constant 0 : i32
    %dma_start3A_29 = tpu.memref_slice %arg2[%dma_start3A_27, %dma_start3A_28] : memref<10240x128xf32, #tpu.memory_space<hbm>> -> memref<10240x128xf32, #tpu.memory_space<hbm>>
    tpu.enqueue_indirect_dma source(%dma_start3A_29 : memref<10240x128xf32, #tpu.memory_space<hbm>>) target(%arg11 : memref<48x128xf32, #tpu.memory_space<vmem>>) offsets(%dma_start3A_26 : memref<48xi32, #tpu.memory_space<vmem>>) semaphore(%arg21 : memref<!tpu.dma_semaphore, #tpu.memory_space<semaphore_mem>>)
    %dma_start3A_30 = arith.constant 48 : i32
    %dma_start3A_31 = tpu.memref_slice %arg8[%dma_start3A_30] : memref<5040xi32, #tpu.memory_space<vmem>> -> memref<48xi32, #tpu.memory_space<vmem>>
    %dma_start3A_32 = arith.constant 0 : i32
    %dma_start3A_33 = arith.constant 0 : i32
    %dma_start3A_34 = tpu.memref_slice %arg3[%dma_start3A_32, %dma_start3A_33] : memref<10240x128xf32, #tpu.memory_space<hbm>> -> memref<10240x128xf32, #tpu.memory_space<hbm>>
    tpu.enqueue_indirect_dma source(%dma_start3A_34 : memref<10240x128xf32, #tpu.memory_space<hbm>>) target(%arg12 : memref<48x128xf32, #tpu.memory_space<vmem>>) offsets(%dma_start3A_31 : memref<48xi32, #tpu.memory_space<vmem>>) semaphore(%arg22 : memref<!tpu.dma_semaphore, #tpu.memory_space<semaphore_mem>>)
    %scan3A_35 = arith.constant 0 : i32
    %scan3A_36 = arith.constant 0 : i32
    %scan3A_37 = arith.constant 35 : i32
    %scan3A_38 = arith.addi %scan3A_36, %scan3A_37 : i32
    %scan3A_39 = arith.constant 1 : i32
    scf.for %scan3A_75 = %scan3A_36 to %scan3A_38 step %scan3A_39  : i32 {
      %mul3A_76 = arith.constant 3 : i32
      %mul3A_77 = arith.muli %mul3A_76, %scan3A_75 : i32
      %add3A_78 = arith.constant 0 : i32
      %add3A_79 = arith.addi %mul3A_77, %add3A_78 : i32
      %add3A_80 = arith.constant 2 : i32
      %add3A_81 = arith.addi %add3A_79, %add3A_80 : i32
      %lt3A = arith.constant 105 : i32
      %lt3A_82 = arith.cmpi slt, %add3A_81, %lt3A : i32
      %convert_element_type3A = arith.extui %lt3A_82 : i1 to i32
      %cond3A = arith.constant 0 : i32
      %cond3A_83 = arith.cmpi ne, %convert_element_type3A, %cond3A : i32
      scf.if %cond3A_83 {
        %add3A_301 = arith.constant 2 : i32
        %add3A_302 = arith.addi %add3A_79, %add3A_301 : i32
        %mul3A_303 = arith.constant 48 : i32
        %mul3A_304 = arith.muli %add3A_302, %mul3A_303 : i32
        %dma_start3A_305 = tpu.memref_slice %arg7[%mul3A_304] : memref<5040xi32, #tpu.memory_space<vmem>> -> memref<48xi32, #tpu.memory_space<vmem>>
        %dma_start3A_306 = arith.constant 0 : i32
        %dma_start3A_307 = arith.constant 0 : i32
        %dma_start3A_308 = tpu.memref_slice %arg2[%dma_start3A_306, %dma_start3A_307] : memref<10240x128xf32, #tpu.memory_space<hbm>> -> memref<10240x128xf32, #tpu.memory_space<hbm>>
        tpu.enqueue_indirect_dma source(%dma_start3A_308 : memref<10240x128xf32, #tpu.memory_space<hbm>>) target(%arg13 : memref<48x128xf32, #tpu.memory_space<vmem>>) offsets(%dma_start3A_305 : memref<48xi32, #tpu.memory_space<vmem>>) semaphore(%arg23 : memref<!tpu.dma_semaphore, #tpu.memory_space<semaphore_mem>>)
      } else {
      }
      %mul3A_84 = arith.constant 48 : i32
      %mul3A_85 = arith.muli %add3A_79, %mul3A_84 : i32
      %dma_wait3A_86 = tpu.memref_slice %arg7[%mul3A_85] : memref<5040xi32, #tpu.memory_space<vmem>> -> memref<48xi32, #tpu.memory_space<vmem>>
      %dma_wait3A_87 = arith.constant 0 : i32
      %dma_wait3A_88 = arith.constant 0 : i32
      %dma_wait3A_89 = tpu.memref_slice %arg2[%dma_wait3A_87, %dma_wait3A_88] : memref<10240x128xf32, #tpu.memory_space<hbm>> -> memref<10240x128xf32, #tpu.memory_space<hbm>>
      tpu.wait_indirect_dma semaphore(%arg19 : memref<!tpu.dma_semaphore, #tpu.memory_space<semaphore_mem>>) src(%dma_wait3A_89 : memref<10240x128xf32, #tpu.memory_space<hbm>>) dst(%arg9 : memref<48x128xf32, #tpu.memory_space<vmem>>)
      %mul3A_90 = arith.constant 48 : i32
      %mul3A_91 = arith.muli %add3A_79, %mul3A_90 : i32
      %dma_wait3A_92 = tpu.memref_slice %arg8[%mul3A_91] : memref<5040xi32, #tpu.memory_space<vmem>> -> memref<48xi32, #tpu.memory_space<vmem>>
      %dma_wait3A_93 = arith.constant 0 : i32
      %dma_wait3A_94 = arith.constant 0 : i32
      %dma_wait3A_95 = tpu.memref_slice %arg3[%dma_wait3A_93, %dma_wait3A_94] : memref<10240x128xf32, #tpu.memory_space<hbm>> -> memref<10240x128xf32, #tpu.memory_space<hbm>>
      tpu.wait_indirect_dma semaphore(%arg20 : memref<!tpu.dma_semaphore, #tpu.memory_space<semaphore_mem>>) src(%dma_wait3A_95 : memref<10240x128xf32, #tpu.memory_space<hbm>>) dst(%arg10 : memref<48x128xf32, #tpu.memory_space<vmem>>)
      %mul3A_96 = arith.constant 48 : i32
      %mul3A_97 = arith.muli %add3A_79, %mul3A_96 : i32
      %add3A_98 = arith.constant 0 : i32
      %add3A_99 = arith.addi %mul3A_97, %add3A_98 : i32
      %get3A = arith.index_cast %add3A_99 : i32 to index
      %get3A_100 = tpu.vector_load %arg8[%get3A] {strides = array<i32>} : memref<5040xi32, #tpu.memory_space<vmem>>, vector<16xi32>,
      %get3A_101 = vector.shape_cast %get3A_100 : vector<16xi32> to vector<16xi32>
      %swap3A = arith.constant 0 : index
      %swap3A_102 = tpu.vector_load %arg15[%swap3A] {strides = array<i32>} : memref<48xi32, #tpu.memory_space<vmem>>, vector<16xi32>,
      %swap3A_103 = vector.shape_cast %swap3A_102 : vector<16xi32> to vector<16xi32>
      %swap3A_104 = vector.shape_cast %get3A_101 : vector<16xi32> to vector<16xi32>
      tpu.vector_store %arg15[%swap3A], %swap3A_104 {strides = array<i32>} : memref<48xi32, #tpu.memory_space<vmem>>, vector<16xi32>,
      %mul3A_105 = arith.constant 48 : i32
      %mul3A_106 = arith.muli %add3A_79, %mul3A_105 : i32
      %add3A_107 = arith.constant 16 : i32
      %add3A_108 = arith.addi %mul3A_106, %add3A_107 : i32
      %get3A_109 = arith.index_cast %add3A_108 : i32 to index
      %get3A_110 = tpu.vector_load %arg8[%get3A_109] {strides = array<i32>} : memref<5040xi32, #tpu.memory_space<vmem>>, vector<16xi32>,
      %get3A_111 = vector.shape_cast %get3A_110 : vector<16xi32> to vector<16xi32>
      %swap3A_112 = arith.constant 16 : index
      %swap3A_113 = tpu.vector_load %arg15[%swap3A_112] {strides = array<i32>} : memref<48xi32, #tpu.memory_space<vmem>>, vector<16xi32>,
      %swap3A_114 = vector.shape_cast %swap3A_113 : vector<16xi32> to vector<16xi32>
      %swap3A_115 = vector.shape_cast %get3A_111 : vector<16xi32> to vector<16xi32>
      tpu.vector_store %arg15[%swap3A_112], %swap3A_115 {strides = array<i32>} : memref<48xi32, #tpu.memory_space<vmem>>, vector<16xi32>,
      %mul3A_116 = arith.constant 48 : i32
      %mul3A_117 = arith.muli %add3A_79, %mul3A_116 : i32
      %add3A_118 = arith.constant 32 : i32
      %add3A_119 = arith.addi %mul3A_117, %add3A_118 : i32
      %get3A_120 = arith.index_cast %add3A_119 : i32 to index
      %get3A_121 = tpu.vector_load %arg8[%get3A_120] {strides = array<i32>} : memref<5040xi32, #tpu.memory_space<vmem>>, vector<16xi32>,
      %get3A_122 = vector.shape_cast %get3A_121 : vector<16xi32> to vector<16xi32>
      %swap3A_123 = arith.constant 32 : index
      %swap3A_124 = tpu.vector_load %arg15[%swap3A_123] {strides = array<i32>} : memref<48xi32, #tpu.memory_space<vmem>>, vector<16xi32>,
      %swap3A_125 = vector.shape_cast %swap3A_124 : vector<16xi32> to vector<16xi32>
      %swap3A_126 = vector.shape_cast %get3A_122 : vector<16xi32> to vector<16xi32>
      tpu.vector_store %arg15[%swap3A_123], %swap3A_126 {strides = array<i32>} : memref<48xi32, #tpu.memory_space<vmem>>, vector<16xi32>,
      %scan3A_127 = arith.constant 0 : i32
      %scan3A_128 = arith.constant 0 : i32
      %scan3A_129 = arith.constant 48 : i32
      %scan3A_130 = arith.addi %scan3A_128, %scan3A_129 : i32
      %scan3A_131 = arith.constant 1 : i32
      scf.for %scan3A_301 = %scan3A_128 to %scan3A_130 step %scan3A_131  : i32 {
        %get3A_302 = arith.index_cast %scan3A_301 : i32 to index
        %get3A_303 = arith.constant 0 : index
        %get3A_304 = tpu.vector_load %arg9[%get3A_302, %get3A_303] {strides = array<i32>} : memref<48x128xf32, #tpu.memory_space<vmem>>, vector<1x16xf32>,
        %get3A_305 = vector.shape_cast %get3A_304 : vector<1x16xf32> to vector<16xf32>
        %get3A_306 = arith.index_cast %scan3A_301 : i32 to index
        %get3A_307 = arith.constant 0 : index
        %get3A_308 = tpu.vector_load %arg10[%get3A_306, %get3A_307] {strides = array<i32>} : memref<48x128xf32, #tpu.memory_space<vmem>>, vector<1x16xf32>,
        %get3A_309 = vector.shape_cast %get3A_308 : vector<1x16xf32> to vector<16xf32>
        %add3A_310 = arith.addf %get3A_305, %get3A_309 : vector<16xf32>
        %max3A = arith.constant 0.000000e+00 : f32
        %max3A_311 = vector.broadcast %max3A : f32 to vector<16xf32>
        %max3A_312 = arith.maximumf %add3A_310, %max3A_311 : vector<16xf32>
        %swap3A_313 = arith.index_cast %scan3A_301 : i32 to index
        %swap3A_314 = arith.constant 0 : index
        %swap3A_315 = tpu.vector_load %arg10[%swap3A_313, %swap3A_314] {strides = array<i32>} : memref<48x128xf32, #tpu.memory_space<vmem>>, vector<1x16xf32>,
        %swap3A_316 = vector.shape_cast %swap3A_315 : vector<1x16xf32> to vector<16xf32>
        %swap3A_317 = vector.shape_cast %max3A_312 : vector<16xf32> to vector<1x16xf32>
        tpu.vector_store %arg10[%swap3A_313, %swap3A_314], %swap3A_317 {strides = array<i32>} : memref<48x128xf32, #tpu.memory_space<vmem>>, vector<1x16xf32>,
        %get3A_318 = arith.index_cast %scan3A_301 : i32 to index
        %get3A_319 = arith.constant 16 : index
        %get3A_320 = tpu.vector_load %arg9[%get3A_318, %get3A_319] {strides = array<i32>} : memref<48x128xf32, #tpu.memory_space<vmem>>, vector<1x16xf32>,
        %get3A_321 = vector.shape_cast %get3A_320 : vector<1x16xf32> to vector<16xf32>
        %get3A_322 = arith.index_cast %scan3A_301 : i32 to index
        %get3A_323 = arith.constant 16 : index
        %get3A_324 = tpu.vector_load %arg10[%get3A_322, %get3A_323] {strides = array<i32>} : memref<48x128xf32, #tpu.memory_space<vmem>>, vector<1x16xf32>,
        %get3A_325 = vector.shape_cast %get3A_324 : vector<1x16xf32> to vector<16xf32>
        %add3A_326 = arith.addf %get3A_321, %get3A_325 : vector<16xf32>
        %max3A_327 = arith.constant 0.000000e+00 : f32
        %max3A_328 = vector.broadcast %max3A_327 : f32 to vector<16xf32>
        %max3A_329 = arith.maximumf %add3A_326, %max3A_328 : vector<16xf32>
        %swap3A_330 = arith.index_cast %scan3A_301 : i32 to index
        %swap3A_331 = arith.constant 16 : index
        %swap3A_332 = tpu.vector_load %arg10[%swap3A_330, %swap3A_331] {strides = array<i32>} : memref<48x128xf32, #tpu.memory_space<vmem>>, vector<1x16xf32>,
        %swap3A_333 = vector.shape_cast %swap3A_332 : vector<1x16xf32> to vector<16xf32>
        %swap3A_334 = vector.shape_cast %max3A_329 : vector<16xf32> to vector<1x16xf32>
        tpu.vector_store %arg10[%swap3A_330, %swap3A_331], %swap3A_334 {strides = array<i32>} : memref<48x128xf32, #tpu.memory_space<vmem>>, vector<1x16xf32>,
        %get3A_335 = arith.index_cast %scan3A_301 : i32 to index
        %get3A_336 = arith.constant 32 : index
        %get3A_337 = tpu.vector_load %arg9[%get3A_335, %get3A_336] {strides = array<i32>} : memref<48x128xf32, #tpu.memory_space<vmem>>, vector<1x16xf32>,
        %get3A_338 = vector.shape_cast %get3A_337 : vector<1x16xf32> to vector<16xf32>
        %get3A_339 = arith.index_cast %scan3A_301 : i32 to index
        %get3A_340 = arith.constant 32 : index
        %get3A_341 = tpu.vector_load %arg10[%get3A_339, %get3A_340] {strides = array<i32>} : memref<48x128xf32, #tpu.memory_space<vmem>>, vector<1x16xf32>,
        %get3A_342 = vector.shape_cast %get3A_341 : vector<1x16xf32> to vector<16xf32>
        %add3A_343 = arith.addf %get3A_338, %get3A_342 : vector<16xf32>
        %max3A_344 = arith.constant 0.000000e+00 : f32
        %max3A_345 = vector.broadcast %max3A_344 : f32 to vector<16xf32>
        %max3A_346 = arith.maximumf %add3A_343, %max3A_345 : vector<16xf32>
        %swap3A_347 = arith.index_cast %scan3A_301 : i32 to index
        %swap3A_348 = arith.constant 32 : index
        %swap3A_349 = tpu.vector_load %arg10[%swap3A_347, %swap3A_348] {strides = array<i32>} : memref<48x128xf32, #tpu.memory_space<vmem>>, vector<1x16xf32>,
        %swap3A_350 = vector.shape_cast %swap3A_349 : vector<1x16xf32> to vector<16xf32>
        %swap3A_351 = vector.shape_cast %max3A_346 : vector<16xf32> to vector<1x16xf32>
        tpu.vector_store %arg10[%swap3A_347, %swap3A_348], %swap3A_351 {strides = array<i32>} : memref<48x128xf32, #tpu.memory_space<vmem>>, vector<1x16xf32>,
        %get3A_352 = arith.index_cast %scan3A_301 : i32 to index
        %get3A_353 = arith.constant 48 : index
        %get3A_354 = tpu.vector_load %arg9[%get3A_352, %get3A_353] {strides = array<i32>} : memref<48x128xf32, #tpu.memory_space<vmem>>, vector<1x16xf32>,
        %get3A_355 = vector.shape_cast %get3A_354 : vector<1x16xf32> to vector<16xf32>
        %get3A_356 = arith.index_cast %scan3A_301 : i32 to index
        %get3A_357 = arith.constant 48 : index
        %get3A_358 = tpu.vector_load %arg10[%get3A_356, %get3A_357] {strides = array<i32>} : memref<48x128xf32, #tpu.memory_space<vmem>>, vector<1x16xf32>,
        %get3A_359 = vector.shape_cast %get3A_358 : vector<1x16xf32> to vector<16xf32>
        %add3A_360 = arith.addf %get3A_355, %get3A_359 : vector<16xf32>
        %max3A_361 = arith.constant 0.000000e+00 : f32
        %max3A_362 = vector.broadcast %max3A_361 : f32 to vector<16xf32>
        %max3A_363 = arith.maximumf %add3A_360, %max3A_362 : vector<16xf32>
        %swap3A_364 = arith.index_cast %scan3A_301 : i32 to index
        %swap3A_365 = arith.constant 48 : index
        %swap3A_366 = tpu.vector_load %arg10[%swap3A_364, %swap3A_365] {strides = array<i32>} : memref<48x128xf32, #tpu.memory_space<vmem>>, vector<1x16xf32>,
        %swap3A_367 = vector.shape_cast %swap3A_366 : vector<1x16xf32> to vector<16xf32>
        %swap3A_368 = vector.shape_cast %max3A_363 : vector<16xf32> to vector<1x16xf32>
        tpu.vector_store %arg10[%swap3A_364, %swap3A_365], %swap3A_368 {strides = array<i32>} : memref<48x128xf32, #tpu.memory_space<vmem>>, vector<1x16xf32>,
        %get3A_369 = arith.index_cast %scan3A_301 : i32 to index
        %get3A_370 = arith.constant 64 : index
        %get3A_371 = tpu.vector_load %arg9[%get3A_369, %get3A_370] {strides = array<i32>} : memref<48x128xf32, #tpu.memory_space<vmem>>, vector<1x16xf32>,
        %get3A_372 = vector.shape_cast %get3A_371 : vector<1x16xf32> to vector<16xf32>
        %get3A_373 = arith.index_cast %scan3A_301 : i32 to index
        %get3A_374 = arith.constant 64 : index
        %get3A_375 = tpu.vector_load %arg10[%get3A_373, %get3A_374] {strides = array<i32>} : memref<48x128xf32, #tpu.memory_space<vmem>>, vector<1x16xf32>,
        %get3A_376 = vector.shape_cast %get3A_375 : vector<1x16xf32> to vector<16xf32>
        %add3A_377 = arith.addf %get3A_372, %get3A_376 : vector<16xf32>
        %max3A_378 = arith.constant 0.000000e+00 : f32
        %max3A_379 = vector.broadcast %max3A_378 : f32 to vector<16xf32>
        %max3A_380 = arith.maximumf %add3A_377, %max3A_379 : vector<16xf32>
        %swap3A_381 = arith.index_cast %scan3A_301 : i32 to index
        %swap3A_382 = arith.constant 64 : index
        %swap3A_383 = tpu.vector_load %arg10[%swap3A_381, %swap3A_382] {strides = array<i32>} : memref<48x128xf32, #tpu.memory_space<vmem>>, vector<1x16xf32>,
        %swap3A_384 = vector.shape_cast %swap3A_383 : vector<1x16xf32> to vector<16xf32>
        %swap3A_385 = vector.shape_cast %max3A_380 : vector<16xf32> to vector<1x16xf32>
        tpu.vector_store %arg10[%swap3A_381, %swap3A_382], %swap3A_385 {strides = array<i32>} : memref<48x128xf32, #tpu.memory_space<vmem>>, vector<1x16xf32>,
        %get3A_386 = arith.index_cast %scan3A_301 : i32 to index
        %get3A_387 = arith.constant 80 : index
        %get3A_388 = tpu.vector_load %arg9[%get3A_386, %get3A_387] {strides = array<i32>} : memref<48x128xf32, #tpu.memory_space<vmem>>, vector<1x16xf32>,
        %get3A_389 = vector.shape_cast %get3A_388 : vector<1x16xf32> to vector<16xf32>
        %get3A_390 = arith.index_cast %scan3A_301 : i32 to index
        %get3A_391 = arith.constant 80 : index
        %get3A_392 = tpu.vector_load %arg10[%get3A_390, %get3A_391] {strides = array<i32>} : memref<48x128xf32, #tpu.memory_space<vmem>>, vector<1x16xf32>,
        %get3A_393 = vector.shape_cast %get3A_392 : vector<1x16xf32> to vector<16xf32>
        %add3A_394 = arith.addf %get3A_389, %get3A_393 : vector<16xf32>
        %max3A_395 = arith.constant 0.000000e+00 : f32
        %max3A_396 = vector.broadcast %max3A_395 : f32 to vector<16xf32>
        %max3A_397 = arith.maximumf %add3A_394, %max3A_396 : vector<16xf32>
        %swap3A_398 = arith.index_cast %scan3A_301 : i32 to index
        %swap3A_399 = arith.constant 80 : index
        %swap3A_400 = tpu.vector_load %arg10[%swap3A_398, %swap3A_399] {strides = array<i32>} : memref<48x128xf32, #tpu.memory_space<vmem>>, vector<1x16xf32>,
        %swap3A_401 = vector.shape_cast %swap3A_400 : vector<1x16xf32> to vector<16xf32>
        %swap3A_402 = vector.shape_cast %max3A_397 : vector<16xf32> to vector<1x16xf32>
        tpu.vector_store %arg10[%swap3A_398, %swap3A_399], %swap3A_402 {strides = array<i32>} : memref<48x128xf32, #tpu.memory_space<vmem>>, vector<1x16xf32>,
        %get3A_403 = arith.index_cast %scan3A_301 : i32 to index
        %get3A_404 = arith.constant 96 : index
        %get3A_405 = tpu.vector_load %arg9[%get3A_403, %get3A_404] {strides = array<i32>} : memref<48x128xf32, #tpu.memory_space<vmem>>, vector<1x16xf32>,
        %get3A_406 = vector.shape_cast %get3A_405 : vector<1x16xf32> to vector<16xf32>
        %get3A_407 = arith.index_cast %scan3A_301 : i32 to index
        %get3A_408 = arith.constant 96 : index
        %get3A_409 = tpu.vector_load %arg10[%get3A_407, %get3A_408] {strides = array<i32>} : memref<48x128xf32, #tpu.memory_space<vmem>>, vector<1x16xf32>,
        %get3A_410 = vector.shape_cast %get3A_409 : vector<1x16xf32> to vector<16xf32>
        %add3A_411 = arith.addf %get3A_406, %get3A_410 : vector<16xf32>
        %max3A_412 = arith.constant 0.000000e+00 : f32
        %max3A_413 = vector.broadcast %max3A_412 : f32 to vector<16xf32>
        %max3A_414 = arith.maximumf %add3A_411, %max3A_413 : vector<16xf32>
        %swap3A_415 = arith.index_cast %scan3A_301 : i32 to index
        %swap3A_416 = arith.constant 96 : index
        %swap3A_417 = tpu.vector_load %arg10[%swap3A_415, %swap3A_416] {strides = array<i32>} : memref<48x128xf32, #tpu.memory_space<vmem>>, vector<1x16xf32>,
        %swap3A_418 = vector.shape_cast %swap3A_417 : vector<1x16xf32> to vector<16xf32>
        %swap3A_419 = vector.shape_cast %max3A_414 : vector<16xf32> to vector<1x16xf32>
        tpu.vector_store %arg10[%swap3A_415, %swap3A_416], %swap3A_419 {strides = array<i32>} : memref<48x128xf32, #tpu.memory_space<vmem>>, vector<1x16xf32>,
        %get3A_420 = arith.index_cast %scan3A_301 : i32 to index
        %get3A_421 = arith.constant 112 : index
        %get3A_422 = tpu.vector_load %arg9[%get3A_420, %get3A_421] {strides = array<i32>} : memref<48x128xf32, #tpu.memory_space<vmem>>, vector<1x16xf32>,
        %get3A_423 = vector.shape_cast %get3A_422 : vector<1x16xf32> to vector<16xf32>
        %get3A_424 = arith.index_cast %scan3A_301 : i32 to index
        %get3A_425 = arith.constant 112 : index
        %get3A_426 = tpu.vector_load %arg10[%get3A_424, %get3A_425] {strides = array<i32>} : memref<48x128xf32, #tpu.memory_space<vmem>>, vector<1x16xf32>,
        %get3A_427 = vector.shape_cast %get3A_426 : vector<1x16xf32> to vector<16xf32>
        %add3A_428 = arith.addf %get3A_423, %get3A_427 : vector<16xf32>
        %max3A_429 = arith.constant 0.000000e+00 : f32
        %max3A_430 = vector.broadcast %max3A_429 : f32 to vector<16xf32>
        %max3A_431 = arith.maximumf %add3A_428, %max3A_430 : vector<16xf32>
        %swap3A_432 = arith.index_cast %scan3A_301 : i32 to index
        %swap3A_433 = arith.constant 112 : index
        %swap3A_434 = tpu.vector_load %arg10[%swap3A_432, %swap3A_433] {strides = array<i32>} : memref<48x128xf32, #tpu.memory_space<vmem>>, vector<1x16xf32>,
        %swap3A_435 = vector.shape_cast %swap3A_434 : vector<1x16xf32> to vector<16xf32>
        %swap3A_436 = vector.shape_cast %max3A_431 : vector<16xf32> to vector<1x16xf32>
        tpu.vector_store %arg10[%swap3A_432, %swap3A_433], %swap3A_436 {strides = array<i32>} : memref<48x128xf32, #tpu.memory_space<vmem>>, vector<1x16xf32>,
      }
      %scan3A_132 = arith.constant 48 : i32
      %dma_start3A_133 = arith.constant 0 : i32
      %dma_start3A_134 = arith.constant 0 : i32
      %dma_start3A_135 = tpu.memref_slice %arg18[%dma_start3A_133, %dma_start3A_134] : memref<10240x128xf32, #tpu.memory_space<vmem_shared>> -> memref<10240x128xf32, #tpu.memory_space<vmem_shared>>
      tpu.enqueue_indirect_dma source(%arg10 : memref<48x128xf32, #tpu.memory_space<vmem>>) target(%dma_start3A_135 : memref<10240x128xf32, #tpu.memory_space<vmem_shared>>) offsets(%arg15 : memref<48xi32, #tpu.memory_space<vmem>>) semaphore(%arg25 : memref<!tpu.dma_semaphore, #tpu.memory_space<semaphore_mem>>) {add = true}
      %gt3A = arith.constant 0 : i32
      %gt3A_136 = arith.cmpi sgt, %add3A_79, %gt3A : i32
      %convert_element_type3A_137 = arith.extui %gt3A_136 : i1 to i32
      %cond3A_138 = arith.constant 0 : i32
      %cond3A_139 = arith.cmpi ne, %convert_element_type3A_137, %cond3A_138 : i32
      scf.if %cond3A_139 {
        %dma_wait3A_301 = arith.constant 0 : i32
        %dma_wait3A_302 = arith.constant 0 : i32
        %dma_wait3A_303 = tpu.memref_slice %arg18[%dma_wait3A_301, %dma_wait3A_302] : memref<10240x128xf32, #tpu.memory_space<vmem_shared>> -> memref<10240x128xf32, #tpu.memory_space<vmem_shared>>
        tpu.wait_indirect_dma semaphore(%arg27 : memref<!tpu.dma_semaphore, #tpu.memory_space<semaphore_mem>>) src(%arg14 : memref<48x128xf32, #tpu.memory_space<vmem>>) dst(%dma_wait3A_303 : memref<10240x128xf32, #tpu.memory_space<vmem_shared>>)
      } else {
      }
      %add3A_140 = arith.constant 2 : i32
      %add3A_141 = arith.addi %add3A_79, %add3A_140 : i32
      %lt3A_142 = arith.constant 105 : i32
      %lt3A_143 = arith.cmpi slt, %add3A_141, %lt3A_142 : i32
      %convert_element_type3A_144 = arith.extui %lt3A_143 : i1 to i32
      %cond3A_145 = arith.constant 0 : i32
      %cond3A_146 = arith.cmpi ne, %convert_element_type3A_144, %cond3A_145 : i32
      scf.if %cond3A_146 {
        %add3A_301 = arith.constant 2 : i32
        %add3A_302 = arith.addi %add3A_79, %add3A_301 : i32
        %mul3A_303 = arith.constant 48 : i32
        %mul3A_304 = arith.muli %add3A_302, %mul3A_303 : i32
        %dma_start3A_305 = tpu.memref_slice %arg8[%mul3A_304] : memref<5040xi32, #tpu.memory_space<vmem>> -> memref<48xi32, #tpu.memory_space<vmem>>
        %dma_start3A_306 = arith.constant 0 : i32
        %dma_start3A_307 = arith.constant 0 : i32
        %dma_start3A_308 = tpu.memref_slice %arg3[%dma_start3A_306, %dma_start3A_307] : memref<10240x128xf32, #tpu.memory_space<hbm>> -> memref<10240x128xf32, #tpu.memory_space<hbm>>
        tpu.enqueue_indirect_dma source(%dma_start3A_308 : memref<10240x128xf32, #tpu.memory_space<hbm>>) target(%arg14 : memref<48x128xf32, #tpu.memory_space<vmem>>) offsets(%dma_start3A_305 : memref<48xi32, #tpu.memory_space<vmem>>) semaphore(%arg24 : memref<!tpu.dma_semaphore, #tpu.memory_space<semaphore_mem>>)
      } else {
      }
      %mul3A_147 = arith.constant 3 : i32
      %mul3A_148 = arith.muli %mul3A_147, %scan3A_75 : i32
      %add3A_149 = arith.constant 1 : i32
      %add3A_150 = arith.addi %mul3A_148, %add3A_149 : i32
      %add3A_151 = arith.constant 2 : i32
      %add3A_152 = arith.addi %add3A_150, %add3A_151 : i32
      %lt3A_153 = arith.constant 105 : i32
      %lt3A_154 = arith.cmpi slt, %add3A_152, %lt3A_153 : i32
      %convert_element_type3A_155 = arith.extui %lt3A_154 : i1 to i32
      %cond3A_156 = arith.constant 0 : i32
      %cond3A_157 = arith.cmpi ne, %convert_element_type3A_155, %cond3A_156 : i32
      scf.if %cond3A_157 {
        %add3A_301 = arith.constant 2 : i32
        %add3A_302 = arith.addi %add3A_150, %add3A_301 : i32
        %mul3A_303 = arith.constant 48 : i32
        %mul3A_304 = arith.muli %add3A_302, %mul3A_303 : i32
        %dma_start3A_305 = tpu.memref_slice %arg7[%mul3A_304] : memref<5040xi32, #tpu.memory_space<vmem>> -> memref<48xi32, #tpu.memory_space<vmem>>
        %dma_start3A_306 = arith.constant 0 : i32
        %dma_start3A_307 = arith.constant 0 : i32
        %dma_start3A_308 = tpu.memref_slice %arg2[%dma_start3A_306, %dma_start3A_307] : memref<10240x128xf32, #tpu.memory_space<hbm>> -> memref<10240x128xf32, #tpu.memory_space<hbm>>
        tpu.enqueue_indirect_dma source(%dma_start3A_308 : memref<10240x128xf32, #tpu.memory_space<hbm>>) target(%arg9 : memref<48x128xf32, #tpu.memory_space<vmem>>) offsets(%dma_start3A_305 : memref<48xi32, #tpu.memory_space<vmem>>) semaphore(%arg19 : memref<!tpu.dma_semaphore, #tpu.memory_space<semaphore_mem>>)
      } else {
      }
      %mul3A_158 = arith.constant 48 : i32
      %mul3A_159 = arith.muli %add3A_150, %mul3A_158 : i32
      %dma_wait3A_160 = tpu.memref_slice %arg7[%mul3A_159] : memref<5040xi32, #tpu.memory_space<vmem>> -> memref<48xi32, #tpu.memory_space<vmem>>
      %dma_wait3A_161 = arith.constant 0 : i32
      %dma_wait3A_162 = arith.constant 0 : i32
      %dma_wait3A_163 = tpu.memref_slice %arg2[%dma_wait3A_161, %dma_wait3A_162] : memref<10240x128xf32, #tpu.memory_space<hbm>> -> memref<10240x128xf32, #tpu.memory_space<hbm>>
      tpu.wait_indirect_dma semaphore(%arg21 : memref<!tpu.dma_semaphore, #tpu.memory_space<semaphore_mem>>) src(%dma_wait3A_163 : memref<10240x128xf32, #tpu.memory_space<hbm>>) dst(%arg11 : memref<48x128xf32, #tpu.memory_space<vmem>>)
      %mul3A_164 = arith.constant 48 : i32
      %mul3A_165 = arith.muli %add3A_150, %mul3A_164 : i32
      %dma_wait3A_166 = tpu.memref_slice %arg8[%mul3A_165] : memref<5040xi32, #tpu.memory_space<vmem>> -> memref<48xi32, #tpu.memory_space<vmem>>
      %dma_wait3A_167 = arith.constant 0 : i32
      %dma_wait3A_168 = arith.constant 0 : i32
      %dma_wait3A_169 = tpu.memref_slice %arg3[%dma_wait3A_167, %dma_wait3A_168] : memref<10240x128xf32, #tpu.memory_space<hbm>> -> memref<10240x128xf32, #tpu.memory_space<hbm>>
      tpu.wait_indirect_dma semaphore(%arg22 : memref<!tpu.dma_semaphore, #tpu.memory_space<semaphore_mem>>) src(%dma_wait3A_169 : memref<10240x128xf32, #tpu.memory_space<hbm>>) dst(%arg12 : memref<48x128xf32, #tpu.memory_space<vmem>>)
      %mul3A_170 = arith.constant 48 : i32
      %mul3A_171 = arith.muli %add3A_150, %mul3A_170 : i32
      %add3A_172 = arith.constant 0 : i32
      %add3A_173 = arith.addi %mul3A_171, %add3A_172 : i32
      %get3A_174 = arith.index_cast %add3A_173 : i32 to index
      %get3A_175 = tpu.vector_load %arg8[%get3A_174] {strides = array<i32>} : memref<5040xi32, #tpu.memory_space<vmem>>, vector<16xi32>,
      %get3A_176 = vector.shape_cast %get3A_175 : vector<16xi32> to vector<16xi32>
      %swap3A_177 = arith.constant 0 : index
      %swap3A_178 = tpu.vector_load %arg16[%swap3A_177] {strides = array<i32>} : memref<48xi32, #tpu.memory_space<vmem>>, vector<16xi32>,
      %swap3A_179 = vector.shape_cast %swap3A_178 : vector<16xi32> to vector<16xi32>
      %swap3A_180 = vector.shape_cast %get3A_176 : vector<16xi32> to vector<16xi32>
      tpu.vector_store %arg16[%swap3A_177], %swap3A_180 {strides = array<i32>} : memref<48xi32, #tpu.memory_space<vmem>>, vector<16xi32>,
      %mul3A_181 = arith.constant 48 : i32
      %mul3A_182 = arith.muli %add3A_150, %mul3A_181 : i32
      %add3A_183 = arith.constant 16 : i32
      %add3A_184 = arith.addi %mul3A_182, %add3A_183 : i32
      %get3A_185 = arith.index_cast %add3A_184 : i32 to index
      %get3A_186 = tpu.vector_load %arg8[%get3A_185] {strides = array<i32>} : memref<5040xi32, #tpu.memory_space<vmem>>, vector<16xi32>,
      %get3A_187 = vector.shape_cast %get3A_186 : vector<16xi32> to vector<16xi32>
      %swap3A_188 = arith.constant 16 : index
      %swap3A_189 = tpu.vector_load %arg16[%swap3A_188] {strides = array<i32>} : memref<48xi32, #tpu.memory_space<vmem>>, vector<16xi32>,
      %swap3A_190 = vector.shape_cast %swap3A_189 : vector<16xi32> to vector<16xi32>
      %swap3A_191 = vector.shape_cast %get3A_187 : vector<16xi32> to vector<16xi32>
      tpu.vector_store %arg16[%swap3A_188], %swap3A_191 {strides = array<i32>} : memref<48xi32, #tpu.memory_space<vmem>>, vector<16xi32>,
      %mul3A_192 = arith.constant 48 : i32
      %mul3A_193 = arith.muli %add3A_150, %mul3A_192 : i32
      %add3A_194 = arith.constant 32 : i32
      %add3A_195 = arith.addi %mul3A_193, %add3A_194 : i32
      %get3A_196 = arith.index_cast %add3A_195 : i32 to index
      %get3A_197 = tpu.vector_load %arg8[%get3A_196] {strides = array<i32>} : memref<5040xi32, #tpu.memory_space<vmem>>, vector<16xi32>,
      %get3A_198 = vector.shape_cast %get3A_197 : vector<16xi32> to vector<16xi32>
      %swap3A_199 = arith.constant 32 : index
      %swap3A_200 = tpu.vector_load %arg16[%swap3A_199] {strides = array<i32>} : memref<48xi32, #tpu.memory_space<vmem>>, vector<16xi32>,
      %swap3A_201 = vector.shape_cast %swap3A_200 : vector<16xi32> to vector<16xi32>
      %swap3A_202 = vector.shape_cast %get3A_198 : vector<16xi32> to vector<16xi32>
      tpu.vector_store %arg16[%swap3A_199], %swap3A_202 {strides = array<i32>} : memref<48xi32, #tpu.memory_space<vmem>>, vector<16xi32>,
      %scan3A_203 = arith.constant 0 : i32
      %scan3A_204 = arith.constant 0 : i32
      %scan3A_205 = arith.constant 48 : i32
      %scan3A_206 = arith.addi %scan3A_204, %scan3A_205 : i32
      %scan3A_207 = arith.constant 1 : i32
      scf.for %scan3A_301 = %scan3A_204 to %scan3A_206 step %scan3A_207  : i32 {
        %get3A_302 = arith.index_cast %scan3A_301 : i32 to index
        %get3A_303 = arith.constant 0 : index
        %get3A_304 = tpu.vector_load %arg11[%get3A_302, %get3A_303] {strides = array<i32>} : memref<48x128xf32, #tpu.memory_space<vmem>>, vector<1x16xf32>,
        %get3A_305 = vector.shape_cast %get3A_304 : vector<1x16xf32> to vector<16xf32>
        %get3A_306 = arith.index_cast %scan3A_301 : i32 to index
        %get3A_307 = arith.constant 0 : index
        %get3A_308 = tpu.vector_load %arg12[%get3A_306, %get3A_307] {strides = array<i32>} : memref<48x128xf32, #tpu.memory_space<vmem>>, vector<1x16xf32>,
        %get3A_309 = vector.shape_cast %get3A_308 : vector<1x16xf32> to vector<16xf32>
        %add3A_310 = arith.addf %get3A_305, %get3A_309 : vector<16xf32>
        %max3A = arith.constant 0.000000e+00 : f32
        %max3A_311 = vector.broadcast %max3A : f32 to vector<16xf32>
        %max3A_312 = arith.maximumf %add3A_310, %max3A_311 : vector<16xf32>
        %swap3A_313 = arith.index_cast %scan3A_301 : i32 to index
        %swap3A_314 = arith.constant 0 : index
        %swap3A_315 = tpu.vector_load %arg12[%swap3A_313, %swap3A_314] {strides = array<i32>} : memref<48x128xf32, #tpu.memory_space<vmem>>, vector<1x16xf32>,
        %swap3A_316 = vector.shape_cast %swap3A_315 : vector<1x16xf32> to vector<16xf32>
        %swap3A_317 = vector.shape_cast %max3A_312 : vector<16xf32> to vector<1x16xf32>
        tpu.vector_store %arg12[%swap3A_313, %swap3A_314], %swap3A_317 {strides = array<i32>} : memref<48x128xf32, #tpu.memory_space<vmem>>, vector<1x16xf32>,
        %get3A_318 = arith.index_cast %scan3A_301 : i32 to index
        %get3A_319 = arith.constant 16 : index
        %get3A_320 = tpu.vector_load %arg11[%get3A_318, %get3A_319] {strides = array<i32>} : memref<48x128xf32, #tpu.memory_space<vmem>>, vector<1x16xf32>,
        %get3A_321 = vector.shape_cast %get3A_320 : vector<1x16xf32> to vector<16xf32>
        %get3A_322 = arith.index_cast %scan3A_301 : i32 to index
        %get3A_323 = arith.constant 16 : index
        %get3A_324 = tpu.vector_load %arg12[%get3A_322, %get3A_323] {strides = array<i32>} : memref<48x128xf32, #tpu.memory_space<vmem>>, vector<1x16xf32>,
        %get3A_325 = vector.shape_cast %get3A_324 : vector<1x16xf32> to vector<16xf32>
        %add3A_326 = arith.addf %get3A_321, %get3A_325 : vector<16xf32>
        %max3A_327 = arith.constant 0.000000e+00 : f32
        %max3A_328 = vector.broadcast %max3A_327 : f32 to vector<16xf32>
        %max3A_329 = arith.maximumf %add3A_326, %max3A_328 : vector<16xf32>
        %swap3A_330 = arith.index_cast %scan3A_301 : i32 to index
        %swap3A_331 = arith.constant 16 : index
        %swap3A_332 = tpu.vector_load %arg12[%swap3A_330, %swap3A_331] {strides = array<i32>} : memref<48x128xf32, #tpu.memory_space<vmem>>, vector<1x16xf32>,
        %swap3A_333 = vector.shape_cast %swap3A_332 : vector<1x16xf32> to vector<16xf32>
        %swap3A_334 = vector.shape_cast %max3A_329 : vector<16xf32> to vector<1x16xf32>
        tpu.vector_store %arg12[%swap3A_330, %swap3A_331], %swap3A_334 {strides = array<i32>} : memref<48x128xf32, #tpu.memory_space<vmem>>, vector<1x16xf32>,
        %get3A_335 = arith.index_cast %scan3A_301 : i32 to index
        %get3A_336 = arith.constant 32 : index
        %get3A_337 = tpu.vector_load %arg11[%get3A_335, %get3A_336] {strides = array<i32>} : memref<48x128xf32, #tpu.memory_space<vmem>>, vector<1x16xf32>,
        %get3A_338 = vector.shape_cast %get3A_337 : vector<1x16xf32> to vector<16xf32>
        %get3A_339 = arith.index_cast %scan3A_301 : i32 to index
        %get3A_340 = arith.constant 32 : index
        %get3A_341 = tpu.vector_load %arg12[%get3A_339, %get3A_340] {strides = array<i32>} : memref<48x128xf32, #tpu.memory_space<vmem>>, vector<1x16xf32>,
        %get3A_342 = vector.shape_cast %get3A_341 : vector<1x16xf32> to vector<16xf32>
        %add3A_343 = arith.addf %get3A_338, %get3A_342 : vector<16xf32>
        %max3A_344 = arith.constant 0.000000e+00 : f32
        %max3A_345 = vector.broadcast %max3A_344 : f32 to vector<16xf32>
        %max3A_346 = arith.maximumf %add3A_343, %max3A_345 : vector<16xf32>
        %swap3A_347 = arith.index_cast %scan3A_301 : i32 to index
        %swap3A_348 = arith.constant 32 : index
        %swap3A_349 = tpu.vector_load %arg12[%swap3A_347, %swap3A_348] {strides = array<i32>} : memref<48x128xf32, #tpu.memory_space<vmem>>, vector<1x16xf32>,
        %swap3A_350 = vector.shape_cast %swap3A_349 : vector<1x16xf32> to vector<16xf32>
        %swap3A_351 = vector.shape_cast %max3A_346 : vector<16xf32> to vector<1x16xf32>
        tpu.vector_store %arg12[%swap3A_347, %swap3A_348], %swap3A_351 {strides = array<i32>} : memref<48x128xf32, #tpu.memory_space<vmem>>, vector<1x16xf32>,
        %get3A_352 = arith.index_cast %scan3A_301 : i32 to index
        %get3A_353 = arith.constant 48 : index
        %get3A_354 = tpu.vector_load %arg11[%get3A_352, %get3A_353] {strides = array<i32>} : memref<48x128xf32, #tpu.memory_space<vmem>>, vector<1x16xf32>,
        %get3A_355 = vector.shape_cast %get3A_354 : vector<1x16xf32> to vector<16xf32>
        %get3A_356 = arith.index_cast %scan3A_301 : i32 to index
        %get3A_357 = arith.constant 48 : index
        %get3A_358 = tpu.vector_load %arg12[%get3A_356, %get3A_357] {strides = array<i32>} : memref<48x128xf32, #tpu.memory_space<vmem>>, vector<1x16xf32>,
        %get3A_359 = vector.shape_cast %get3A_358 : vector<1x16xf32> to vector<16xf32>
        %add3A_360 = arith.addf %get3A_355, %get3A_359 : vector<16xf32>
        %max3A_361 = arith.constant 0.000000e+00 : f32
        %max3A_362 = vector.broadcast %max3A_361 : f32 to vector<16xf32>
        %max3A_363 = arith.maximumf %add3A_360, %max3A_362 : vector<16xf32>
        %swap3A_364 = arith.index_cast %scan3A_301 : i32 to index
        %swap3A_365 = arith.constant 48 : index
        %swap3A_366 = tpu.vector_load %arg12[%swap3A_364, %swap3A_365] {strides = array<i32>} : memref<48x128xf32, #tpu.memory_space<vmem>>, vector<1x16xf32>,
        %swap3A_367 = vector.shape_cast %swap3A_366 : vector<1x16xf32> to vector<16xf32>
        %swap3A_368 = vector.shape_cast %max3A_363 : vector<16xf32> to vector<1x16xf32>
        tpu.vector_store %arg12[%swap3A_364, %swap3A_365], %swap3A_368 {strides = array<i32>} : memref<48x128xf32, #tpu.memory_space<vmem>>, vector<1x16xf32>,
        %get3A_369 = arith.index_cast %scan3A_301 : i32 to index
        %get3A_370 = arith.constant 64 : index
        %get3A_371 = tpu.vector_load %arg11[%get3A_369, %get3A_370] {strides = array<i32>} : memref<48x128xf32, #tpu.memory_space<vmem>>, vector<1x16xf32>,
        %get3A_372 = vector.shape_cast %get3A_371 : vector<1x16xf32> to vector<16xf32>
        %get3A_373 = arith.index_cast %scan3A_301 : i32 to index
        %get3A_374 = arith.constant 64 : index
        %get3A_375 = tpu.vector_load %arg12[%get3A_373, %get3A_374] {strides = array<i32>} : memref<48x128xf32, #tpu.memory_space<vmem>>, vector<1x16xf32>,
        %get3A_376 = vector.shape_cast %get3A_375 : vector<1x16xf32> to vector<16xf32>
        %add3A_377 = arith.addf %get3A_372, %get3A_376 : vector<16xf32>
        %max3A_378 = arith.constant 0.000000e+00 : f32
        %max3A_379 = vector.broadcast %max3A_378 : f32 to vector<16xf32>
        %max3A_380 = arith.maximumf %add3A_377, %max3A_379 : vector<16xf32>
        %swap3A_381 = arith.index_cast %scan3A_301 : i32 to index
        %swap3A_382 = arith.constant 64 : index
        %swap3A_383 = tpu.vector_load %arg12[%swap3A_381, %swap3A_382] {strides = array<i32>} : memref<48x128xf32, #tpu.memory_space<vmem>>, vector<1x16xf32>,
        %swap3A_384 = vector.shape_cast %swap3A_383 : vector<1x16xf32> to vector<16xf32>
        %swap3A_385 = vector.shape_cast %max3A_380 : vector<16xf32> to vector<1x16xf32>
        tpu.vector_store %arg12[%swap3A_381, %swap3A_382], %swap3A_385 {strides = array<i32>} : memref<48x128xf32, #tpu.memory_space<vmem>>, vector<1x16xf32>,
        %get3A_386 = arith.index_cast %scan3A_301 : i32 to index
        %get3A_387 = arith.constant 80 : index
        %get3A_388 = tpu.vector_load %arg11[%get3A_386, %get3A_387] {strides = array<i32>} : memref<48x128xf32, #tpu.memory_space<vmem>>, vector<1x16xf32>,
        %get3A_389 = vector.shape_cast %get3A_388 : vector<1x16xf32> to vector<16xf32>
        %get3A_390 = arith.index_cast %scan3A_301 : i32 to index
        %get3A_391 = arith.constant 80 : index
        %get3A_392 = tpu.vector_load %arg12[%get3A_390, %get3A_391] {strides = array<i32>} : memref<48x128xf32, #tpu.memory_space<vmem>>, vector<1x16xf32>,
        %get3A_393 = vector.shape_cast %get3A_392 : vector<1x16xf32> to vector<16xf32>
        %add3A_394 = arith.addf %get3A_389, %get3A_393 : vector<16xf32>
        %max3A_395 = arith.constant 0.000000e+00 : f32
        %max3A_396 = vector.broadcast %max3A_395 : f32 to vector<16xf32>
        %max3A_397 = arith.maximumf %add3A_394, %max3A_396 : vector<16xf32>
        %swap3A_398 = arith.index_cast %scan3A_301 : i32 to index
        %swap3A_399 = arith.constant 80 : index
        %swap3A_400 = tpu.vector_load %arg12[%swap3A_398, %swap3A_399] {strides = array<i32>} : memref<48x128xf32, #tpu.memory_space<vmem>>, vector<1x16xf32>,
        %swap3A_401 = vector.shape_cast %swap3A_400 : vector<1x16xf32> to vector<16xf32>
        %swap3A_402 = vector.shape_cast %max3A_397 : vector<16xf32> to vector<1x16xf32>
        tpu.vector_store %arg12[%swap3A_398, %swap3A_399], %swap3A_402 {strides = array<i32>} : memref<48x128xf32, #tpu.memory_space<vmem>>, vector<1x16xf32>,
        %get3A_403 = arith.index_cast %scan3A_301 : i32 to index
        %get3A_404 = arith.constant 96 : index
        %get3A_405 = tpu.vector_load %arg11[%get3A_403, %get3A_404] {strides = array<i32>} : memref<48x128xf32, #tpu.memory_space<vmem>>, vector<1x16xf32>,
        %get3A_406 = vector.shape_cast %get3A_405 : vector<1x16xf32> to vector<16xf32>
        %get3A_407 = arith.index_cast %scan3A_301 : i32 to index
        %get3A_408 = arith.constant 96 : index
        %get3A_409 = tpu.vector_load %arg12[%get3A_407, %get3A_408] {strides = array<i32>} : memref<48x128xf32, #tpu.memory_space<vmem>>, vector<1x16xf32>,
        %get3A_410 = vector.shape_cast %get3A_409 : vector<1x16xf32> to vector<16xf32>
        %add3A_411 = arith.addf %get3A_406, %get3A_410 : vector<16xf32>
        %max3A_412 = arith.constant 0.000000e+00 : f32
        %max3A_413 = vector.broadcast %max3A_412 : f32 to vector<16xf32>
        %max3A_414 = arith.maximumf %add3A_411, %max3A_413 : vector<16xf32>
        %swap3A_415 = arith.index_cast %scan3A_301 : i32 to index
        %swap3A_416 = arith.constant 96 : index
        %swap3A_417 = tpu.vector_load %arg12[%swap3A_415, %swap3A_416] {strides = array<i32>} : memref<48x128xf32, #tpu.memory_space<vmem>>, vector<1x16xf32>,
        %swap3A_418 = vector.shape_cast %swap3A_417 : vector<1x16xf32> to vector<16xf32>
        %swap3A_419 = vector.shape_cast %max3A_414 : vector<16xf32> to vector<1x16xf32>
        tpu.vector_store %arg12[%swap3A_415, %swap3A_416], %swap3A_419 {strides = array<i32>} : memref<48x128xf32, #tpu.memory_space<vmem>>, vector<1x16xf32>,
        %get3A_420 = arith.index_cast %scan3A_301 : i32 to index
        %get3A_421 = arith.constant 112 : index
        %get3A_422 = tpu.vector_load %arg11[%get3A_420, %get3A_421] {strides = array<i32>} : memref<48x128xf32, #tpu.memory_space<vmem>>, vector<1x16xf32>,
        %get3A_423 = vector.shape_cast %get3A_422 : vector<1x16xf32> to vector<16xf32>
        %get3A_424 = arith.index_cast %scan3A_301 : i32 to index
        %get3A_425 = arith.constant 112 : index
        %get3A_426 = tpu.vector_load %arg12[%get3A_424, %get3A_425] {strides = array<i32>} : memref<48x128xf32, #tpu.memory_space<vmem>>, vector<1x16xf32>,
        %get3A_427 = vector.shape_cast %get3A_426 : vector<1x16xf32> to vector<16xf32>
        %add3A_428 = arith.addf %get3A_423, %get3A_427 : vector<16xf32>
        %max3A_429 = arith.constant 0.000000e+00 : f32
        %max3A_430 = vector.broadcast %max3A_429 : f32 to vector<16xf32>
        %max3A_431 = arith.maximumf %add3A_428, %max3A_430 : vector<16xf32>
        %swap3A_432 = arith.index_cast %scan3A_301 : i32 to index
        %swap3A_433 = arith.constant 112 : index
        %swap3A_434 = tpu.vector_load %arg12[%swap3A_432, %swap3A_433] {strides = array<i32>} : memref<48x128xf32, #tpu.memory_space<vmem>>, vector<1x16xf32>,
        %swap3A_435 = vector.shape_cast %swap3A_434 : vector<1x16xf32> to vector<16xf32>
        %swap3A_436 = vector.shape_cast %max3A_431 : vector<16xf32> to vector<1x16xf32>
        tpu.vector_store %arg12[%swap3A_432, %swap3A_433], %swap3A_436 {strides = array<i32>} : memref<48x128xf32, #tpu.memory_space<vmem>>, vector<1x16xf32>,
      }
      %scan3A_208 = arith.constant 48 : i32
      %dma_start3A_209 = arith.constant 0 : i32
      %dma_start3A_210 = arith.constant 0 : i32
      %dma_start3A_211 = tpu.memref_slice %arg18[%dma_start3A_209, %dma_start3A_210] : memref<10240x128xf32, #tpu.memory_space<vmem_shared>> -> memref<10240x128xf32, #tpu.memory_space<vmem_shared>>
      tpu.enqueue_indirect_dma source(%arg12 : memref<48x128xf32, #tpu.memory_space<vmem>>) target(%dma_start3A_211 : memref<10240x128xf32, #tpu.memory_space<vmem_shared>>) offsets(%arg16 : memref<48xi32, #tpu.memory_space<vmem>>) semaphore(%arg26 : memref<!tpu.dma_semaphore, #tpu.memory_space<semaphore_mem>>) {add = true}
      %gt3A_212 = arith.constant 0 : i32
      %gt3A_213 = arith.cmpi sgt, %add3A_150, %gt3A_212 : i32
      %convert_element_type3A_214 = arith.extui %gt3A_213 : i1 to i32
      %cond3A_215 = arith.constant 0 : i32
      %cond3A_216 = arith.cmpi ne, %convert_element_type3A_214, %cond3A_215 : i32
      scf.if %cond3A_216 {
        %dma_wait3A_301 = arith.constant 0 : i32
        %dma_wait3A_302 = arith.constant 0 : i32
        %dma_wait3A_303 = tpu.memref_slice %arg18[%dma_wait3A_301, %dma_wait3A_302] : memref<10240x128xf32, #tpu.memory_space<vmem_shared>> -> memref<10240x128xf32, #tpu.memory_space<vmem_shared>>
        tpu.wait_indirect_dma semaphore(%arg25 : memref<!tpu.dma_semaphore, #tpu.memory_space<semaphore_mem>>) src(%arg10 : memref<48x128xf32, #tpu.memory_space<vmem>>) dst(%dma_wait3A_303 : memref<10240x128xf32, #tpu.memory_space<vmem_shared>>)
      } else {
      }
      %add3A_217 = arith.constant 2 : i32
      %add3A_218 = arith.addi %add3A_150, %add3A_217 : i32
      %lt3A_219 = arith.constant 105 : i32
      %lt3A_220 = arith.cmpi slt, %add3A_218, %lt3A_219 : i32
      %convert_element_type3A_221 = arith.extui %lt3A_220 : i1 to i32
      %cond3A_222 = arith.constant 0 : i32
      %cond3A_223 = arith.cmpi ne, %convert_element_type3A_221, %cond3A_222 : i32
      scf.if %cond3A_223 {
        %add3A_301 = arith.constant 2 : i32
        %add3A_302 = arith.addi %add3A_150, %add3A_301 : i32
        %mul3A_303 = arith.constant 48 : i32
        %mul3A_304 = arith.muli %add3A_302, %mul3A_303 : i32
        %dma_start3A_305 = tpu.memref_slice %arg8[%mul3A_304] : memref<5040xi32, #tpu.memory_space<vmem>> -> memref<48xi32, #tpu.memory_space<vmem>>
        %dma_start3A_306 = arith.constant 0 : i32
        %dma_start3A_307 = arith.constant 0 : i32
        %dma_start3A_308 = tpu.memref_slice %arg3[%dma_start3A_306, %dma_start3A_307] : memref<10240x128xf32, #tpu.memory_space<hbm>> -> memref<10240x128xf32, #tpu.memory_space<hbm>>
        tpu.enqueue_indirect_dma source(%dma_start3A_308 : memref<10240x128xf32, #tpu.memory_space<hbm>>) target(%arg10 : memref<48x128xf32, #tpu.memory_space<vmem>>) offsets(%dma_start3A_305 : memref<48xi32, #tpu.memory_space<vmem>>) semaphore(%arg20 : memref<!tpu.dma_semaphore, #tpu.memory_space<semaphore_mem>>)
      } else {
      }
      %mul3A_224 = arith.constant 3 : i32
      %mul3A_225 = arith.muli %mul3A_224, %scan3A_75 : i32
      %add3A_226 = arith.constant 2 : i32
      %add3A_227 = arith.addi %mul3A_225, %add3A_226 : i32
      %add3A_228 = arith.constant 2 : i32
      %add3A_229 = arith.addi %add3A_227, %add3A_228 : i32
      %lt3A_230 = arith.constant 105 : i32
      %lt3A_231 = arith.cmpi slt, %add3A_229, %lt3A_230 : i32
      %convert_element_type3A_232 = arith.extui %lt3A_231 : i1 to i32
      %cond3A_233 = arith.constant 0 : i32
      %cond3A_234 = arith.cmpi ne, %convert_element_type3A_232, %cond3A_233 : i32
      scf.if %cond3A_234 {
        %add3A_301 = arith.constant 2 : i32
        %add3A_302 = arith.addi %add3A_227, %add3A_301 : i32
        %mul3A_303 = arith.constant 48 : i32
        %mul3A_304 = arith.muli %add3A_302, %mul3A_303 : i32
        %dma_start3A_305 = tpu.memref_slice %arg7[%mul3A_304] : memref<5040xi32, #tpu.memory_space<vmem>> -> memref<48xi32, #tpu.memory_space<vmem>>
        %dma_start3A_306 = arith.constant 0 : i32
        %dma_start3A_307 = arith.constant 0 : i32
        %dma_start3A_308 = tpu.memref_slice %arg2[%dma_start3A_306, %dma_start3A_307] : memref<10240x128xf32, #tpu.memory_space<hbm>> -> memref<10240x128xf32, #tpu.memory_space<hbm>>
        tpu.enqueue_indirect_dma source(%dma_start3A_308 : memref<10240x128xf32, #tpu.memory_space<hbm>>) target(%arg11 : memref<48x128xf32, #tpu.memory_space<vmem>>) offsets(%dma_start3A_305 : memref<48xi32, #tpu.memory_space<vmem>>) semaphore(%arg21 : memref<!tpu.dma_semaphore, #tpu.memory_space<semaphore_mem>>)
      } else {
      }
      %mul3A_235 = arith.constant 48 : i32
      %mul3A_236 = arith.muli %add3A_227, %mul3A_235 : i32
      %dma_wait3A_237 = tpu.memref_slice %arg7[%mul3A_236] : memref<5040xi32, #tpu.memory_space<vmem>> -> memref<48xi32, #tpu.memory_space<vmem>>
      %dma_wait3A_238 = arith.constant 0 : i32
      %dma_wait3A_239 = arith.constant 0 : i32
      %dma_wait3A_240 = tpu.memref_slice %arg2[%dma_wait3A_238, %dma_wait3A_239] : memref<10240x128xf32, #tpu.memory_space<hbm>> -> memref<10240x128xf32, #tpu.memory_space<hbm>>
      tpu.wait_indirect_dma semaphore(%arg23 : memref<!tpu.dma_semaphore, #tpu.memory_space<semaphore_mem>>) src(%dma_wait3A_240 : memref<10240x128xf32, #tpu.memory_space<hbm>>) dst(%arg13 : memref<48x128xf32, #tpu.memory_space<vmem>>)
      %mul3A_241 = arith.constant 48 : i32
      %mul3A_242 = arith.muli %add3A_227, %mul3A_241 : i32
      %dma_wait3A_243 = tpu.memref_slice %arg8[%mul3A_242] : memref<5040xi32, #tpu.memory_space<vmem>> -> memref<48xi32, #tpu.memory_space<vmem>>
      %dma_wait3A_244 = arith.constant 0 : i32
      %dma_wait3A_245 = arith.constant 0 : i32
      %dma_wait3A_246 = tpu.memref_slice %arg3[%dma_wait3A_244, %dma_wait3A_245] : memref<10240x128xf32, #tpu.memory_space<hbm>> -> memref<10240x128xf32, #tpu.memory_space<hbm>>
      tpu.wait_indirect_dma semaphore(%arg24 : memref<!tpu.dma_semaphore, #tpu.memory_space<semaphore_mem>>) src(%dma_wait3A_246 : memref<10240x128xf32, #tpu.memory_space<hbm>>) dst(%arg14 : memref<48x128xf32, #tpu.memory_space<vmem>>)
      %mul3A_247 = arith.constant 48 : i32
      %mul3A_248 = arith.muli %add3A_227, %mul3A_247 : i32
      %add3A_249 = arith.constant 0 : i32
      %add3A_250 = arith.addi %mul3A_248, %add3A_249 : i32
      %get3A_251 = arith.index_cast %add3A_250 : i32 to index
      %get3A_252 = tpu.vector_load %arg8[%get3A_251] {strides = array<i32>} : memref<5040xi32, #tpu.memory_space<vmem>>, vector<16xi32>,
      %get3A_253 = vector.shape_cast %get3A_252 : vector<16xi32> to vector<16xi32>
      %swap3A_254 = arith.constant 0 : index
      %swap3A_255 = tpu.vector_load %arg17[%swap3A_254] {strides = array<i32>} : memref<48xi32, #tpu.memory_space<vmem>>, vector<16xi32>,
      %swap3A_256 = vector.shape_cast %swap3A_255 : vector<16xi32> to vector<16xi32>
      %swap3A_257 = vector.shape_cast %get3A_253 : vector<16xi32> to vector<16xi32>
      tpu.vector_store %arg17[%swap3A_254], %swap3A_257 {strides = array<i32>} : memref<48xi32, #tpu.memory_space<vmem>>, vector<16xi32>,
      %mul3A_258 = arith.constant 48 : i32
      %mul3A_259 = arith.muli %add3A_227, %mul3A_258 : i32
      %add3A_260 = arith.constant 16 : i32
      %add3A_261 = arith.addi %mul3A_259, %add3A_260 : i32
      %get3A_262 = arith.index_cast %add3A_261 : i32 to index
      %get3A_263 = tpu.vector_load %arg8[%get3A_262] {strides = array<i32>} : memref<5040xi32, #tpu.memory_space<vmem>>, vector<16xi32>,
      %get3A_264 = vector.shape_cast %get3A_263 : vector<16xi32> to vector<16xi32>
      %swap3A_265 = arith.constant 16 : index
      %swap3A_266 = tpu.vector_load %arg17[%swap3A_265] {strides = array<i32>} : memref<48xi32, #tpu.memory_space<vmem>>, vector<16xi32>,
      %swap3A_267 = vector.shape_cast %swap3A_266 : vector<16xi32> to vector<16xi32>
      %swap3A_268 = vector.shape_cast %get3A_264 : vector<16xi32> to vector<16xi32>
      tpu.vector_store %arg17[%swap3A_265], %swap3A_268 {strides = array<i32>} : memref<48xi32, #tpu.memory_space<vmem>>, vector<16xi32>,
      %mul3A_269 = arith.constant 48 : i32
      %mul3A_270 = arith.muli %add3A_227, %mul3A_269 : i32
      %add3A_271 = arith.constant 32 : i32
      %add3A_272 = arith.addi %mul3A_270, %add3A_271 : i32
      %get3A_273 = arith.index_cast %add3A_272 : i32 to index
      %get3A_274 = tpu.vector_load %arg8[%get3A_273] {strides = array<i32>} : memref<5040xi32, #tpu.memory_space<vmem>>, vector<16xi32>,
      %get3A_275 = vector.shape_cast %get3A_274 : vector<16xi32> to vector<16xi32>
      %swap3A_276 = arith.constant 32 : index
      %swap3A_277 = tpu.vector_load %arg17[%swap3A_276] {strides = array<i32>} : memref<48xi32, #tpu.memory_space<vmem>>, vector<16xi32>,
      %swap3A_278 = vector.shape_cast %swap3A_277 : vector<16xi32> to vector<16xi32>
      %swap3A_279 = vector.shape_cast %get3A_275 : vector<16xi32> to vector<16xi32>
      tpu.vector_store %arg17[%swap3A_276], %swap3A_279 {strides = array<i32>} : memref<48xi32, #tpu.memory_space<vmem>>, vector<16xi32>,
      %scan3A_280 = arith.constant 0 : i32
      %scan3A_281 = arith.constant 0 : i32
      %scan3A_282 = arith.constant 48 : i32
      %scan3A_283 = arith.addi %scan3A_281, %scan3A_282 : i32
      %scan3A_284 = arith.constant 1 : i32
      scf.for %scan3A_301 = %scan3A_281 to %scan3A_283 step %scan3A_284  : i32 {
        %get3A_302 = arith.index_cast %scan3A_301 : i32 to index
        %get3A_303 = arith.constant 0 : index
        %get3A_304 = tpu.vector_load %arg13[%get3A_302, %get3A_303] {strides = array<i32>} : memref<48x128xf32, #tpu.memory_space<vmem>>, vector<1x16xf32>,
        %get3A_305 = vector.shape_cast %get3A_304 : vector<1x16xf32> to vector<16xf32>
        %get3A_306 = arith.index_cast %scan3A_301 : i32 to index
        %get3A_307 = arith.constant 0 : index
        %get3A_308 = tpu.vector_load %arg14[%get3A_306, %get3A_307] {strides = array<i32>} : memref<48x128xf32, #tpu.memory_space<vmem>>, vector<1x16xf32>,
        %get3A_309 = vector.shape_cast %get3A_308 : vector<1x16xf32> to vector<16xf32>
        %add3A_310 = arith.addf %get3A_305, %get3A_309 : vector<16xf32>
        %max3A = arith.constant 0.000000e+00 : f32
        %max3A_311 = vector.broadcast %max3A : f32 to vector<16xf32>
        %max3A_312 = arith.maximumf %add3A_310, %max3A_311 : vector<16xf32>
        %swap3A_313 = arith.index_cast %scan3A_301 : i32 to index
        %swap3A_314 = arith.constant 0 : index
        %swap3A_315 = tpu.vector_load %arg14[%swap3A_313, %swap3A_314] {strides = array<i32>} : memref<48x128xf32, #tpu.memory_space<vmem>>, vector<1x16xf32>,
        %swap3A_316 = vector.shape_cast %swap3A_315 : vector<1x16xf32> to vector<16xf32>
        %swap3A_317 = vector.shape_cast %max3A_312 : vector<16xf32> to vector<1x16xf32>
        tpu.vector_store %arg14[%swap3A_313, %swap3A_314], %swap3A_317 {strides = array<i32>} : memref<48x128xf32, #tpu.memory_space<vmem>>, vector<1x16xf32>,
        %get3A_318 = arith.index_cast %scan3A_301 : i32 to index
        %get3A_319 = arith.constant 16 : index
        %get3A_320 = tpu.vector_load %arg13[%get3A_318, %get3A_319] {strides = array<i32>} : memref<48x128xf32, #tpu.memory_space<vmem>>, vector<1x16xf32>,
        %get3A_321 = vector.shape_cast %get3A_320 : vector<1x16xf32> to vector<16xf32>
        %get3A_322 = arith.index_cast %scan3A_301 : i32 to index
        %get3A_323 = arith.constant 16 : index
        %get3A_324 = tpu.vector_load %arg14[%get3A_322, %get3A_323] {strides = array<i32>} : memref<48x128xf32, #tpu.memory_space<vmem>>, vector<1x16xf32>,
        %get3A_325 = vector.shape_cast %get3A_324 : vector<1x16xf32> to vector<16xf32>
        %add3A_326 = arith.addf %get3A_321, %get3A_325 : vector<16xf32>
        %max3A_327 = arith.constant 0.000000e+00 : f32
        %max3A_328 = vector.broadcast %max3A_327 : f32 to vector<16xf32>
        %max3A_329 = arith.maximumf %add3A_326, %max3A_328 : vector<16xf32>
        %swap3A_330 = arith.index_cast %scan3A_301 : i32 to index
        %swap3A_331 = arith.constant 16 : index
        %swap3A_332 = tpu.vector_load %arg14[%swap3A_330, %swap3A_331] {strides = array<i32>} : memref<48x128xf32, #tpu.memory_space<vmem>>, vector<1x16xf32>,
        %swap3A_333 = vector.shape_cast %swap3A_332 : vector<1x16xf32> to vector<16xf32>
        %swap3A_334 = vector.shape_cast %max3A_329 : vector<16xf32> to vector<1x16xf32>
        tpu.vector_store %arg14[%swap3A_330, %swap3A_331], %swap3A_334 {strides = array<i32>} : memref<48x128xf32, #tpu.memory_space<vmem>>, vector<1x16xf32>,
        %get3A_335 = arith.index_cast %scan3A_301 : i32 to index
        %get3A_336 = arith.constant 32 : index
        %get3A_337 = tpu.vector_load %arg13[%get3A_335, %get3A_336] {strides = array<i32>} : memref<48x128xf32, #tpu.memory_space<vmem>>, vector<1x16xf32>,
        %get3A_338 = vector.shape_cast %get3A_337 : vector<1x16xf32> to vector<16xf32>
        %get3A_339 = arith.index_cast %scan3A_301 : i32 to index
        %get3A_340 = arith.constant 32 : index
        %get3A_341 = tpu.vector_load %arg14[%get3A_339, %get3A_340] {strides = array<i32>} : memref<48x128xf32, #tpu.memory_space<vmem>>, vector<1x16xf32>,
        %get3A_342 = vector.shape_cast %get3A_341 : vector<1x16xf32> to vector<16xf32>
        %add3A_343 = arith.addf %get3A_338, %get3A_342 : vector<16xf32>
        %max3A_344 = arith.constant 0.000000e+00 : f32
        %max3A_345 = vector.broadcast %max3A_344 : f32 to vector<16xf32>
        %max3A_346 = arith.maximumf %add3A_343, %max3A_345 : vector<16xf32>
        %swap3A_347 = arith.index_cast %scan3A_301 : i32 to index
        %swap3A_348 = arith.constant 32 : index
        %swap3A_349 = tpu.vector_load %arg14[%swap3A_347, %swap3A_348] {strides = array<i32>} : memref<48x128xf32, #tpu.memory_space<vmem>>, vector<1x16xf32>,
        %swap3A_350 = vector.shape_cast %swap3A_349 : vector<1x16xf32> to vector<16xf32>
        %swap3A_351 = vector.shape_cast %max3A_346 : vector<16xf32> to vector<1x16xf32>
        tpu.vector_store %arg14[%swap3A_347, %swap3A_348], %swap3A_351 {strides = array<i32>} : memref<48x128xf32, #tpu.memory_space<vmem>>, vector<1x16xf32>,
        %get3A_352 = arith.index_cast %scan3A_301 : i32 to index
        %get3A_353 = arith.constant 48 : index
        %get3A_354 = tpu.vector_load %arg13[%get3A_352, %get3A_353] {strides = array<i32>} : memref<48x128xf32, #tpu.memory_space<vmem>>, vector<1x16xf32>,
        %get3A_355 = vector.shape_cast %get3A_354 : vector<1x16xf32> to vector<16xf32>
        %get3A_356 = arith.index_cast %scan3A_301 : i32 to index
        %get3A_357 = arith.constant 48 : index
        %get3A_358 = tpu.vector_load %arg14[%get3A_356, %get3A_357] {strides = array<i32>} : memref<48x128xf32, #tpu.memory_space<vmem>>, vector<1x16xf32>,
        %get3A_359 = vector.shape_cast %get3A_358 : vector<1x16xf32> to vector<16xf32>
        %add3A_360 = arith.addf %get3A_355, %get3A_359 : vector<16xf32>
        %max3A_361 = arith.constant 0.000000e+00 : f32
        %max3A_362 = vector.broadcast %max3A_361 : f32 to vector<16xf32>
        %max3A_363 = arith.maximumf %add3A_360, %max3A_362 : vector<16xf32>
        %swap3A_364 = arith.index_cast %scan3A_301 : i32 to index
        %swap3A_365 = arith.constant 48 : index
        %swap3A_366 = tpu.vector_load %arg14[%swap3A_364, %swap3A_365] {strides = array<i32>} : memref<48x128xf32, #tpu.memory_space<vmem>>, vector<1x16xf32>,
        %swap3A_367 = vector.shape_cast %swap3A_366 : vector<1x16xf32> to vector<16xf32>
        %swap3A_368 = vector.shape_cast %max3A_363 : vector<16xf32> to vector<1x16xf32>
        tpu.vector_store %arg14[%swap3A_364, %swap3A_365], %swap3A_368 {strides = array<i32>} : memref<48x128xf32, #tpu.memory_space<vmem>>, vector<1x16xf32>,
        %get3A_369 = arith.index_cast %scan3A_301 : i32 to index
        %get3A_370 = arith.constant 64 : index
        %get3A_371 = tpu.vector_load %arg13[%get3A_369, %get3A_370] {strides = array<i32>} : memref<48x128xf32, #tpu.memory_space<vmem>>, vector<1x16xf32>,
        %get3A_372 = vector.shape_cast %get3A_371 : vector<1x16xf32> to vector<16xf32>
        %get3A_373 = arith.index_cast %scan3A_301 : i32 to index
        %get3A_374 = arith.constant 64 : index
        %get3A_375 = tpu.vector_load %arg14[%get3A_373, %get3A_374] {strides = array<i32>} : memref<48x128xf32, #tpu.memory_space<vmem>>, vector<1x16xf32>,
        %get3A_376 = vector.shape_cast %get3A_375 : vector<1x16xf32> to vector<16xf32>
        %add3A_377 = arith.addf %get3A_372, %get3A_376 : vector<16xf32>
        %max3A_378 = arith.constant 0.000000e+00 : f32
        %max3A_379 = vector.broadcast %max3A_378 : f32 to vector<16xf32>
        %max3A_380 = arith.maximumf %add3A_377, %max3A_379 : vector<16xf32>
        %swap3A_381 = arith.index_cast %scan3A_301 : i32 to index
        %swap3A_382 = arith.constant 64 : index
        %swap3A_383 = tpu.vector_load %arg14[%swap3A_381, %swap3A_382] {strides = array<i32>} : memref<48x128xf32, #tpu.memory_space<vmem>>, vector<1x16xf32>,
        %swap3A_384 = vector.shape_cast %swap3A_383 : vector<1x16xf32> to vector<16xf32>
        %swap3A_385 = vector.shape_cast %max3A_380 : vector<16xf32> to vector<1x16xf32>
        tpu.vector_store %arg14[%swap3A_381, %swap3A_382], %swap3A_385 {strides = array<i32>} : memref<48x128xf32, #tpu.memory_space<vmem>>, vector<1x16xf32>,
        %get3A_386 = arith.index_cast %scan3A_301 : i32 to index
        %get3A_387 = arith.constant 80 : index
        %get3A_388 = tpu.vector_load %arg13[%get3A_386, %get3A_387] {strides = array<i32>} : memref<48x128xf32, #tpu.memory_space<vmem>>, vector<1x16xf32>,
        %get3A_389 = vector.shape_cast %get3A_388 : vector<1x16xf32> to vector<16xf32>
        %get3A_390 = arith.index_cast %scan3A_301 : i32 to index
        %get3A_391 = arith.constant 80 : index
        %get3A_392 = tpu.vector_load %arg14[%get3A_390, %get3A_391] {strides = array<i32>} : memref<48x128xf32, #tpu.memory_space<vmem>>, vector<1x16xf32>,
        %get3A_393 = vector.shape_cast %get3A_392 : vector<1x16xf32> to vector<16xf32>
        %add3A_394 = arith.addf %get3A_389, %get3A_393 : vector<16xf32>
        %max3A_395 = arith.constant 0.000000e+00 : f32
        %max3A_396 = vector.broadcast %max3A_395 : f32 to vector<16xf32>
        %max3A_397 = arith.maximumf %add3A_394, %max3A_396 : vector<16xf32>
        %swap3A_398 = arith.index_cast %scan3A_301 : i32 to index
        %swap3A_399 = arith.constant 80 : index
        %swap3A_400 = tpu.vector_load %arg14[%swap3A_398, %swap3A_399] {strides = array<i32>} : memref<48x128xf32, #tpu.memory_space<vmem>>, vector<1x16xf32>,
        %swap3A_401 = vector.shape_cast %swap3A_400 : vector<1x16xf32> to vector<16xf32>
        %swap3A_402 = vector.shape_cast %max3A_397 : vector<16xf32> to vector<1x16xf32>
        tpu.vector_store %arg14[%swap3A_398, %swap3A_399], %swap3A_402 {strides = array<i32>} : memref<48x128xf32, #tpu.memory_space<vmem>>, vector<1x16xf32>,
        %get3A_403 = arith.index_cast %scan3A_301 : i32 to index
        %get3A_404 = arith.constant 96 : index
        %get3A_405 = tpu.vector_load %arg13[%get3A_403, %get3A_404] {strides = array<i32>} : memref<48x128xf32, #tpu.memory_space<vmem>>, vector<1x16xf32>,
        %get3A_406 = vector.shape_cast %get3A_405 : vector<1x16xf32> to vector<16xf32>
        %get3A_407 = arith.index_cast %scan3A_301 : i32 to index
        %get3A_408 = arith.constant 96 : index
        %get3A_409 = tpu.vector_load %arg14[%get3A_407, %get3A_408] {strides = array<i32>} : memref<48x128xf32, #tpu.memory_space<vmem>>, vector<1x16xf32>,
        %get3A_410 = vector.shape_cast %get3A_409 : vector<1x16xf32> to vector<16xf32>
        %add3A_411 = arith.addf %get3A_406, %get3A_410 : vector<16xf32>
        %max3A_412 = arith.constant 0.000000e+00 : f32
        %max3A_413 = vector.broadcast %max3A_412 : f32 to vector<16xf32>
        %max3A_414 = arith.maximumf %add3A_411, %max3A_413 : vector<16xf32>
        %swap3A_415 = arith.index_cast %scan3A_301 : i32 to index
        %swap3A_416 = arith.constant 96 : index
        %swap3A_417 = tpu.vector_load %arg14[%swap3A_415, %swap3A_416] {strides = array<i32>} : memref<48x128xf32, #tpu.memory_space<vmem>>, vector<1x16xf32>,
        %swap3A_418 = vector.shape_cast %swap3A_417 : vector<1x16xf32> to vector<16xf32>
        %swap3A_419 = vector.shape_cast %max3A_414 : vector<16xf32> to vector<1x16xf32>
        tpu.vector_store %arg14[%swap3A_415, %swap3A_416], %swap3A_419 {strides = array<i32>} : memref<48x128xf32, #tpu.memory_space<vmem>>, vector<1x16xf32>,
        %get3A_420 = arith.index_cast %scan3A_301 : i32 to index
        %get3A_421 = arith.constant 112 : index
        %get3A_422 = tpu.vector_load %arg13[%get3A_420, %get3A_421] {strides = array<i32>} : memref<48x128xf32, #tpu.memory_space<vmem>>, vector<1x16xf32>,
        %get3A_423 = vector.shape_cast %get3A_422 : vector<1x16xf32> to vector<16xf32>
        %get3A_424 = arith.index_cast %scan3A_301 : i32 to index
        %get3A_425 = arith.constant 112 : index
        %get3A_426 = tpu.vector_load %arg14[%get3A_424, %get3A_425] {strides = array<i32>} : memref<48x128xf32, #tpu.memory_space<vmem>>, vector<1x16xf32>,
        %get3A_427 = vector.shape_cast %get3A_426 : vector<1x16xf32> to vector<16xf32>
        %add3A_428 = arith.addf %get3A_423, %get3A_427 : vector<16xf32>
        %max3A_429 = arith.constant 0.000000e+00 : f32
        %max3A_430 = vector.broadcast %max3A_429 : f32 to vector<16xf32>
        %max3A_431 = arith.maximumf %add3A_428, %max3A_430 : vector<16xf32>
        %swap3A_432 = arith.index_cast %scan3A_301 : i32 to index
        %swap3A_433 = arith.constant 112 : index
        %swap3A_434 = tpu.vector_load %arg14[%swap3A_432, %swap3A_433] {strides = array<i32>} : memref<48x128xf32, #tpu.memory_space<vmem>>, vector<1x16xf32>,
        %swap3A_435 = vector.shape_cast %swap3A_434 : vector<1x16xf32> to vector<16xf32>
        %swap3A_436 = vector.shape_cast %max3A_431 : vector<16xf32> to vector<1x16xf32>
        tpu.vector_store %arg14[%swap3A_432, %swap3A_433], %swap3A_436 {strides = array<i32>} : memref<48x128xf32, #tpu.memory_space<vmem>>, vector<1x16xf32>,
      }
      %scan3A_285 = arith.constant 48 : i32
      %dma_start3A_286 = arith.constant 0 : i32
      %dma_start3A_287 = arith.constant 0 : i32
      %dma_start3A_288 = tpu.memref_slice %arg18[%dma_start3A_286, %dma_start3A_287] : memref<10240x128xf32, #tpu.memory_space<vmem_shared>> -> memref<10240x128xf32, #tpu.memory_space<vmem_shared>>
      tpu.enqueue_indirect_dma source(%arg14 : memref<48x128xf32, #tpu.memory_space<vmem>>) target(%dma_start3A_288 : memref<10240x128xf32, #tpu.memory_space<vmem_shared>>) offsets(%arg17 : memref<48xi32, #tpu.memory_space<vmem>>) semaphore(%arg27 : memref<!tpu.dma_semaphore, #tpu.memory_space<semaphore_mem>>) {add = true}
      %gt3A_289 = arith.constant 0 : i32
      %gt3A_290 = arith.cmpi sgt, %add3A_227, %gt3A_289 : i32
      %convert_element_type3A_291 = arith.extui %gt3A_290 : i1 to i32
      %cond3A_292 = arith.constant 0 : i32
      %cond3A_293 = arith.cmpi ne, %convert_element_type3A_291, %cond3A_292 : i32
      scf.if %cond3A_293 {
        %dma_wait3A_301 = arith.constant 0 : i32
        %dma_wait3A_302 = arith.constant 0 : i32
        %dma_wait3A_303 = tpu.memref_slice %arg18[%dma_wait3A_301, %dma_wait3A_302] : memref<10240x128xf32, #tpu.memory_space<vmem_shared>> -> memref<10240x128xf32, #tpu.memory_space<vmem_shared>>
        tpu.wait_indirect_dma semaphore(%arg26 : memref<!tpu.dma_semaphore, #tpu.memory_space<semaphore_mem>>) src(%arg12 : memref<48x128xf32, #tpu.memory_space<vmem>>) dst(%dma_wait3A_303 : memref<10240x128xf32, #tpu.memory_space<vmem_shared>>)
      } else {
      }
      %add3A_294 = arith.constant 2 : i32
      %add3A_295 = arith.addi %add3A_227, %add3A_294 : i32
      %lt3A_296 = arith.constant 105 : i32
      %lt3A_297 = arith.cmpi slt, %add3A_295, %lt3A_296 : i32
      %convert_element_type3A_298 = arith.extui %lt3A_297 : i1 to i32
      %cond3A_299 = arith.constant 0 : i32
      %cond3A_300 = arith.cmpi ne, %convert_element_type3A_298, %cond3A_299 : i32
      scf.if %cond3A_300 {
        %add3A_301 = arith.constant 2 : i32
        %add3A_302 = arith.addi %add3A_227, %add3A_301 : i32
        %mul3A_303 = arith.constant 48 : i32
        %mul3A_304 = arith.muli %add3A_302, %mul3A_303 : i32
        %dma_start3A_305 = tpu.memref_slice %arg8[%mul3A_304] : memref<5040xi32, #tpu.memory_space<vmem>> -> memref<48xi32, #tpu.memory_space<vmem>>
        %dma_start3A_306 = arith.constant 0 : i32
        %dma_start3A_307 = arith.constant 0 : i32
        %dma_start3A_308 = tpu.memref_slice %arg3[%dma_start3A_306, %dma_start3A_307] : memref<10240x128xf32, #tpu.memory_space<hbm>> -> memref<10240x128xf32, #tpu.memory_space<hbm>>
        tpu.enqueue_indirect_dma source(%dma_start3A_308 : memref<10240x128xf32, #tpu.memory_space<hbm>>) target(%arg12 : memref<48x128xf32, #tpu.memory_space<vmem>>) offsets(%dma_start3A_305 : memref<48xi32, #tpu.memory_space<vmem>>) semaphore(%arg22 : memref<!tpu.dma_semaphore, #tpu.memory_space<semaphore_mem>>)
      } else {
      }
    }
    %scan3A_40 = arith.constant 35 : i32
    %dma_wait3A = arith.constant 0 : i32
    %dma_wait3A_41 = arith.constant 0 : i32
    %dma_wait3A_42 = tpu.memref_slice %arg18[%dma_wait3A, %dma_wait3A_41] : memref<10240x128xf32, #tpu.memory_space<vmem_shared>> -> memref<10240x128xf32, #tpu.memory_space<vmem_shared>>
    tpu.wait_indirect_dma semaphore(%arg27 : memref<!tpu.dma_semaphore, #tpu.memory_space<semaphore_mem>>) src(%arg14 : memref<48x128xf32, #tpu.memory_space<vmem>>) dst(%dma_wait3A_42 : memref<10240x128xf32, #tpu.memory_space<vmem_shared>>)
    %run_scoped3A_43 = arith.constant 1 : i32
    "tpu.region"() ({
      %run_scoped3A_75 = tpu.sem_alloc : memref<!tpu.dma_semaphore, #tpu.memory_space<semaphore_mem>>
      %dma_start3A_76 = arith.constant 0 : i32
      %dma_start3A_77 = tpu.memref_slice %arg4[%add3A, %run_scoped3A_43, %dma_start3A_76] : memref<32x2x5040xi32, #tpu.memory_space<hbm>> -> memref<1x1x5040xi32, #tpu.memory_space<hbm>>
      %dma_start3A_78 = tpu.memref_squeeze %dma_start3A_77 : memref<1x1x5040xi32, #tpu.memory_space<hbm>> -> memref<5040xi32, #tpu.memory_space<hbm>>
      %dma_start3A_79 = arith.constant 0 : i32
      %dma_start3A_80 = tpu.memref_slice %arg4[%add3A, %run_scoped3A_43, %dma_start3A_79] : memref<32x2x5040xi32, #tpu.memory_space<hbm>> -> memref<1x1x5040xi32, #tpu.memory_space<hbm>>
      %dma_start3A_81 = tpu.memref_squeeze %dma_start3A_80 : memref<1x1x5040xi32, #tpu.memory_space<hbm>> -> memref<5040xi32, #tpu.memory_space<hbm>>
      tpu.enqueue_dma source(%dma_start3A_81 : memref<5040xi32, #tpu.memory_space<hbm>>) target(%arg7 : memref<5040xi32, #tpu.memory_space<vmem>>) target_semaphore(%run_scoped3A_75 : memref<!tpu.dma_semaphore, #tpu.memory_space<semaphore_mem>>)
      %dma_wait3A_82 = arith.constant 0 : i32
      %dma_wait3A_83 = tpu.memref_slice %arg4[%add3A, %run_scoped3A_43, %dma_wait3A_82] : memref<32x2x5040xi32, #tpu.memory_space<hbm>> -> memref<1x1x5040xi32, #tpu.memory_space<hbm>>
      %dma_wait3A_84 = tpu.memref_squeeze %dma_wait3A_83 : memref<1x1x5040xi32, #tpu.memory_space<hbm>> -> memref<5040xi32, #tpu.memory_space<hbm>>
      %dma_wait3A_85 = arith.constant 0 : i32
      %dma_wait3A_86 = tpu.memref_slice %arg4[%add3A, %run_scoped3A_43, %dma_wait3A_85] : memref<32x2x5040xi32, #tpu.memory_space<hbm>> -> memref<1x1x5040xi32, #tpu.memory_space<hbm>>
      %dma_wait3A_87 = tpu.memref_squeeze %dma_wait3A_86 : memref<1x1x5040xi32, #tpu.memory_space<hbm>> -> memref<5040xi32, #tpu.memory_space<hbm>>
      tpu.wait_dma2 semaphore(%run_scoped3A_75 : memref<!tpu.dma_semaphore, #tpu.memory_space<semaphore_mem>>) src(%dma_wait3A_87 : memref<5040xi32, #tpu.memory_space<hbm>>) dst(%arg7 : memref<5040xi32, #tpu.memory_space<vmem>>)
      tpu.yield
    }) : () -> ()
    %run_scoped3A_44 = arith.constant 1 : i32
    "tpu.region"() ({
      %run_scoped3A_75 = tpu.sem_alloc : memref<!tpu.dma_semaphore, #tpu.memory_space<semaphore_mem>>
      %dma_start3A_76 = arith.constant 0 : i32
      %dma_start3A_77 = tpu.memref_slice %arg5[%add3A, %run_scoped3A_44, %dma_start3A_76] : memref<32x2x5040xi32, #tpu.memory_space<hbm>> -> memref<1x1x5040xi32, #tpu.memory_space<hbm>>
      %dma_start3A_78 = tpu.memref_squeeze %dma_start3A_77 : memref<1x1x5040xi32, #tpu.memory_space<hbm>> -> memref<5040xi32, #tpu.memory_space<hbm>>
      %dma_start3A_79 = arith.constant 0 : i32
      %dma_start3A_80 = tpu.memref_slice %arg5[%add3A, %run_scoped3A_44, %dma_start3A_79] : memref<32x2x5040xi32, #tpu.memory_space<hbm>> -> memref<1x1x5040xi32, #tpu.memory_space<hbm>>
      %dma_start3A_81 = tpu.memref_squeeze %dma_start3A_80 : memref<1x1x5040xi32, #tpu.memory_space<hbm>> -> memref<5040xi32, #tpu.memory_space<hbm>>
      tpu.enqueue_dma source(%dma_start3A_81 : memref<5040xi32, #tpu.memory_space<hbm>>) target(%arg8 : memref<5040xi32, #tpu.memory_space<vmem>>) target_semaphore(%run_scoped3A_75 : memref<!tpu.dma_semaphore, #tpu.memory_space<semaphore_mem>>)
      %dma_wait3A_82 = arith.constant 0 : i32
      %dma_wait3A_83 = tpu.memref_slice %arg5[%add3A, %run_scoped3A_44, %dma_wait3A_82] : memref<32x2x5040xi32, #tpu.memory_space<hbm>> -> memref<1x1x5040xi32, #tpu.memory_space<hbm>>
      %dma_wait3A_84 = tpu.memref_squeeze %dma_wait3A_83 : memref<1x1x5040xi32, #tpu.memory_space<hbm>> -> memref<5040xi32, #tpu.memory_space<hbm>>
      %dma_wait3A_85 = arith.constant 0 : i32
      %dma_wait3A_86 = tpu.memref_slice %arg5[%add3A, %run_scoped3A_44, %dma_wait3A_85] : memref<32x2x5040xi32, #tpu.memory_space<hbm>> -> memref<1x1x5040xi32, #tpu.memory_space<hbm>>
      %dma_wait3A_87 = tpu.memref_squeeze %dma_wait3A_86 : memref<1x1x5040xi32, #tpu.memory_space<hbm>> -> memref<5040xi32, #tpu.memory_space<hbm>>
      tpu.wait_dma2 semaphore(%run_scoped3A_75 : memref<!tpu.dma_semaphore, #tpu.memory_space<semaphore_mem>>) src(%dma_wait3A_87 : memref<5040xi32, #tpu.memory_space<hbm>>) dst(%arg8 : memref<5040xi32, #tpu.memory_space<vmem>>)
      tpu.yield
    }) : () -> ()
    %dma_start3A_45 = arith.constant 0 : i32
    %dma_start3A_46 = tpu.memref_slice %arg7[%dma_start3A_45] : memref<5040xi32, #tpu.memory_space<vmem>> -> memref<48xi32, #tpu.memory_space<vmem>>
    %dma_start3A_47 = arith.constant 0 : i32
    %dma_start3A_48 = arith.constant 0 : i32
    %dma_start3A_49 = tpu.memref_slice %arg2[%dma_start3A_47, %dma_start3A_48] : memref<10240x128xf32, #tpu.memory_space<hbm>> -> memref<10240x128xf32, #tpu.memory_space<hbm>>
    tpu.enqueue_indirect_dma source(%dma_start3A_49 : memref<10240x128xf32, #tpu.memory_space<hbm>>) target(%arg9 : memref<48x128xf32, #tpu.memory_space<vmem>>) offsets(%dma_start3A_46 : memref<48xi32, #tpu.memory_space<vmem>>) semaphore(%arg19 : memref<!tpu.dma_semaphore, #tpu.memory_space<semaphore_mem>>)
    %dma_start3A_50 = arith.constant 0 : i32
    %dma_start3A_51 = tpu.memref_slice %arg8[%dma_start3A_50] : memref<5040xi32, #tpu.memory_space<vmem>> -> memref<48xi32, #tpu.memory_space<vmem>>
    %dma_start3A_52 = arith.constant 0 : i32
    %dma_start3A_53 = arith.constant 0 : i32
    %dma_start3A_54 = tpu.memref_slice %arg3[%dma_start3A_52, %dma_start3A_53] : memref<10240x128xf32, #tpu.memory_space<hbm>> -> memref<10240x128xf32, #tpu.memory_space<hbm>>
    tpu.enqueue_indirect_dma source(%dma_start3A_54 : memref<10240x128xf32, #tpu.memory_space<hbm>>) target(%arg10 : memref<48x128xf32, #tpu.memory_space<vmem>>) offsets(%dma_start3A_51 : memref<48xi32, #tpu.memory_space<vmem>>) semaphore(%arg20 : memref<!tpu.dma_semaphore, #tpu.memory_space<semaphore_mem>>)
    %dma_start3A_55 = arith.constant 48 : i32
    %dma_start3A_56 = tpu.memref_slice %arg7[%dma_start3A_55] : memref<5040xi32, #tpu.memory_space<vmem>> -> memref<48xi32, #tpu.memory_space<vmem>>
    %dma_start3A_57 = arith.constant 0 : i32
    %dma_start3A_58 = arith.constant 0 : i32
    %dma_start3A_59 = tpu.memref_slice %arg2[%dma_start3A_57, %dma_start3A_58] : memref<10240x128xf32, #tpu.memory_space<hbm>> -> memref<10240x128xf32, #tpu.memory_space<hbm>>
    tpu.enqueue_indirect_dma source(%dma_start3A_59 : memref<10240x128xf32, #tpu.memory_space<hbm>>) target(%arg11 : memref<48x128xf32, #tpu.memory_space<vmem>>) offsets(%dma_start3A_56 : memref<48xi32, #tpu.memory_space<vmem>>) semaphore(%arg21 : memref<!tpu.dma_semaphore, #tpu.memory_space<semaphore_mem>>)
    %dma_start3A_60 = arith.constant 48 : i32
    %dma_start3A_61 = tpu.memref_slice %arg8[%dma_start3A_60] : memref<5040xi32, #tpu.memory_space<vmem>> -> memref<48xi32, #tpu.memory_space<vmem>>
    %dma_start3A_62 = arith.constant 0 : i32
    %dma_start3A_63 = arith.constant 0 : i32
    %dma_start3A_64 = tpu.memref_slice %arg3[%dma_start3A_62, %dma_start3A_63] : memref<10240x128xf32, #tpu.memory_space<hbm>> -> memref<10240x128xf32, #tpu.memory_space<hbm>>
    tpu.enqueue_indirect_dma source(%dma_start3A_64 : memref<10240x128xf32, #tpu.memory_space<hbm>>) target(%arg12 : memref<48x128xf32, #tpu.memory_space<vmem>>) offsets(%dma_start3A_61 : memref<48xi32, #tpu.memory_space<vmem>>) semaphore(%arg22 : memref<!tpu.dma_semaphore, #tpu.memory_space<semaphore_mem>>)
    %scan3A_65 = arith.constant 0 : i32
    %scan3A_66 = arith.constant 0 : i32
    %scan3A_67 = arith.constant 35 : i32
    %scan3A_68 = arith.addi %scan3A_66, %scan3A_67 : i32
    %scan3A_69 = arith.constant 1 : i32
    scf.for %scan3A_75 = %scan3A_66 to %scan3A_68 step %scan3A_69  : i32 {
      %mul3A_76 = arith.constant 3 : i32
      %mul3A_77 = arith.muli %mul3A_76, %scan3A_75 : i32
      %add3A_78 = arith.constant 0 : i32
      %add3A_79 = arith.addi %mul3A_77, %add3A_78 : i32
      %add3A_80 = arith.constant 2 : i32
      %add3A_81 = arith.addi %add3A_79, %add3A_80 : i32
      %lt3A = arith.constant 105 : i32
      %lt3A_82 = arith.cmpi slt, %add3A_81, %lt3A : i32
      %convert_element_type3A = arith.extui %lt3A_82 : i1 to i32
      %cond3A = arith.constant 0 : i32
      %cond3A_83 = arith.cmpi ne, %convert_element_type3A, %cond3A : i32
      scf.if %cond3A_83 {
        %add3A_301 = arith.constant 2 : i32
        %add3A_302 = arith.addi %add3A_79, %add3A_301 : i32
        %mul3A_303 = arith.constant 48 : i32
        %mul3A_304 = arith.muli %add3A_302, %mul3A_303 : i32
        %dma_start3A_305 = tpu.memref_slice %arg7[%mul3A_304] : memref<5040xi32, #tpu.memory_space<vmem>> -> memref<48xi32, #tpu.memory_space<vmem>>
        %dma_start3A_306 = arith.constant 0 : i32
        %dma_start3A_307 = arith.constant 0 : i32
        %dma_start3A_308 = tpu.memref_slice %arg2[%dma_start3A_306, %dma_start3A_307] : memref<10240x128xf32, #tpu.memory_space<hbm>> -> memref<10240x128xf32, #tpu.memory_space<hbm>>
        tpu.enqueue_indirect_dma source(%dma_start3A_308 : memref<10240x128xf32, #tpu.memory_space<hbm>>) target(%arg13 : memref<48x128xf32, #tpu.memory_space<vmem>>) offsets(%dma_start3A_305 : memref<48xi32, #tpu.memory_space<vmem>>) semaphore(%arg23 : memref<!tpu.dma_semaphore, #tpu.memory_space<semaphore_mem>>)
      } else {
      }
      %mul3A_84 = arith.constant 48 : i32
      %mul3A_85 = arith.muli %add3A_79, %mul3A_84 : i32
      %dma_wait3A_86 = tpu.memref_slice %arg7[%mul3A_85] : memref<5040xi32, #tpu.memory_space<vmem>> -> memref<48xi32, #tpu.memory_space<vmem>>
      %dma_wait3A_87 = arith.constant 0 : i32
      %dma_wait3A_88 = arith.constant 0 : i32
      %dma_wait3A_89 = tpu.memref_slice %arg2[%dma_wait3A_87, %dma_wait3A_88] : memref<10240x128xf32, #tpu.memory_space<hbm>> -> memref<10240x128xf32, #tpu.memory_space<hbm>>
      tpu.wait_indirect_dma semaphore(%arg19 : memref<!tpu.dma_semaphore, #tpu.memory_space<semaphore_mem>>) src(%dma_wait3A_89 : memref<10240x128xf32, #tpu.memory_space<hbm>>) dst(%arg9 : memref<48x128xf32, #tpu.memory_space<vmem>>)
      %mul3A_90 = arith.constant 48 : i32
      %mul3A_91 = arith.muli %add3A_79, %mul3A_90 : i32
      %dma_wait3A_92 = tpu.memref_slice %arg8[%mul3A_91] : memref<5040xi32, #tpu.memory_space<vmem>> -> memref<48xi32, #tpu.memory_space<vmem>>
      %dma_wait3A_93 = arith.constant 0 : i32
      %dma_wait3A_94 = arith.constant 0 : i32
      %dma_wait3A_95 = tpu.memref_slice %arg3[%dma_wait3A_93, %dma_wait3A_94] : memref<10240x128xf32, #tpu.memory_space<hbm>> -> memref<10240x128xf32, #tpu.memory_space<hbm>>
      tpu.wait_indirect_dma semaphore(%arg20 : memref<!tpu.dma_semaphore, #tpu.memory_space<semaphore_mem>>) src(%dma_wait3A_95 : memref<10240x128xf32, #tpu.memory_space<hbm>>) dst(%arg10 : memref<48x128xf32, #tpu.memory_space<vmem>>)
      %mul3A_96 = arith.constant 48 : i32
      %mul3A_97 = arith.muli %add3A_79, %mul3A_96 : i32
      %add3A_98 = arith.constant 0 : i32
      %add3A_99 = arith.addi %mul3A_97, %add3A_98 : i32
      %get3A = arith.index_cast %add3A_99 : i32 to index
      %get3A_100 = tpu.vector_load %arg8[%get3A] {strides = array<i32>} : memref<5040xi32, #tpu.memory_space<vmem>>, vector<16xi32>,
      %get3A_101 = vector.shape_cast %get3A_100 : vector<16xi32> to vector<16xi32>
      %swap3A = arith.constant 0 : index
      %swap3A_102 = tpu.vector_load %arg15[%swap3A] {strides = array<i32>} : memref<48xi32, #tpu.memory_space<vmem>>, vector<16xi32>,
      %swap3A_103 = vector.shape_cast %swap3A_102 : vector<16xi32> to vector<16xi32>
      %swap3A_104 = vector.shape_cast %get3A_101 : vector<16xi32> to vector<16xi32>
      tpu.vector_store %arg15[%swap3A], %swap3A_104 {strides = array<i32>} : memref<48xi32, #tpu.memory_space<vmem>>, vector<16xi32>,
      %mul3A_105 = arith.constant 48 : i32
      %mul3A_106 = arith.muli %add3A_79, %mul3A_105 : i32
      %add3A_107 = arith.constant 16 : i32
      %add3A_108 = arith.addi %mul3A_106, %add3A_107 : i32
      %get3A_109 = arith.index_cast %add3A_108 : i32 to index
      %get3A_110 = tpu.vector_load %arg8[%get3A_109] {strides = array<i32>} : memref<5040xi32, #tpu.memory_space<vmem>>, vector<16xi32>,
      %get3A_111 = vector.shape_cast %get3A_110 : vector<16xi32> to vector<16xi32>
      %swap3A_112 = arith.constant 16 : index
      %swap3A_113 = tpu.vector_load %arg15[%swap3A_112] {strides = array<i32>} : memref<48xi32, #tpu.memory_space<vmem>>, vector<16xi32>,
      %swap3A_114 = vector.shape_cast %swap3A_113 : vector<16xi32> to vector<16xi32>
      %swap3A_115 = vector.shape_cast %get3A_111 : vector<16xi32> to vector<16xi32>
      tpu.vector_store %arg15[%swap3A_112], %swap3A_115 {strides = array<i32>} : memref<48xi32, #tpu.memory_space<vmem>>, vector<16xi32>,
      %mul3A_116 = arith.constant 48 : i32
      %mul3A_117 = arith.muli %add3A_79, %mul3A_116 : i32
      %add3A_118 = arith.constant 32 : i32
      %add3A_119 = arith.addi %mul3A_117, %add3A_118 : i32
      %get3A_120 = arith.index_cast %add3A_119 : i32 to index
      %get3A_121 = tpu.vector_load %arg8[%get3A_120] {strides = array<i32>} : memref<5040xi32, #tpu.memory_space<vmem>>, vector<16xi32>,
      %get3A_122 = vector.shape_cast %get3A_121 : vector<16xi32> to vector<16xi32>
      %swap3A_123 = arith.constant 32 : index
      %swap3A_124 = tpu.vector_load %arg15[%swap3A_123] {strides = array<i32>} : memref<48xi32, #tpu.memory_space<vmem>>, vector<16xi32>,
      %swap3A_125 = vector.shape_cast %swap3A_124 : vector<16xi32> to vector<16xi32>
      %swap3A_126 = vector.shape_cast %get3A_122 : vector<16xi32> to vector<16xi32>
      tpu.vector_store %arg15[%swap3A_123], %swap3A_126 {strides = array<i32>} : memref<48xi32, #tpu.memory_space<vmem>>, vector<16xi32>,
      %scan3A_127 = arith.constant 0 : i32
      %scan3A_128 = arith.constant 0 : i32
      %scan3A_129 = arith.constant 48 : i32
      %scan3A_130 = arith.addi %scan3A_128, %scan3A_129 : i32
      %scan3A_131 = arith.constant 1 : i32
      scf.for %scan3A_301 = %scan3A_128 to %scan3A_130 step %scan3A_131  : i32 {
        %get3A_302 = arith.index_cast %scan3A_301 : i32 to index
        %get3A_303 = arith.constant 0 : index
        %get3A_304 = tpu.vector_load %arg9[%get3A_302, %get3A_303] {strides = array<i32>} : memref<48x128xf32, #tpu.memory_space<vmem>>, vector<1x16xf32>,
        %get3A_305 = vector.shape_cast %get3A_304 : vector<1x16xf32> to vector<16xf32>
        %get3A_306 = arith.index_cast %scan3A_301 : i32 to index
        %get3A_307 = arith.constant 0 : index
        %get3A_308 = tpu.vector_load %arg10[%get3A_306, %get3A_307] {strides = array<i32>} : memref<48x128xf32, #tpu.memory_space<vmem>>, vector<1x16xf32>,
        %get3A_309 = vector.shape_cast %get3A_308 : vector<1x16xf32> to vector<16xf32>
        %add3A_310 = arith.addf %get3A_305, %get3A_309 : vector<16xf32>
        %max3A = arith.constant 0.000000e+00 : f32
        %max3A_311 = vector.broadcast %max3A : f32 to vector<16xf32>
        %max3A_312 = arith.maximumf %add3A_310, %max3A_311 : vector<16xf32>
        %swap3A_313 = arith.index_cast %scan3A_301 : i32 to index
        %swap3A_314 = arith.constant 0 : index
        %swap3A_315 = tpu.vector_load %arg10[%swap3A_313, %swap3A_314] {strides = array<i32>} : memref<48x128xf32, #tpu.memory_space<vmem>>, vector<1x16xf32>,
        %swap3A_316 = vector.shape_cast %swap3A_315 : vector<1x16xf32> to vector<16xf32>
        %swap3A_317 = vector.shape_cast %max3A_312 : vector<16xf32> to vector<1x16xf32>
        tpu.vector_store %arg10[%swap3A_313, %swap3A_314], %swap3A_317 {strides = array<i32>} : memref<48x128xf32, #tpu.memory_space<vmem>>, vector<1x16xf32>,
        %get3A_318 = arith.index_cast %scan3A_301 : i32 to index
        %get3A_319 = arith.constant 16 : index
        %get3A_320 = tpu.vector_load %arg9[%get3A_318, %get3A_319] {strides = array<i32>} : memref<48x128xf32, #tpu.memory_space<vmem>>, vector<1x16xf32>,
        %get3A_321 = vector.shape_cast %get3A_320 : vector<1x16xf32> to vector<16xf32>
        %get3A_322 = arith.index_cast %scan3A_301 : i32 to index
        %get3A_323 = arith.constant 16 : index
        %get3A_324 = tpu.vector_load %arg10[%get3A_322, %get3A_323] {strides = array<i32>} : memref<48x128xf32, #tpu.memory_space<vmem>>, vector<1x16xf32>,
        %get3A_325 = vector.shape_cast %get3A_324 : vector<1x16xf32> to vector<16xf32>
        %add3A_326 = arith.addf %get3A_321, %get3A_325 : vector<16xf32>
        %max3A_327 = arith.constant 0.000000e+00 : f32
        %max3A_328 = vector.broadcast %max3A_327 : f32 to vector<16xf32>
        %max3A_329 = arith.maximumf %add3A_326, %max3A_328 : vector<16xf32>
        %swap3A_330 = arith.index_cast %scan3A_301 : i32 to index
        %swap3A_331 = arith.constant 16 : index
        %swap3A_332 = tpu.vector_load %arg10[%swap3A_330, %swap3A_331] {strides = array<i32>} : memref<48x128xf32, #tpu.memory_space<vmem>>, vector<1x16xf32>,
        %swap3A_333 = vector.shape_cast %swap3A_332 : vector<1x16xf32> to vector<16xf32>
        %swap3A_334 = vector.shape_cast %max3A_329 : vector<16xf32> to vector<1x16xf32>
        tpu.vector_store %arg10[%swap3A_330, %swap3A_331], %swap3A_334 {strides = array<i32>} : memref<48x128xf32, #tpu.memory_space<vmem>>, vector<1x16xf32>,
        %get3A_335 = arith.index_cast %scan3A_301 : i32 to index
        %get3A_336 = arith.constant 32 : index
        %get3A_337 = tpu.vector_load %arg9[%get3A_335, %get3A_336] {strides = array<i32>} : memref<48x128xf32, #tpu.memory_space<vmem>>, vector<1x16xf32>,
        %get3A_338 = vector.shape_cast %get3A_337 : vector<1x16xf32> to vector<16xf32>
        %get3A_339 = arith.index_cast %scan3A_301 : i32 to index
        %get3A_340 = arith.constant 32 : index
        %get3A_341 = tpu.vector_load %arg10[%get3A_339, %get3A_340] {strides = array<i32>} : memref<48x128xf32, #tpu.memory_space<vmem>>, vector<1x16xf32>,
        %get3A_342 = vector.shape_cast %get3A_341 : vector<1x16xf32> to vector<16xf32>
        %add3A_343 = arith.addf %get3A_338, %get3A_342 : vector<16xf32>
        %max3A_344 = arith.constant 0.000000e+00 : f32
        %max3A_345 = vector.broadcast %max3A_344 : f32 to vector<16xf32>
        %max3A_346 = arith.maximumf %add3A_343, %max3A_345 : vector<16xf32>
        %swap3A_347 = arith.index_cast %scan3A_301 : i32 to index
        %swap3A_348 = arith.constant 32 : index
        %swap3A_349 = tpu.vector_load %arg10[%swap3A_347, %swap3A_348] {strides = array<i32>} : memref<48x128xf32, #tpu.memory_space<vmem>>, vector<1x16xf32>,
        %swap3A_350 = vector.shape_cast %swap3A_349 : vector<1x16xf32> to vector<16xf32>
        %swap3A_351 = vector.shape_cast %max3A_346 : vector<16xf32> to vector<1x16xf32>
        tpu.vector_store %arg10[%swap3A_347, %swap3A_348], %swap3A_351 {strides = array<i32>} : memref<48x128xf32, #tpu.memory_space<vmem>>, vector<1x16xf32>,
        %get3A_352 = arith.index_cast %scan3A_301 : i32 to index
        %get3A_353 = arith.constant 48 : index
        %get3A_354 = tpu.vector_load %arg9[%get3A_352, %get3A_353] {strides = array<i32>} : memref<48x128xf32, #tpu.memory_space<vmem>>, vector<1x16xf32>,
        %get3A_355 = vector.shape_cast %get3A_354 : vector<1x16xf32> to vector<16xf32>
        %get3A_356 = arith.index_cast %scan3A_301 : i32 to index
        %get3A_357 = arith.constant 48 : index
        %get3A_358 = tpu.vector_load %arg10[%get3A_356, %get3A_357] {strides = array<i32>} : memref<48x128xf32, #tpu.memory_space<vmem>>, vector<1x16xf32>,
        %get3A_359 = vector.shape_cast %get3A_358 : vector<1x16xf32> to vector<16xf32>
        %add3A_360 = arith.addf %get3A_355, %get3A_359 : vector<16xf32>
        %max3A_361 = arith.constant 0.000000e+00 : f32
        %max3A_362 = vector.broadcast %max3A_361 : f32 to vector<16xf32>
        %max3A_363 = arith.maximumf %add3A_360, %max3A_362 : vector<16xf32>
        %swap3A_364 = arith.index_cast %scan3A_301 : i32 to index
        %swap3A_365 = arith.constant 48 : index
        %swap3A_366 = tpu.vector_load %arg10[%swap3A_364, %swap3A_365] {strides = array<i32>} : memref<48x128xf32, #tpu.memory_space<vmem>>, vector<1x16xf32>,
        %swap3A_367 = vector.shape_cast %swap3A_366 : vector<1x16xf32> to vector<16xf32>
        %swap3A_368 = vector.shape_cast %max3A_363 : vector<16xf32> to vector<1x16xf32>
        tpu.vector_store %arg10[%swap3A_364, %swap3A_365], %swap3A_368 {strides = array<i32>} : memref<48x128xf32, #tpu.memory_space<vmem>>, vector<1x16xf32>,
        %get3A_369 = arith.index_cast %scan3A_301 : i32 to index
        %get3A_370 = arith.constant 64 : index
        %get3A_371 = tpu.vector_load %arg9[%get3A_369, %get3A_370] {strides = array<i32>} : memref<48x128xf32, #tpu.memory_space<vmem>>, vector<1x16xf32>,
        %get3A_372 = vector.shape_cast %get3A_371 : vector<1x16xf32> to vector<16xf32>
        %get3A_373 = arith.index_cast %scan3A_301 : i32 to index
        %get3A_374 = arith.constant 64 : index
        %get3A_375 = tpu.vector_load %arg10[%get3A_373, %get3A_374] {strides = array<i32>} : memref<48x128xf32, #tpu.memory_space<vmem>>, vector<1x16xf32>,
        %get3A_376 = vector.shape_cast %get3A_375 : vector<1x16xf32> to vector<16xf32>
        %add3A_377 = arith.addf %get3A_372, %get3A_376 : vector<16xf32>
        %max3A_378 = arith.constant 0.000000e+00 : f32
        %max3A_379 = vector.broadcast %max3A_378 : f32 to vector<16xf32>
        %max3A_380 = arith.maximumf %add3A_377, %max3A_379 : vector<16xf32>
        %swap3A_381 = arith.index_cast %scan3A_301 : i32 to index
        %swap3A_382 = arith.constant 64 : index
        %swap3A_383 = tpu.vector_load %arg10[%swap3A_381, %swap3A_382] {strides = array<i32>} : memref<48x128xf32, #tpu.memory_space<vmem>>, vector<1x16xf32>,
        %swap3A_384 = vector.shape_cast %swap3A_383 : vector<1x16xf32> to vector<16xf32>
        %swap3A_385 = vector.shape_cast %max3A_380 : vector<16xf32> to vector<1x16xf32>
        tpu.vector_store %arg10[%swap3A_381, %swap3A_382], %swap3A_385 {strides = array<i32>} : memref<48x128xf32, #tpu.memory_space<vmem>>, vector<1x16xf32>,
        %get3A_386 = arith.index_cast %scan3A_301 : i32 to index
        %get3A_387 = arith.constant 80 : index
        %get3A_388 = tpu.vector_load %arg9[%get3A_386, %get3A_387] {strides = array<i32>} : memref<48x128xf32, #tpu.memory_space<vmem>>, vector<1x16xf32>,
        %get3A_389 = vector.shape_cast %get3A_388 : vector<1x16xf32> to vector<16xf32>
        %get3A_390 = arith.index_cast %scan3A_301 : i32 to index
        %get3A_391 = arith.constant 80 : index
        %get3A_392 = tpu.vector_load %arg10[%get3A_390, %get3A_391] {strides = array<i32>} : memref<48x128xf32, #tpu.memory_space<vmem>>, vector<1x16xf32>,
        %get3A_393 = vector.shape_cast %get3A_392 : vector<1x16xf32> to vector<16xf32>
        %add3A_394 = arith.addf %get3A_389, %get3A_393 : vector<16xf32>
        %max3A_395 = arith.constant 0.000000e+00 : f32
        %max3A_396 = vector.broadcast %max3A_395 : f32 to vector<16xf32>
        %max3A_397 = arith.maximumf %add3A_394, %max3A_396 : vector<16xf32>
        %swap3A_398 = arith.index_cast %scan3A_301 : i32 to index
        %swap3A_399 = arith.constant 80 : index
        %swap3A_400 = tpu.vector_load %arg10[%swap3A_398, %swap3A_399] {strides = array<i32>} : memref<48x128xf32, #tpu.memory_space<vmem>>, vector<1x16xf32>,
        %swap3A_401 = vector.shape_cast %swap3A_400 : vector<1x16xf32> to vector<16xf32>
        %swap3A_402 = vector.shape_cast %max3A_397 : vector<16xf32> to vector<1x16xf32>
        tpu.vector_store %arg10[%swap3A_398, %swap3A_399], %swap3A_402 {strides = array<i32>} : memref<48x128xf32, #tpu.memory_space<vmem>>, vector<1x16xf32>,
        %get3A_403 = arith.index_cast %scan3A_301 : i32 to index
        %get3A_404 = arith.constant 96 : index
        %get3A_405 = tpu.vector_load %arg9[%get3A_403, %get3A_404] {strides = array<i32>} : memref<48x128xf32, #tpu.memory_space<vmem>>, vector<1x16xf32>,
        %get3A_406 = vector.shape_cast %get3A_405 : vector<1x16xf32> to vector<16xf32>
        %get3A_407 = arith.index_cast %scan3A_301 : i32 to index
        %get3A_408 = arith.constant 96 : index
        %get3A_409 = tpu.vector_load %arg10[%get3A_407, %get3A_408] {strides = array<i32>} : memref<48x128xf32, #tpu.memory_space<vmem>>, vector<1x16xf32>,
        %get3A_410 = vector.shape_cast %get3A_409 : vector<1x16xf32> to vector<16xf32>
        %add3A_411 = arith.addf %get3A_406, %get3A_410 : vector<16xf32>
        %max3A_412 = arith.constant 0.000000e+00 : f32
        %max3A_413 = vector.broadcast %max3A_412 : f32 to vector<16xf32>
        %max3A_414 = arith.maximumf %add3A_411, %max3A_413 : vector<16xf32>
        %swap3A_415 = arith.index_cast %scan3A_301 : i32 to index
        %swap3A_416 = arith.constant 96 : index
        %swap3A_417 = tpu.vector_load %arg10[%swap3A_415, %swap3A_416] {strides = array<i32>} : memref<48x128xf32, #tpu.memory_space<vmem>>, vector<1x16xf32>,
        %swap3A_418 = vector.shape_cast %swap3A_417 : vector<1x16xf32> to vector<16xf32>
        %swap3A_419 = vector.shape_cast %max3A_414 : vector<16xf32> to vector<1x16xf32>
        tpu.vector_store %arg10[%swap3A_415, %swap3A_416], %swap3A_419 {strides = array<i32>} : memref<48x128xf32, #tpu.memory_space<vmem>>, vector<1x16xf32>,
        %get3A_420 = arith.index_cast %scan3A_301 : i32 to index
        %get3A_421 = arith.constant 112 : index
        %get3A_422 = tpu.vector_load %arg9[%get3A_420, %get3A_421] {strides = array<i32>} : memref<48x128xf32, #tpu.memory_space<vmem>>, vector<1x16xf32>,
        %get3A_423 = vector.shape_cast %get3A_422 : vector<1x16xf32> to vector<16xf32>
        %get3A_424 = arith.index_cast %scan3A_301 : i32 to index
        %get3A_425 = arith.constant 112 : index
        %get3A_426 = tpu.vector_load %arg10[%get3A_424, %get3A_425] {strides = array<i32>} : memref<48x128xf32, #tpu.memory_space<vmem>>, vector<1x16xf32>,
        %get3A_427 = vector.shape_cast %get3A_426 : vector<1x16xf32> to vector<16xf32>
        %add3A_428 = arith.addf %get3A_423, %get3A_427 : vector<16xf32>
        %max3A_429 = arith.constant 0.000000e+00 : f32
        %max3A_430 = vector.broadcast %max3A_429 : f32 to vector<16xf32>
        %max3A_431 = arith.maximumf %add3A_428, %max3A_430 : vector<16xf32>
        %swap3A_432 = arith.index_cast %scan3A_301 : i32 to index
        %swap3A_433 = arith.constant 112 : index
        %swap3A_434 = tpu.vector_load %arg10[%swap3A_432, %swap3A_433] {strides = array<i32>} : memref<48x128xf32, #tpu.memory_space<vmem>>, vector<1x16xf32>,
        %swap3A_435 = vector.shape_cast %swap3A_434 : vector<1x16xf32> to vector<16xf32>
        %swap3A_436 = vector.shape_cast %max3A_431 : vector<16xf32> to vector<1x16xf32>
        tpu.vector_store %arg10[%swap3A_432, %swap3A_433], %swap3A_436 {strides = array<i32>} : memref<48x128xf32, #tpu.memory_space<vmem>>, vector<1x16xf32>,
      }
      %scan3A_132 = arith.constant 48 : i32
      %dma_start3A_133 = arith.constant 0 : i32
      %dma_start3A_134 = arith.constant 0 : i32
      %dma_start3A_135 = tpu.memref_slice %arg18[%dma_start3A_133, %dma_start3A_134] : memref<10240x128xf32, #tpu.memory_space<vmem_shared>> -> memref<10240x128xf32, #tpu.memory_space<vmem_shared>>
      tpu.enqueue_indirect_dma source(%arg10 : memref<48x128xf32, #tpu.memory_space<vmem>>) target(%dma_start3A_135 : memref<10240x128xf32, #tpu.memory_space<vmem_shared>>) offsets(%arg15 : memref<48xi32, #tpu.memory_space<vmem>>) semaphore(%arg25 : memref<!tpu.dma_semaphore, #tpu.memory_space<semaphore_mem>>) {add = true}
      %gt3A = arith.constant 0 : i32
      %gt3A_136 = arith.cmpi sgt, %add3A_79, %gt3A : i32
      %convert_element_type3A_137 = arith.extui %gt3A_136 : i1 to i32
      %cond3A_138 = arith.constant 0 : i32
      %cond3A_139 = arith.cmpi ne, %convert_element_type3A_137, %cond3A_138 : i32
      scf.if %cond3A_139 {
        %dma_wait3A_301 = arith.constant 0 : i32
        %dma_wait3A_302 = arith.constant 0 : i32
        %dma_wait3A_303 = tpu.memref_slice %arg18[%dma_wait3A_301, %dma_wait3A_302] : memref<10240x128xf32, #tpu.memory_space<vmem_shared>> -> memref<10240x128xf32, #tpu.memory_space<vmem_shared>>
        tpu.wait_indirect_dma semaphore(%arg27 : memref<!tpu.dma_semaphore, #tpu.memory_space<semaphore_mem>>) src(%arg14 : memref<48x128xf32, #tpu.memory_space<vmem>>) dst(%dma_wait3A_303 : memref<10240x128xf32, #tpu.memory_space<vmem_shared>>)
      } else {
      }
      %add3A_140 = arith.constant 2 : i32
      %add3A_141 = arith.addi %add3A_79, %add3A_140 : i32
      %lt3A_142 = arith.constant 105 : i32
      %lt3A_143 = arith.cmpi slt, %add3A_141, %lt3A_142 : i32
      %convert_element_type3A_144 = arith.extui %lt3A_143 : i1 to i32
      %cond3A_145 = arith.constant 0 : i32
      %cond3A_146 = arith.cmpi ne, %convert_element_type3A_144, %cond3A_145 : i32
      scf.if %cond3A_146 {
        %add3A_301 = arith.constant 2 : i32
        %add3A_302 = arith.addi %add3A_79, %add3A_301 : i32
        %mul3A_303 = arith.constant 48 : i32
        %mul3A_304 = arith.muli %add3A_302, %mul3A_303 : i32
        %dma_start3A_305 = tpu.memref_slice %arg8[%mul3A_304] : memref<5040xi32, #tpu.memory_space<vmem>> -> memref<48xi32, #tpu.memory_space<vmem>>
        %dma_start3A_306 = arith.constant 0 : i32
        %dma_start3A_307 = arith.constant 0 : i32
        %dma_start3A_308 = tpu.memref_slice %arg3[%dma_start3A_306, %dma_start3A_307] : memref<10240x128xf32, #tpu.memory_space<hbm>> -> memref<10240x128xf32, #tpu.memory_space<hbm>>
        tpu.enqueue_indirect_dma source(%dma_start3A_308 : memref<10240x128xf32, #tpu.memory_space<hbm>>) target(%arg14 : memref<48x128xf32, #tpu.memory_space<vmem>>) offsets(%dma_start3A_305 : memref<48xi32, #tpu.memory_space<vmem>>) semaphore(%arg24 : memref<!tpu.dma_semaphore, #tpu.memory_space<semaphore_mem>>)
      } else {
      }
      %mul3A_147 = arith.constant 3 : i32
      %mul3A_148 = arith.muli %mul3A_147, %scan3A_75 : i32
      %add3A_149 = arith.constant 1 : i32
      %add3A_150 = arith.addi %mul3A_148, %add3A_149 : i32
      %add3A_151 = arith.constant 2 : i32
      %add3A_152 = arith.addi %add3A_150, %add3A_151 : i32
      %lt3A_153 = arith.constant 105 : i32
      %lt3A_154 = arith.cmpi slt, %add3A_152, %lt3A_153 : i32
      %convert_element_type3A_155 = arith.extui %lt3A_154 : i1 to i32
      %cond3A_156 = arith.constant 0 : i32
      %cond3A_157 = arith.cmpi ne, %convert_element_type3A_155, %cond3A_156 : i32
      scf.if %cond3A_157 {
        %add3A_301 = arith.constant 2 : i32
        %add3A_302 = arith.addi %add3A_150, %add3A_301 : i32
        %mul3A_303 = arith.constant 48 : i32
        %mul3A_304 = arith.muli %add3A_302, %mul3A_303 : i32
        %dma_start3A_305 = tpu.memref_slice %arg7[%mul3A_304] : memref<5040xi32, #tpu.memory_space<vmem>> -> memref<48xi32, #tpu.memory_space<vmem>>
        %dma_start3A_306 = arith.constant 0 : i32
        %dma_start3A_307 = arith.constant 0 : i32
        %dma_start3A_308 = tpu.memref_slice %arg2[%dma_start3A_306, %dma_start3A_307] : memref<10240x128xf32, #tpu.memory_space<hbm>> -> memref<10240x128xf32, #tpu.memory_space<hbm>>
        tpu.enqueue_indirect_dma source(%dma_start3A_308 : memref<10240x128xf32, #tpu.memory_space<hbm>>) target(%arg9 : memref<48x128xf32, #tpu.memory_space<vmem>>) offsets(%dma_start3A_305 : memref<48xi32, #tpu.memory_space<vmem>>) semaphore(%arg19 : memref<!tpu.dma_semaphore, #tpu.memory_space<semaphore_mem>>)
      } else {
      }
      %mul3A_158 = arith.constant 48 : i32
      %mul3A_159 = arith.muli %add3A_150, %mul3A_158 : i32
      %dma_wait3A_160 = tpu.memref_slice %arg7[%mul3A_159] : memref<5040xi32, #tpu.memory_space<vmem>> -> memref<48xi32, #tpu.memory_space<vmem>>
      %dma_wait3A_161 = arith.constant 0 : i32
      %dma_wait3A_162 = arith.constant 0 : i32
      %dma_wait3A_163 = tpu.memref_slice %arg2[%dma_wait3A_161, %dma_wait3A_162] : memref<10240x128xf32, #tpu.memory_space<hbm>> -> memref<10240x128xf32, #tpu.memory_space<hbm>>
      tpu.wait_indirect_dma semaphore(%arg21 : memref<!tpu.dma_semaphore, #tpu.memory_space<semaphore_mem>>) src(%dma_wait3A_163 : memref<10240x128xf32, #tpu.memory_space<hbm>>) dst(%arg11 : memref<48x128xf32, #tpu.memory_space<vmem>>)
      %mul3A_164 = arith.constant 48 : i32
      %mul3A_165 = arith.muli %add3A_150, %mul3A_164 : i32
      %dma_wait3A_166 = tpu.memref_slice %arg8[%mul3A_165] : memref<5040xi32, #tpu.memory_space<vmem>> -> memref<48xi32, #tpu.memory_space<vmem>>
      %dma_wait3A_167 = arith.constant 0 : i32
      %dma_wait3A_168 = arith.constant 0 : i32
      %dma_wait3A_169 = tpu.memref_slice %arg3[%dma_wait3A_167, %dma_wait3A_168] : memref<10240x128xf32, #tpu.memory_space<hbm>> -> memref<10240x128xf32, #tpu.memory_space<hbm>>
      tpu.wait_indirect_dma semaphore(%arg22 : memref<!tpu.dma_semaphore, #tpu.memory_space<semaphore_mem>>) src(%dma_wait3A_169 : memref<10240x128xf32, #tpu.memory_space<hbm>>) dst(%arg12 : memref<48x128xf32, #tpu.memory_space<vmem>>)
      %mul3A_170 = arith.constant 48 : i32
      %mul3A_171 = arith.muli %add3A_150, %mul3A_170 : i32
      %add3A_172 = arith.constant 0 : i32
      %add3A_173 = arith.addi %mul3A_171, %add3A_172 : i32
      %get3A_174 = arith.index_cast %add3A_173 : i32 to index
      %get3A_175 = tpu.vector_load %arg8[%get3A_174] {strides = array<i32>} : memref<5040xi32, #tpu.memory_space<vmem>>, vector<16xi32>,
      %get3A_176 = vector.shape_cast %get3A_175 : vector<16xi32> to vector<16xi32>
      %swap3A_177 = arith.constant 0 : index
      %swap3A_178 = tpu.vector_load %arg16[%swap3A_177] {strides = array<i32>} : memref<48xi32, #tpu.memory_space<vmem>>, vector<16xi32>,
      %swap3A_179 = vector.shape_cast %swap3A_178 : vector<16xi32> to vector<16xi32>
      %swap3A_180 = vector.shape_cast %get3A_176 : vector<16xi32> to vector<16xi32>
      tpu.vector_store %arg16[%swap3A_177], %swap3A_180 {strides = array<i32>} : memref<48xi32, #tpu.memory_space<vmem>>, vector<16xi32>,
      %mul3A_181 = arith.constant 48 : i32
      %mul3A_182 = arith.muli %add3A_150, %mul3A_181 : i32
      %add3A_183 = arith.constant 16 : i32
      %add3A_184 = arith.addi %mul3A_182, %add3A_183 : i32
      %get3A_185 = arith.index_cast %add3A_184 : i32 to index
      %get3A_186 = tpu.vector_load %arg8[%get3A_185] {strides = array<i32>} : memref<5040xi32, #tpu.memory_space<vmem>>, vector<16xi32>,
      %get3A_187 = vector.shape_cast %get3A_186 : vector<16xi32> to vector<16xi32>
      %swap3A_188 = arith.constant 16 : index
      %swap3A_189 = tpu.vector_load %arg16[%swap3A_188] {strides = array<i32>} : memref<48xi32, #tpu.memory_space<vmem>>, vector<16xi32>,
      %swap3A_190 = vector.shape_cast %swap3A_189 : vector<16xi32> to vector<16xi32>
      %swap3A_191 = vector.shape_cast %get3A_187 : vector<16xi32> to vector<16xi32>
      tpu.vector_store %arg16[%swap3A_188], %swap3A_191 {strides = array<i32>} : memref<48xi32, #tpu.memory_space<vmem>>, vector<16xi32>,
      %mul3A_192 = arith.constant 48 : i32
      %mul3A_193 = arith.muli %add3A_150, %mul3A_192 : i32
      %add3A_194 = arith.constant 32 : i32
      %add3A_195 = arith.addi %mul3A_193, %add3A_194 : i32
      %get3A_196 = arith.index_cast %add3A_195 : i32 to index
      %get3A_197 = tpu.vector_load %arg8[%get3A_196] {strides = array<i32>} : memref<5040xi32, #tpu.memory_space<vmem>>, vector<16xi32>,
      %get3A_198 = vector.shape_cast %get3A_197 : vector<16xi32> to vector<16xi32>
      %swap3A_199 = arith.constant 32 : index
      %swap3A_200 = tpu.vector_load %arg16[%swap3A_199] {strides = array<i32>} : memref<48xi32, #tpu.memory_space<vmem>>, vector<16xi32>,
      %swap3A_201 = vector.shape_cast %swap3A_200 : vector<16xi32> to vector<16xi32>
      %swap3A_202 = vector.shape_cast %get3A_198 : vector<16xi32> to vector<16xi32>
      tpu.vector_store %arg16[%swap3A_199], %swap3A_202 {strides = array<i32>} : memref<48xi32, #tpu.memory_space<vmem>>, vector<16xi32>,
      %scan3A_203 = arith.constant 0 : i32
      %scan3A_204 = arith.constant 0 : i32
      %scan3A_205 = arith.constant 48 : i32
      %scan3A_206 = arith.addi %scan3A_204, %scan3A_205 : i32
      %scan3A_207 = arith.constant 1 : i32
      scf.for %scan3A_301 = %scan3A_204 to %scan3A_206 step %scan3A_207  : i32 {
        %get3A_302 = arith.index_cast %scan3A_301 : i32 to index
        %get3A_303 = arith.constant 0 : index
        %get3A_304 = tpu.vector_load %arg11[%get3A_302, %get3A_303] {strides = array<i32>} : memref<48x128xf32, #tpu.memory_space<vmem>>, vector<1x16xf32>,
        %get3A_305 = vector.shape_cast %get3A_304 : vector<1x16xf32> to vector<16xf32>
        %get3A_306 = arith.index_cast %scan3A_301 : i32 to index
        %get3A_307 = arith.constant 0 : index
        %get3A_308 = tpu.vector_load %arg12[%get3A_306, %get3A_307] {strides = array<i32>} : memref<48x128xf32, #tpu.memory_space<vmem>>, vector<1x16xf32>,
        %get3A_309 = vector.shape_cast %get3A_308 : vector<1x16xf32> to vector<16xf32>
        %add3A_310 = arith.addf %get3A_305, %get3A_309 : vector<16xf32>
        %max3A = arith.constant 0.000000e+00 : f32
        %max3A_311 = vector.broadcast %max3A : f32 to vector<16xf32>
        %max3A_312 = arith.maximumf %add3A_310, %max3A_311 : vector<16xf32>
        %swap3A_313 = arith.index_cast %scan3A_301 : i32 to index
        %swap3A_314 = arith.constant 0 : index
        %swap3A_315 = tpu.vector_load %arg12[%swap3A_313, %swap3A_314] {strides = array<i32>} : memref<48x128xf32, #tpu.memory_space<vmem>>, vector<1x16xf32>,
        %swap3A_316 = vector.shape_cast %swap3A_315 : vector<1x16xf32> to vector<16xf32>
        %swap3A_317 = vector.shape_cast %max3A_312 : vector<16xf32> to vector<1x16xf32>
        tpu.vector_store %arg12[%swap3A_313, %swap3A_314], %swap3A_317 {strides = array<i32>} : memref<48x128xf32, #tpu.memory_space<vmem>>, vector<1x16xf32>,
        %get3A_318 = arith.index_cast %scan3A_301 : i32 to index
        %get3A_319 = arith.constant 16 : index
        %get3A_320 = tpu.vector_load %arg11[%get3A_318, %get3A_319] {strides = array<i32>} : memref<48x128xf32, #tpu.memory_space<vmem>>, vector<1x16xf32>,
        %get3A_321 = vector.shape_cast %get3A_320 : vector<1x16xf32> to vector<16xf32>
        %get3A_322 = arith.index_cast %scan3A_301 : i32 to index
        %get3A_323 = arith.constant 16 : index
        %get3A_324 = tpu.vector_load %arg12[%get3A_322, %get3A_323] {strides = array<i32>} : memref<48x128xf32, #tpu.memory_space<vmem>>, vector<1x16xf32>,
        %get3A_325 = vector.shape_cast %get3A_324 : vector<1x16xf32> to vector<16xf32>
        %add3A_326 = arith.addf %get3A_321, %get3A_325 : vector<16xf32>
        %max3A_327 = arith.constant 0.000000e+00 : f32
        %max3A_328 = vector.broadcast %max3A_327 : f32 to vector<16xf32>
        %max3A_329 = arith.maximumf %add3A_326, %max3A_328 : vector<16xf32>
        %swap3A_330 = arith.index_cast %scan3A_301 : i32 to index
        %swap3A_331 = arith.constant 16 : index
        %swap3A_332 = tpu.vector_load %arg12[%swap3A_330, %swap3A_331] {strides = array<i32>} : memref<48x128xf32, #tpu.memory_space<vmem>>, vector<1x16xf32>,
        %swap3A_333 = vector.shape_cast %swap3A_332 : vector<1x16xf32> to vector<16xf32>
        %swap3A_334 = vector.shape_cast %max3A_329 : vector<16xf32> to vector<1x16xf32>
        tpu.vector_store %arg12[%swap3A_330, %swap3A_331], %swap3A_334 {strides = array<i32>} : memref<48x128xf32, #tpu.memory_space<vmem>>, vector<1x16xf32>,
        %get3A_335 = arith.index_cast %scan3A_301 : i32 to index
        %get3A_336 = arith.constant 32 : index
        %get3A_337 = tpu.vector_load %arg11[%get3A_335, %get3A_336] {strides = array<i32>} : memref<48x128xf32, #tpu.memory_space<vmem>>, vector<1x16xf32>,
        %get3A_338 = vector.shape_cast %get3A_337 : vector<1x16xf32> to vector<16xf32>
        %get3A_339 = arith.index_cast %scan3A_301 : i32 to index
        %get3A_340 = arith.constant 32 : index
        %get3A_341 = tpu.vector_load %arg12[%get3A_339, %get3A_340] {strides = array<i32>} : memref<48x128xf32, #tpu.memory_space<vmem>>, vector<1x16xf32>,
        %get3A_342 = vector.shape_cast %get3A_341 : vector<1x16xf32> to vector<16xf32>
        %add3A_343 = arith.addf %get3A_338, %get3A_342 : vector<16xf32>
        %max3A_344 = arith.constant 0.000000e+00 : f32
        %max3A_345 = vector.broadcast %max3A_344 : f32 to vector<16xf32>
        %max3A_346 = arith.maximumf %add3A_343, %max3A_345 : vector<16xf32>
        %swap3A_347 = arith.index_cast %scan3A_301 : i32 to index
        %swap3A_348 = arith.constant 32 : index
        %swap3A_349 = tpu.vector_load %arg12[%swap3A_347, %swap3A_348] {strides = array<i32>} : memref<48x128xf32, #tpu.memory_space<vmem>>, vector<1x16xf32>,
        %swap3A_350 = vector.shape_cast %swap3A_349 : vector<1x16xf32> to vector<16xf32>
        %swap3A_351 = vector.shape_cast %max3A_346 : vector<16xf32> to vector<1x16xf32>
        tpu.vector_store %arg12[%swap3A_347, %swap3A_348], %swap3A_351 {strides = array<i32>} : memref<48x128xf32, #tpu.memory_space<vmem>>, vector<1x16xf32>,
        %get3A_352 = arith.index_cast %scan3A_301 : i32 to index
        %get3A_353 = arith.constant 48 : index
        %get3A_354 = tpu.vector_load %arg11[%get3A_352, %get3A_353] {strides = array<i32>} : memref<48x128xf32, #tpu.memory_space<vmem>>, vector<1x16xf32>,
        %get3A_355 = vector.shape_cast %get3A_354 : vector<1x16xf32> to vector<16xf32>
        %get3A_356 = arith.index_cast %scan3A_301 : i32 to index
        %get3A_357 = arith.constant 48 : index
        %get3A_358 = tpu.vector_load %arg12[%get3A_356, %get3A_357] {strides = array<i32>} : memref<48x128xf32, #tpu.memory_space<vmem>>, vector<1x16xf32>,
        %get3A_359 = vector.shape_cast %get3A_358 : vector<1x16xf32> to vector<16xf32>
        %add3A_360 = arith.addf %get3A_355, %get3A_359 : vector<16xf32>
        %max3A_361 = arith.constant 0.000000e+00 : f32
        %max3A_362 = vector.broadcast %max3A_361 : f32 to vector<16xf32>
        %max3A_363 = arith.maximumf %add3A_360, %max3A_362 : vector<16xf32>
        %swap3A_364 = arith.index_cast %scan3A_301 : i32 to index
        %swap3A_365 = arith.constant 48 : index
        %swap3A_366 = tpu.vector_load %arg12[%swap3A_364, %swap3A_365] {strides = array<i32>} : memref<48x128xf32, #tpu.memory_space<vmem>>, vector<1x16xf32>,
        %swap3A_367 = vector.shape_cast %swap3A_366 : vector<1x16xf32> to vector<16xf32>
        %swap3A_368 = vector.shape_cast %max3A_363 : vector<16xf32> to vector<1x16xf32>
        tpu.vector_store %arg12[%swap3A_364, %swap3A_365], %swap3A_368 {strides = array<i32>} : memref<48x128xf32, #tpu.memory_space<vmem>>, vector<1x16xf32>,
        %get3A_369 = arith.index_cast %scan3A_301 : i32 to index
        %get3A_370 = arith.constant 64 : index
        %get3A_371 = tpu.vector_load %arg11[%get3A_369, %get3A_370] {strides = array<i32>} : memref<48x128xf32, #tpu.memory_space<vmem>>, vector<1x16xf32>,
        %get3A_372 = vector.shape_cast %get3A_371 : vector<1x16xf32> to vector<16xf32>
        %get3A_373 = arith.index_cast %scan3A_301 : i32 to index
        %get3A_374 = arith.constant 64 : index
        %get3A_375 = tpu.vector_load %arg12[%get3A_373, %get3A_374] {strides = array<i32>} : memref<48x128xf32, #tpu.memory_space<vmem>>, vector<1x16xf32>,
        %get3A_376 = vector.shape_cast %get3A_375 : vector<1x16xf32> to vector<16xf32>
        %add3A_377 = arith.addf %get3A_372, %get3A_376 : vector<16xf32>
        %max3A_378 = arith.constant 0.000000e+00 : f32
        %max3A_379 = vector.broadcast %max3A_378 : f32 to vector<16xf32>
        %max3A_380 = arith.maximumf %add3A_377, %max3A_379 : vector<16xf32>
        %swap3A_381 = arith.index_cast %scan3A_301 : i32 to index
        %swap3A_382 = arith.constant 64 : index
        %swap3A_383 = tpu.vector_load %arg12[%swap3A_381, %swap3A_382] {strides = array<i32>} : memref<48x128xf32, #tpu.memory_space<vmem>>, vector<1x16xf32>,
        %swap3A_384 = vector.shape_cast %swap3A_383 : vector<1x16xf32> to vector<16xf32>
        %swap3A_385 = vector.shape_cast %max3A_380 : vector<16xf32> to vector<1x16xf32>
        tpu.vector_store %arg12[%swap3A_381, %swap3A_382], %swap3A_385 {strides = array<i32>} : memref<48x128xf32, #tpu.memory_space<vmem>>, vector<1x16xf32>,
        %get3A_386 = arith.index_cast %scan3A_301 : i32 to index
        %get3A_387 = arith.constant 80 : index
        %get3A_388 = tpu.vector_load %arg11[%get3A_386, %get3A_387] {strides = array<i32>} : memref<48x128xf32, #tpu.memory_space<vmem>>, vector<1x16xf32>,
        %get3A_389 = vector.shape_cast %get3A_388 : vector<1x16xf32> to vector<16xf32>
        %get3A_390 = arith.index_cast %scan3A_301 : i32 to index
        %get3A_391 = arith.constant 80 : index
        %get3A_392 = tpu.vector_load %arg12[%get3A_390, %get3A_391] {strides = array<i32>} : memref<48x128xf32, #tpu.memory_space<vmem>>, vector<1x16xf32>,
        %get3A_393 = vector.shape_cast %get3A_392 : vector<1x16xf32> to vector<16xf32>
        %add3A_394 = arith.addf %get3A_389, %get3A_393 : vector<16xf32>
        %max3A_395 = arith.constant 0.000000e+00 : f32
        %max3A_396 = vector.broadcast %max3A_395 : f32 to vector<16xf32>
        %max3A_397 = arith.maximumf %add3A_394, %max3A_396 : vector<16xf32>
        %swap3A_398 = arith.index_cast %scan3A_301 : i32 to index
        %swap3A_399 = arith.constant 80 : index
        %swap3A_400 = tpu.vector_load %arg12[%swap3A_398, %swap3A_399] {strides = array<i32>} : memref<48x128xf32, #tpu.memory_space<vmem>>, vector<1x16xf32>,
        %swap3A_401 = vector.shape_cast %swap3A_400 : vector<1x16xf32> to vector<16xf32>
        %swap3A_402 = vector.shape_cast %max3A_397 : vector<16xf32> to vector<1x16xf32>
        tpu.vector_store %arg12[%swap3A_398, %swap3A_399], %swap3A_402 {strides = array<i32>} : memref<48x128xf32, #tpu.memory_space<vmem>>, vector<1x16xf32>,
        %get3A_403 = arith.index_cast %scan3A_301 : i32 to index
        %get3A_404 = arith.constant 96 : index
        %get3A_405 = tpu.vector_load %arg11[%get3A_403, %get3A_404] {strides = array<i32>} : memref<48x128xf32, #tpu.memory_space<vmem>>, vector<1x16xf32>,
        %get3A_406 = vector.shape_cast %get3A_405 : vector<1x16xf32> to vector<16xf32>
        %get3A_407 = arith.index_cast %scan3A_301 : i32 to index
        %get3A_408 = arith.constant 96 : index
        %get3A_409 = tpu.vector_load %arg12[%get3A_407, %get3A_408] {strides = array<i32>} : memref<48x128xf32, #tpu.memory_space<vmem>>, vector<1x16xf32>,
        %get3A_410 = vector.shape_cast %get3A_409 : vector<1x16xf32> to vector<16xf32>
        %add3A_411 = arith.addf %get3A_406, %get3A_410 : vector<16xf32>
        %max3A_412 = arith.constant 0.000000e+00 : f32
        %max3A_413 = vector.broadcast %max3A_412 : f32 to vector<16xf32>
        %max3A_414 = arith.maximumf %add3A_411, %max3A_413 : vector<16xf32>
        %swap3A_415 = arith.index_cast %scan3A_301 : i32 to index
        %swap3A_416 = arith.constant 96 : index
        %swap3A_417 = tpu.vector_load %arg12[%swap3A_415, %swap3A_416] {strides = array<i32>} : memref<48x128xf32, #tpu.memory_space<vmem>>, vector<1x16xf32>,
        %swap3A_418 = vector.shape_cast %swap3A_417 : vector<1x16xf32> to vector<16xf32>
        %swap3A_419 = vector.shape_cast %max3A_414 : vector<16xf32> to vector<1x16xf32>
        tpu.vector_store %arg12[%swap3A_415, %swap3A_416], %swap3A_419 {strides = array<i32>} : memref<48x128xf32, #tpu.memory_space<vmem>>, vector<1x16xf32>,
        %get3A_420 = arith.index_cast %scan3A_301 : i32 to index
        %get3A_421 = arith.constant 112 : index
        %get3A_422 = tpu.vector_load %arg11[%get3A_420, %get3A_421] {strides = array<i32>} : memref<48x128xf32, #tpu.memory_space<vmem>>, vector<1x16xf32>,
        %get3A_423 = vector.shape_cast %get3A_422 : vector<1x16xf32> to vector<16xf32>
        %get3A_424 = arith.index_cast %scan3A_301 : i32 to index
        %get3A_425 = arith.constant 112 : index
        %get3A_426 = tpu.vector_load %arg12[%get3A_424, %get3A_425] {strides = array<i32>} : memref<48x128xf32, #tpu.memory_space<vmem>>, vector<1x16xf32>,
        %get3A_427 = vector.shape_cast %get3A_426 : vector<1x16xf32> to vector<16xf32>
        %add3A_428 = arith.addf %get3A_423, %get3A_427 : vector<16xf32>
        %max3A_429 = arith.constant 0.000000e+00 : f32
        %max3A_430 = vector.broadcast %max3A_429 : f32 to vector<16xf32>
        %max3A_431 = arith.maximumf %add3A_428, %max3A_430 : vector<16xf32>
        %swap3A_432 = arith.index_cast %scan3A_301 : i32 to index
        %swap3A_433 = arith.constant 112 : index
        %swap3A_434 = tpu.vector_load %arg12[%swap3A_432, %swap3A_433] {strides = array<i32>} : memref<48x128xf32, #tpu.memory_space<vmem>>, vector<1x16xf32>,
        %swap3A_435 = vector.shape_cast %swap3A_434 : vector<1x16xf32> to vector<16xf32>
        %swap3A_436 = vector.shape_cast %max3A_431 : vector<16xf32> to vector<1x16xf32>
        tpu.vector_store %arg12[%swap3A_432, %swap3A_433], %swap3A_436 {strides = array<i32>} : memref<48x128xf32, #tpu.memory_space<vmem>>, vector<1x16xf32>,
      }
      %scan3A_208 = arith.constant 48 : i32
      %dma_start3A_209 = arith.constant 0 : i32
      %dma_start3A_210 = arith.constant 0 : i32
      %dma_start3A_211 = tpu.memref_slice %arg18[%dma_start3A_209, %dma_start3A_210] : memref<10240x128xf32, #tpu.memory_space<vmem_shared>> -> memref<10240x128xf32, #tpu.memory_space<vmem_shared>>
      tpu.enqueue_indirect_dma source(%arg12 : memref<48x128xf32, #tpu.memory_space<vmem>>) target(%dma_start3A_211 : memref<10240x128xf32, #tpu.memory_space<vmem_shared>>) offsets(%arg16 : memref<48xi32, #tpu.memory_space<vmem>>) semaphore(%arg26 : memref<!tpu.dma_semaphore, #tpu.memory_space<semaphore_mem>>) {add = true}
      %gt3A_212 = arith.constant 0 : i32
      %gt3A_213 = arith.cmpi sgt, %add3A_150, %gt3A_212 : i32
      %convert_element_type3A_214 = arith.extui %gt3A_213 : i1 to i32
      %cond3A_215 = arith.constant 0 : i32
      %cond3A_216 = arith.cmpi ne, %convert_element_type3A_214, %cond3A_215 : i32
      scf.if %cond3A_216 {
        %dma_wait3A_301 = arith.constant 0 : i32
        %dma_wait3A_302 = arith.constant 0 : i32
        %dma_wait3A_303 = tpu.memref_slice %arg18[%dma_wait3A_301, %dma_wait3A_302] : memref<10240x128xf32, #tpu.memory_space<vmem_shared>> -> memref<10240x128xf32, #tpu.memory_space<vmem_shared>>
        tpu.wait_indirect_dma semaphore(%arg25 : memref<!tpu.dma_semaphore, #tpu.memory_space<semaphore_mem>>) src(%arg10 : memref<48x128xf32, #tpu.memory_space<vmem>>) dst(%dma_wait3A_303 : memref<10240x128xf32, #tpu.memory_space<vmem_shared>>)
      } else {
      }
      %add3A_217 = arith.constant 2 : i32
      %add3A_218 = arith.addi %add3A_150, %add3A_217 : i32
      %lt3A_219 = arith.constant 105 : i32
      %lt3A_220 = arith.cmpi slt, %add3A_218, %lt3A_219 : i32
      %convert_element_type3A_221 = arith.extui %lt3A_220 : i1 to i32
      %cond3A_222 = arith.constant 0 : i32
      %cond3A_223 = arith.cmpi ne, %convert_element_type3A_221, %cond3A_222 : i32
      scf.if %cond3A_223 {
        %add3A_301 = arith.constant 2 : i32
        %add3A_302 = arith.addi %add3A_150, %add3A_301 : i32
        %mul3A_303 = arith.constant 48 : i32
        %mul3A_304 = arith.muli %add3A_302, %mul3A_303 : i32
        %dma_start3A_305 = tpu.memref_slice %arg8[%mul3A_304] : memref<5040xi32, #tpu.memory_space<vmem>> -> memref<48xi32, #tpu.memory_space<vmem>>
        %dma_start3A_306 = arith.constant 0 : i32
        %dma_start3A_307 = arith.constant 0 : i32
        %dma_start3A_308 = tpu.memref_slice %arg3[%dma_start3A_306, %dma_start3A_307] : memref<10240x128xf32, #tpu.memory_space<hbm>> -> memref<10240x128xf32, #tpu.memory_space<hbm>>
        tpu.enqueue_indirect_dma source(%dma_start3A_308 : memref<10240x128xf32, #tpu.memory_space<hbm>>) target(%arg10 : memref<48x128xf32, #tpu.memory_space<vmem>>) offsets(%dma_start3A_305 : memref<48xi32, #tpu.memory_space<vmem>>) semaphore(%arg20 : memref<!tpu.dma_semaphore, #tpu.memory_space<semaphore_mem>>)
      } else {
      }
      %mul3A_224 = arith.constant 3 : i32
      %mul3A_225 = arith.muli %mul3A_224, %scan3A_75 : i32
      %add3A_226 = arith.constant 2 : i32
      %add3A_227 = arith.addi %mul3A_225, %add3A_226 : i32
      %add3A_228 = arith.constant 2 : i32
      %add3A_229 = arith.addi %add3A_227, %add3A_228 : i32
      %lt3A_230 = arith.constant 105 : i32
      %lt3A_231 = arith.cmpi slt, %add3A_229, %lt3A_230 : i32
      %convert_element_type3A_232 = arith.extui %lt3A_231 : i1 to i32
      %cond3A_233 = arith.constant 0 : i32
      %cond3A_234 = arith.cmpi ne, %convert_element_type3A_232, %cond3A_233 : i32
      scf.if %cond3A_234 {
        %add3A_301 = arith.constant 2 : i32
        %add3A_302 = arith.addi %add3A_227, %add3A_301 : i32
        %mul3A_303 = arith.constant 48 : i32
        %mul3A_304 = arith.muli %add3A_302, %mul3A_303 : i32
        %dma_start3A_305 = tpu.memref_slice %arg7[%mul3A_304] : memref<5040xi32, #tpu.memory_space<vmem>> -> memref<48xi32, #tpu.memory_space<vmem>>
        %dma_start3A_306 = arith.constant 0 : i32
        %dma_start3A_307 = arith.constant 0 : i32
        %dma_start3A_308 = tpu.memref_slice %arg2[%dma_start3A_306, %dma_start3A_307] : memref<10240x128xf32, #tpu.memory_space<hbm>> -> memref<10240x128xf32, #tpu.memory_space<hbm>>
        tpu.enqueue_indirect_dma source(%dma_start3A_308 : memref<10240x128xf32, #tpu.memory_space<hbm>>) target(%arg11 : memref<48x128xf32, #tpu.memory_space<vmem>>) offsets(%dma_start3A_305 : memref<48xi32, #tpu.memory_space<vmem>>) semaphore(%arg21 : memref<!tpu.dma_semaphore, #tpu.memory_space<semaphore_mem>>)
      } else {
      }
      %mul3A_235 = arith.constant 48 : i32
      %mul3A_236 = arith.muli %add3A_227, %mul3A_235 : i32
      %dma_wait3A_237 = tpu.memref_slice %arg7[%mul3A_236] : memref<5040xi32, #tpu.memory_space<vmem>> -> memref<48xi32, #tpu.memory_space<vmem>>
      %dma_wait3A_238 = arith.constant 0 : i32
      %dma_wait3A_239 = arith.constant 0 : i32
      %dma_wait3A_240 = tpu.memref_slice %arg2[%dma_wait3A_238, %dma_wait3A_239] : memref<10240x128xf32, #tpu.memory_space<hbm>> -> memref<10240x128xf32, #tpu.memory_space<hbm>>
      tpu.wait_indirect_dma semaphore(%arg23 : memref<!tpu.dma_semaphore, #tpu.memory_space<semaphore_mem>>) src(%dma_wait3A_240 : memref<10240x128xf32, #tpu.memory_space<hbm>>) dst(%arg13 : memref<48x128xf32, #tpu.memory_space<vmem>>)
      %mul3A_241 = arith.constant 48 : i32
      %mul3A_242 = arith.muli %add3A_227, %mul3A_241 : i32
      %dma_wait3A_243 = tpu.memref_slice %arg8[%mul3A_242] : memref<5040xi32, #tpu.memory_space<vmem>> -> memref<48xi32, #tpu.memory_space<vmem>>
      %dma_wait3A_244 = arith.constant 0 : i32
      %dma_wait3A_245 = arith.constant 0 : i32
      %dma_wait3A_246 = tpu.memref_slice %arg3[%dma_wait3A_244, %dma_wait3A_245] : memref<10240x128xf32, #tpu.memory_space<hbm>> -> memref<10240x128xf32, #tpu.memory_space<hbm>>
      tpu.wait_indirect_dma semaphore(%arg24 : memref<!tpu.dma_semaphore, #tpu.memory_space<semaphore_mem>>) src(%dma_wait3A_246 : memref<10240x128xf32, #tpu.memory_space<hbm>>) dst(%arg14 : memref<48x128xf32, #tpu.memory_space<vmem>>)
      %mul3A_247 = arith.constant 48 : i32
      %mul3A_248 = arith.muli %add3A_227, %mul3A_247 : i32
      %add3A_249 = arith.constant 0 : i32
      %add3A_250 = arith.addi %mul3A_248, %add3A_249 : i32
      %get3A_251 = arith.index_cast %add3A_250 : i32 to index
      %get3A_252 = tpu.vector_load %arg8[%get3A_251] {strides = array<i32>} : memref<5040xi32, #tpu.memory_space<vmem>>, vector<16xi32>,
      %get3A_253 = vector.shape_cast %get3A_252 : vector<16xi32> to vector<16xi32>
      %swap3A_254 = arith.constant 0 : index
      %swap3A_255 = tpu.vector_load %arg17[%swap3A_254] {strides = array<i32>} : memref<48xi32, #tpu.memory_space<vmem>>, vector<16xi32>,
      %swap3A_256 = vector.shape_cast %swap3A_255 : vector<16xi32> to vector<16xi32>
      %swap3A_257 = vector.shape_cast %get3A_253 : vector<16xi32> to vector<16xi32>
      tpu.vector_store %arg17[%swap3A_254], %swap3A_257 {strides = array<i32>} : memref<48xi32, #tpu.memory_space<vmem>>, vector<16xi32>,
      %mul3A_258 = arith.constant 48 : i32
      %mul3A_259 = arith.muli %add3A_227, %mul3A_258 : i32
      %add3A_260 = arith.constant 16 : i32
      %add3A_261 = arith.addi %mul3A_259, %add3A_260 : i32
      %get3A_262 = arith.index_cast %add3A_261 : i32 to index
      %get3A_263 = tpu.vector_load %arg8[%get3A_262] {strides = array<i32>} : memref<5040xi32, #tpu.memory_space<vmem>>, vector<16xi32>,
      %get3A_264 = vector.shape_cast %get3A_263 : vector<16xi32> to vector<16xi32>
      %swap3A_265 = arith.constant 16 : index
      %swap3A_266 = tpu.vector_load %arg17[%swap3A_265] {strides = array<i32>} : memref<48xi32, #tpu.memory_space<vmem>>, vector<16xi32>,
      %swap3A_267 = vector.shape_cast %swap3A_266 : vector<16xi32> to vector<16xi32>
      %swap3A_268 = vector.shape_cast %get3A_264 : vector<16xi32> to vector<16xi32>
      tpu.vector_store %arg17[%swap3A_265], %swap3A_268 {strides = array<i32>} : memref<48xi32, #tpu.memory_space<vmem>>, vector<16xi32>,
      %mul3A_269 = arith.constant 48 : i32
      %mul3A_270 = arith.muli %add3A_227, %mul3A_269 : i32
      %add3A_271 = arith.constant 32 : i32
      %add3A_272 = arith.addi %mul3A_270, %add3A_271 : i32
      %get3A_273 = arith.index_cast %add3A_272 : i32 to index
      %get3A_274 = tpu.vector_load %arg8[%get3A_273] {strides = array<i32>} : memref<5040xi32, #tpu.memory_space<vmem>>, vector<16xi32>,
      %get3A_275 = vector.shape_cast %get3A_274 : vector<16xi32> to vector<16xi32>
      %swap3A_276 = arith.constant 32 : index
      %swap3A_277 = tpu.vector_load %arg17[%swap3A_276] {strides = array<i32>} : memref<48xi32, #tpu.memory_space<vmem>>, vector<16xi32>,
      %swap3A_278 = vector.shape_cast %swap3A_277 : vector<16xi32> to vector<16xi32>
      %swap3A_279 = vector.shape_cast %get3A_275 : vector<16xi32> to vector<16xi32>
      tpu.vector_store %arg17[%swap3A_276], %swap3A_279 {strides = array<i32>} : memref<48xi32, #tpu.memory_space<vmem>>, vector<16xi32>,
      %scan3A_280 = arith.constant 0 : i32
      %scan3A_281 = arith.constant 0 : i32
      %scan3A_282 = arith.constant 48 : i32
      %scan3A_283 = arith.addi %scan3A_281, %scan3A_282 : i32
      %scan3A_284 = arith.constant 1 : i32
      scf.for %scan3A_301 = %scan3A_281 to %scan3A_283 step %scan3A_284  : i32 {
        %get3A_302 = arith.index_cast %scan3A_301 : i32 to index
        %get3A_303 = arith.constant 0 : index
        %get3A_304 = tpu.vector_load %arg13[%get3A_302, %get3A_303] {strides = array<i32>} : memref<48x128xf32, #tpu.memory_space<vmem>>, vector<1x16xf32>,
        %get3A_305 = vector.shape_cast %get3A_304 : vector<1x16xf32> to vector<16xf32>
        %get3A_306 = arith.index_cast %scan3A_301 : i32 to index
        %get3A_307 = arith.constant 0 : index
        %get3A_308 = tpu.vector_load %arg14[%get3A_306, %get3A_307] {strides = array<i32>} : memref<48x128xf32, #tpu.memory_space<vmem>>, vector<1x16xf32>,
        %get3A_309 = vector.shape_cast %get3A_308 : vector<1x16xf32> to vector<16xf32>
        %add3A_310 = arith.addf %get3A_305, %get3A_309 : vector<16xf32>
        %max3A = arith.constant 0.000000e+00 : f32
        %max3A_311 = vector.broadcast %max3A : f32 to vector<16xf32>
        %max3A_312 = arith.maximumf %add3A_310, %max3A_311 : vector<16xf32>
        %swap3A_313 = arith.index_cast %scan3A_301 : i32 to index
        %swap3A_314 = arith.constant 0 : index
        %swap3A_315 = tpu.vector_load %arg14[%swap3A_313, %swap3A_314] {strides = array<i32>} : memref<48x128xf32, #tpu.memory_space<vmem>>, vector<1x16xf32>,
        %swap3A_316 = vector.shape_cast %swap3A_315 : vector<1x16xf32> to vector<16xf32>
        %swap3A_317 = vector.shape_cast %max3A_312 : vector<16xf32> to vector<1x16xf32>
        tpu.vector_store %arg14[%swap3A_313, %swap3A_314], %swap3A_317 {strides = array<i32>} : memref<48x128xf32, #tpu.memory_space<vmem>>, vector<1x16xf32>,
        %get3A_318 = arith.index_cast %scan3A_301 : i32 to index
        %get3A_319 = arith.constant 16 : index
        %get3A_320 = tpu.vector_load %arg13[%get3A_318, %get3A_319] {strides = array<i32>} : memref<48x128xf32, #tpu.memory_space<vmem>>, vector<1x16xf32>,
        %get3A_321 = vector.shape_cast %get3A_320 : vector<1x16xf32> to vector<16xf32>
        %get3A_322 = arith.index_cast %scan3A_301 : i32 to index
        %get3A_323 = arith.constant 16 : index
        %get3A_324 = tpu.vector_load %arg14[%get3A_322, %get3A_323] {strides = array<i32>} : memref<48x128xf32, #tpu.memory_space<vmem>>, vector<1x16xf32>,
        %get3A_325 = vector.shape_cast %get3A_324 : vector<1x16xf32> to vector<16xf32>
        %add3A_326 = arith.addf %get3A_321, %get3A_325 : vector<16xf32>
        %max3A_327 = arith.constant 0.000000e+00 : f32
        %max3A_328 = vector.broadcast %max3A_327 : f32 to vector<16xf32>
        %max3A_329 = arith.maximumf %add3A_326, %max3A_328 : vector<16xf32>
        %swap3A_330 = arith.index_cast %scan3A_301 : i32 to index
        %swap3A_331 = arith.constant 16 : index
        %swap3A_332 = tpu.vector_load %arg14[%swap3A_330, %swap3A_331] {strides = array<i32>} : memref<48x128xf32, #tpu.memory_space<vmem>>, vector<1x16xf32>,
        %swap3A_333 = vector.shape_cast %swap3A_332 : vector<1x16xf32> to vector<16xf32>
        %swap3A_334 = vector.shape_cast %max3A_329 : vector<16xf32> to vector<1x16xf32>
        tpu.vector_store %arg14[%swap3A_330, %swap3A_331], %swap3A_334 {strides = array<i32>} : memref<48x128xf32, #tpu.memory_space<vmem>>, vector<1x16xf32>,
        %get3A_335 = arith.index_cast %scan3A_301 : i32 to index
        %get3A_336 = arith.constant 32 : index
        %get3A_337 = tpu.vector_load %arg13[%get3A_335, %get3A_336] {strides = array<i32>} : memref<48x128xf32, #tpu.memory_space<vmem>>, vector<1x16xf32>,
        %get3A_338 = vector.shape_cast %get3A_337 : vector<1x16xf32> to vector<16xf32>
        %get3A_339 = arith.index_cast %scan3A_301 : i32 to index
        %get3A_340 = arith.constant 32 : index
        %get3A_341 = tpu.vector_load %arg14[%get3A_339, %get3A_340] {strides = array<i32>} : memref<48x128xf32, #tpu.memory_space<vmem>>, vector<1x16xf32>,
        %get3A_342 = vector.shape_cast %get3A_341 : vector<1x16xf32> to vector<16xf32>
        %add3A_343 = arith.addf %get3A_338, %get3A_342 : vector<16xf32>
        %max3A_344 = arith.constant 0.000000e+00 : f32
        %max3A_345 = vector.broadcast %max3A_344 : f32 to vector<16xf32>
        %max3A_346 = arith.maximumf %add3A_343, %max3A_345 : vector<16xf32>
        %swap3A_347 = arith.index_cast %scan3A_301 : i32 to index
        %swap3A_348 = arith.constant 32 : index
        %swap3A_349 = tpu.vector_load %arg14[%swap3A_347, %swap3A_348] {strides = array<i32>} : memref<48x128xf32, #tpu.memory_space<vmem>>, vector<1x16xf32>,
        %swap3A_350 = vector.shape_cast %swap3A_349 : vector<1x16xf32> to vector<16xf32>
        %swap3A_351 = vector.shape_cast %max3A_346 : vector<16xf32> to vector<1x16xf32>
        tpu.vector_store %arg14[%swap3A_347, %swap3A_348], %swap3A_351 {strides = array<i32>} : memref<48x128xf32, #tpu.memory_space<vmem>>, vector<1x16xf32>,
        %get3A_352 = arith.index_cast %scan3A_301 : i32 to index
        %get3A_353 = arith.constant 48 : index
        %get3A_354 = tpu.vector_load %arg13[%get3A_352, %get3A_353] {strides = array<i32>} : memref<48x128xf32, #tpu.memory_space<vmem>>, vector<1x16xf32>,
        %get3A_355 = vector.shape_cast %get3A_354 : vector<1x16xf32> to vector<16xf32>
        %get3A_356 = arith.index_cast %scan3A_301 : i32 to index
        %get3A_357 = arith.constant 48 : index
        %get3A_358 = tpu.vector_load %arg14[%get3A_356, %get3A_357] {strides = array<i32>} : memref<48x128xf32, #tpu.memory_space<vmem>>, vector<1x16xf32>,
        %get3A_359 = vector.shape_cast %get3A_358 : vector<1x16xf32> to vector<16xf32>
        %add3A_360 = arith.addf %get3A_355, %get3A_359 : vector<16xf32>
        %max3A_361 = arith.constant 0.000000e+00 : f32
        %max3A_362 = vector.broadcast %max3A_361 : f32 to vector<16xf32>
        %max3A_363 = arith.maximumf %add3A_360, %max3A_362 : vector<16xf32>
        %swap3A_364 = arith.index_cast %scan3A_301 : i32 to index
        %swap3A_365 = arith.constant 48 : index
        %swap3A_366 = tpu.vector_load %arg14[%swap3A_364, %swap3A_365] {strides = array<i32>} : memref<48x128xf32, #tpu.memory_space<vmem>>, vector<1x16xf32>,
        %swap3A_367 = vector.shape_cast %swap3A_366 : vector<1x16xf32> to vector<16xf32>
        %swap3A_368 = vector.shape_cast %max3A_363 : vector<16xf32> to vector<1x16xf32>
        tpu.vector_store %arg14[%swap3A_364, %swap3A_365], %swap3A_368 {strides = array<i32>} : memref<48x128xf32, #tpu.memory_space<vmem>>, vector<1x16xf32>,
        %get3A_369 = arith.index_cast %scan3A_301 : i32 to index
        %get3A_370 = arith.constant 64 : index
        %get3A_371 = tpu.vector_load %arg13[%get3A_369, %get3A_370] {strides = array<i32>} : memref<48x128xf32, #tpu.memory_space<vmem>>, vector<1x16xf32>,
        %get3A_372 = vector.shape_cast %get3A_371 : vector<1x16xf32> to vector<16xf32>
        %get3A_373 = arith.index_cast %scan3A_301 : i32 to index
        %get3A_374 = arith.constant 64 : index
        %get3A_375 = tpu.vector_load %arg14[%get3A_373, %get3A_374] {strides = array<i32>} : memref<48x128xf32, #tpu.memory_space<vmem>>, vector<1x16xf32>,
        %get3A_376 = vector.shape_cast %get3A_375 : vector<1x16xf32> to vector<16xf32>
        %add3A_377 = arith.addf %get3A_372, %get3A_376 : vector<16xf32>
        %max3A_378 = arith.constant 0.000000e+00 : f32
        %max3A_379 = vector.broadcast %max3A_378 : f32 to vector<16xf32>
        %max3A_380 = arith.maximumf %add3A_377, %max3A_379 : vector<16xf32>
        %swap3A_381 = arith.index_cast %scan3A_301 : i32 to index
        %swap3A_382 = arith.constant 64 : index
        %swap3A_383 = tpu.vector_load %arg14[%swap3A_381, %swap3A_382] {strides = array<i32>} : memref<48x128xf32, #tpu.memory_space<vmem>>, vector<1x16xf32>,
        %swap3A_384 = vector.shape_cast %swap3A_383 : vector<1x16xf32> to vector<16xf32>
        %swap3A_385 = vector.shape_cast %max3A_380 : vector<16xf32> to vector<1x16xf32>
        tpu.vector_store %arg14[%swap3A_381, %swap3A_382], %swap3A_385 {strides = array<i32>} : memref<48x128xf32, #tpu.memory_space<vmem>>, vector<1x16xf32>,
        %get3A_386 = arith.index_cast %scan3A_301 : i32 to index
        %get3A_387 = arith.constant 80 : index
        %get3A_388 = tpu.vector_load %arg13[%get3A_386, %get3A_387] {strides = array<i32>} : memref<48x128xf32, #tpu.memory_space<vmem>>, vector<1x16xf32>,
        %get3A_389 = vector.shape_cast %get3A_388 : vector<1x16xf32> to vector<16xf32>
        %get3A_390 = arith.index_cast %scan3A_301 : i32 to index
        %get3A_391 = arith.constant 80 : index
        %get3A_392 = tpu.vector_load %arg14[%get3A_390, %get3A_391] {strides = array<i32>} : memref<48x128xf32, #tpu.memory_space<vmem>>, vector<1x16xf32>,
        %get3A_393 = vector.shape_cast %get3A_392 : vector<1x16xf32> to vector<16xf32>
        %add3A_394 = arith.addf %get3A_389, %get3A_393 : vector<16xf32>
        %max3A_395 = arith.constant 0.000000e+00 : f32
        %max3A_396 = vector.broadcast %max3A_395 : f32 to vector<16xf32>
        %max3A_397 = arith.maximumf %add3A_394, %max3A_396 : vector<16xf32>
        %swap3A_398 = arith.index_cast %scan3A_301 : i32 to index
        %swap3A_399 = arith.constant 80 : index
        %swap3A_400 = tpu.vector_load %arg14[%swap3A_398, %swap3A_399] {strides = array<i32>} : memref<48x128xf32, #tpu.memory_space<vmem>>, vector<1x16xf32>,
        %swap3A_401 = vector.shape_cast %swap3A_400 : vector<1x16xf32> to vector<16xf32>
        %swap3A_402 = vector.shape_cast %max3A_397 : vector<16xf32> to vector<1x16xf32>
        tpu.vector_store %arg14[%swap3A_398, %swap3A_399], %swap3A_402 {strides = array<i32>} : memref<48x128xf32, #tpu.memory_space<vmem>>, vector<1x16xf32>,
        %get3A_403 = arith.index_cast %scan3A_301 : i32 to index
        %get3A_404 = arith.constant 96 : index
        %get3A_405 = tpu.vector_load %arg13[%get3A_403, %get3A_404] {strides = array<i32>} : memref<48x128xf32, #tpu.memory_space<vmem>>, vector<1x16xf32>,
        %get3A_406 = vector.shape_cast %get3A_405 : vector<1x16xf32> to vector<16xf32>
        %get3A_407 = arith.index_cast %scan3A_301 : i32 to index
        %get3A_408 = arith.constant 96 : index
        %get3A_409 = tpu.vector_load %arg14[%get3A_407, %get3A_408] {strides = array<i32>} : memref<48x128xf32, #tpu.memory_space<vmem>>, vector<1x16xf32>,
        %get3A_410 = vector.shape_cast %get3A_409 : vector<1x16xf32> to vector<16xf32>
        %add3A_411 = arith.addf %get3A_406, %get3A_410 : vector<16xf32>
        %max3A_412 = arith.constant 0.000000e+00 : f32
        %max3A_413 = vector.broadcast %max3A_412 : f32 to vector<16xf32>
        %max3A_414 = arith.maximumf %add3A_411, %max3A_413 : vector<16xf32>
        %swap3A_415 = arith.index_cast %scan3A_301 : i32 to index
        %swap3A_416 = arith.constant 96 : index
        %swap3A_417 = tpu.vector_load %arg14[%swap3A_415, %swap3A_416] {strides = array<i32>} : memref<48x128xf32, #tpu.memory_space<vmem>>, vector<1x16xf32>,
        %swap3A_418 = vector.shape_cast %swap3A_417 : vector<1x16xf32> to vector<16xf32>
        %swap3A_419 = vector.shape_cast %max3A_414 : vector<16xf32> to vector<1x16xf32>
        tpu.vector_store %arg14[%swap3A_415, %swap3A_416], %swap3A_419 {strides = array<i32>} : memref<48x128xf32, #tpu.memory_space<vmem>>, vector<1x16xf32>,
        %get3A_420 = arith.index_cast %scan3A_301 : i32 to index
        %get3A_421 = arith.constant 112 : index
        %get3A_422 = tpu.vector_load %arg13[%get3A_420, %get3A_421] {strides = array<i32>} : memref<48x128xf32, #tpu.memory_space<vmem>>, vector<1x16xf32>,
        %get3A_423 = vector.shape_cast %get3A_422 : vector<1x16xf32> to vector<16xf32>
        %get3A_424 = arith.index_cast %scan3A_301 : i32 to index
        %get3A_425 = arith.constant 112 : index
        %get3A_426 = tpu.vector_load %arg14[%get3A_424, %get3A_425] {strides = array<i32>} : memref<48x128xf32, #tpu.memory_space<vmem>>, vector<1x16xf32>,
        %get3A_427 = vector.shape_cast %get3A_426 : vector<1x16xf32> to vector<16xf32>
        %add3A_428 = arith.addf %get3A_423, %get3A_427 : vector<16xf32>
        %max3A_429 = arith.constant 0.000000e+00 : f32
        %max3A_430 = vector.broadcast %max3A_429 : f32 to vector<16xf32>
        %max3A_431 = arith.maximumf %add3A_428, %max3A_430 : vector<16xf32>
        %swap3A_432 = arith.index_cast %scan3A_301 : i32 to index
        %swap3A_433 = arith.constant 112 : index
        %swap3A_434 = tpu.vector_load %arg14[%swap3A_432, %swap3A_433] {strides = array<i32>} : memref<48x128xf32, #tpu.memory_space<vmem>>, vector<1x16xf32>,
        %swap3A_435 = vector.shape_cast %swap3A_434 : vector<1x16xf32> to vector<16xf32>
        %swap3A_436 = vector.shape_cast %max3A_431 : vector<16xf32> to vector<1x16xf32>
        tpu.vector_store %arg14[%swap3A_432, %swap3A_433], %swap3A_436 {strides = array<i32>} : memref<48x128xf32, #tpu.memory_space<vmem>>, vector<1x16xf32>,
      }
      %scan3A_285 = arith.constant 48 : i32
      %dma_start3A_286 = arith.constant 0 : i32
      %dma_start3A_287 = arith.constant 0 : i32
      %dma_start3A_288 = tpu.memref_slice %arg18[%dma_start3A_286, %dma_start3A_287] : memref<10240x128xf32, #tpu.memory_space<vmem_shared>> -> memref<10240x128xf32, #tpu.memory_space<vmem_shared>>
      tpu.enqueue_indirect_dma source(%arg14 : memref<48x128xf32, #tpu.memory_space<vmem>>) target(%dma_start3A_288 : memref<10240x128xf32, #tpu.memory_space<vmem_shared>>) offsets(%arg17 : memref<48xi32, #tpu.memory_space<vmem>>) semaphore(%arg27 : memref<!tpu.dma_semaphore, #tpu.memory_space<semaphore_mem>>) {add = true}
      %gt3A_289 = arith.constant 0 : i32
      %gt3A_290 = arith.cmpi sgt, %add3A_227, %gt3A_289 : i32
      %convert_element_type3A_291 = arith.extui %gt3A_290 : i1 to i32
      %cond3A_292 = arith.constant 0 : i32
      %cond3A_293 = arith.cmpi ne, %convert_element_type3A_291, %cond3A_292 : i32
      scf.if %cond3A_293 {
        %dma_wait3A_301 = arith.constant 0 : i32
        %dma_wait3A_302 = arith.constant 0 : i32
        %dma_wait3A_303 = tpu.memref_slice %arg18[%dma_wait3A_301, %dma_wait3A_302] : memref<10240x128xf32, #tpu.memory_space<vmem_shared>> -> memref<10240x128xf32, #tpu.memory_space<vmem_shared>>
        tpu.wait_indirect_dma semaphore(%arg26 : memref<!tpu.dma_semaphore, #tpu.memory_space<semaphore_mem>>) src(%arg12 : memref<48x128xf32, #tpu.memory_space<vmem>>) dst(%dma_wait3A_303 : memref<10240x128xf32, #tpu.memory_space<vmem_shared>>)
      } else {
      }
      %add3A_294 = arith.constant 2 : i32
      %add3A_295 = arith.addi %add3A_227, %add3A_294 : i32
      %lt3A_296 = arith.constant 105 : i32
      %lt3A_297 = arith.cmpi slt, %add3A_295, %lt3A_296 : i32
      %convert_element_type3A_298 = arith.extui %lt3A_297 : i1 to i32
      %cond3A_299 = arith.constant 0 : i32
      %cond3A_300 = arith.cmpi ne, %convert_element_type3A_298, %cond3A_299 : i32
      scf.if %cond3A_300 {
        %add3A_301 = arith.constant 2 : i32
        %add3A_302 = arith.addi %add3A_227, %add3A_301 : i32
        %mul3A_303 = arith.constant 48 : i32
        %mul3A_304 = arith.muli %add3A_302, %mul3A_303 : i32
        %dma_start3A_305 = tpu.memref_slice %arg8[%mul3A_304] : memref<5040xi32, #tpu.memory_space<vmem>> -> memref<48xi32, #tpu.memory_space<vmem>>
        %dma_start3A_306 = arith.constant 0 : i32
        %dma_start3A_307 = arith.constant 0 : i32
        %dma_start3A_308 = tpu.memref_slice %arg3[%dma_start3A_306, %dma_start3A_307] : memref<10240x128xf32, #tpu.memory_space<hbm>> -> memref<10240x128xf32, #tpu.memory_space<hbm>>
        tpu.enqueue_indirect_dma source(%dma_start3A_308 : memref<10240x128xf32, #tpu.memory_space<hbm>>) target(%arg12 : memref<48x128xf32, #tpu.memory_space<vmem>>) offsets(%dma_start3A_305 : memref<48xi32, #tpu.memory_space<vmem>>) semaphore(%arg22 : memref<!tpu.dma_semaphore, #tpu.memory_space<semaphore_mem>>)
      } else {
      }
    }
    %scan3A_70 = arith.constant 35 : i32
    %dma_wait3A_71 = arith.constant 0 : i32
    %dma_wait3A_72 = arith.constant 0 : i32
    %dma_wait3A_73 = tpu.memref_slice %arg18[%dma_wait3A_71, %dma_wait3A_72] : memref<10240x128xf32, #tpu.memory_space<vmem_shared>> -> memref<10240x128xf32, #tpu.memory_space<vmem_shared>>
    tpu.wait_indirect_dma semaphore(%arg27 : memref<!tpu.dma_semaphore, #tpu.memory_space<semaphore_mem>>) src(%arg14 : memref<48x128xf32, #tpu.memory_space<vmem>>) dst(%dma_wait3A_73 : memref<10240x128xf32, #tpu.memory_space<vmem_shared>>)
    %barrier3A_74 = arith.constant 0 : index
    tpu.barrier barrier_id(%barrier3A_74)
    "tpu.region"() ({
      %run_scoped3A_75 = tpu.sem_alloc : memref<!tpu.dma_semaphore, #tpu.memory_space<semaphore_mem>>
      %dma_start3A_76 = arith.constant 0 : i32
      %dma_start3A_77 = arith.constant 0 : i32
      %dma_start3A_78 = tpu.memref_slice %arg6[%arg0, %dma_start3A_76, %dma_start3A_77] : memref<2x10240x128xf32, #tpu.memory_space<hbm>> -> memref<1x10240x128xf32, #tpu.memory_space<hbm>>
      %dma_start3A_79 = tpu.memref_squeeze %dma_start3A_78 : memref<1x10240x128xf32, #tpu.memory_space<hbm>> -> memref<10240x128xf32, #tpu.memory_space<hbm>>
      %dma_start3A_80 = arith.constant 0 : i32
      %dma_start3A_81 = tpu.memref_slice %dma_start3A_79[%mul3A_8, %dma_start3A_80] : memref<10240x128xf32, #tpu.memory_space<hbm>> -> memref<640x128xf32, #tpu.memory_space<hbm>>
      %dma_start3A_82 = arith.constant 0 : i32
      %dma_start3A_83 = tpu.memref_slice %arg18[%mul3A_8, %dma_start3A_82] : memref<10240x128xf32, #tpu.memory_space<vmem_shared>> -> memref<640x128xf32, #tpu.memory_space<vmem_shared>>
      tpu.enqueue_dma source(%dma_start3A_83 : memref<640x128xf32, #tpu.memory_space<vmem_shared>>) target(%dma_start3A_81 : memref<640x128xf32, #tpu.memory_space<hbm>>) target_semaphore(%run_scoped3A_75 : memref<!tpu.dma_semaphore, #tpu.memory_space<semaphore_mem>>)
      %dma_wait3A_84 = arith.constant 0 : i32
      %dma_wait3A_85 = arith.constant 0 : i32
      %dma_wait3A_86 = tpu.memref_slice %arg6[%arg0, %dma_wait3A_84, %dma_wait3A_85] : memref<2x10240x128xf32, #tpu.memory_space<hbm>> -> memref<1x10240x128xf32, #tpu.memory_space<hbm>>
      %dma_wait3A_87 = tpu.memref_squeeze %dma_wait3A_86 : memref<1x10240x128xf32, #tpu.memory_space<hbm>> -> memref<10240x128xf32, #tpu.memory_space<hbm>>
      %dma_wait3A_88 = arith.constant 0 : i32
      %dma_wait3A_89 = tpu.memref_slice %dma_wait3A_87[%mul3A_8, %dma_wait3A_88] : memref<10240x128xf32, #tpu.memory_space<hbm>> -> memref<640x128xf32, #tpu.memory_space<hbm>>
      %dma_wait3A_90 = arith.constant 0 : i32
      %dma_wait3A_91 = tpu.memref_slice %arg18[%mul3A_8, %dma_wait3A_90] : memref<10240x128xf32, #tpu.memory_space<vmem_shared>> -> memref<640x128xf32, #tpu.memory_space<vmem_shared>>
      tpu.wait_dma2 semaphore(%run_scoped3A_75 : memref<!tpu.dma_semaphore, #tpu.memory_space<semaphore_mem>>) src(%dma_wait3A_91 : memref<640x128xf32, #tpu.memory_space<vmem_shared>>) dst(%dma_wait3A_89 : memref<640x128xf32, #tpu.memory_space<hbm>>)
      tpu.yield
    }) : () -> ()
    return
  }
}

module attributes {stable_mosaic.version = 14 : i64} {
  func.func @_prologue_body(%arg0: i32, %arg1: memref<512x128xf32, #tpu.memory_space<vmem>>, %arg2: memref<512x128xf32, #tpu.memory_space<vmem>>, %arg3: memref<128x128xf32, #tpu.memory_space<vmem>>, %arg4: memref<1x128xf32, #tpu.memory_space<vmem>>, %arg5: memref<128x128xf32, #tpu.memory_space<vmem>>, %arg6: memref<1x128xf32, #tpu.memory_space<vmem>>, %arg7: memref<128x128xf32, #tpu.memory_space<vmem>>, %arg8: memref<128x128xf32, #tpu.memory_space<vmem>>, %arg9: memref<1x128xf32, #tpu.memory_space<vmem>>, %arg10: memref<512x128xf32, #tpu.memory_space<vmem>>, %arg11: memref<512x128xf32, #tpu.memory_space<vmem>>) attributes {dimension_semantics = [#tpu.dimension_semantics<arbitrary>], iteration_bounds = array<i64: 20>, scalar_prefetch = 0 : i64, scratch_operands = 0 : i64, tpu.core_type = #tpu.core_type<tc>, window_params = [{transform_indices = @transform_0, window_bounds = array<i64: 512, 128>}, {transform_indices = @transform_1, window_bounds = array<i64: 512, 128>}, {pipeline_mode = #tpu.pipeline_mode<synchronous>, transform_indices = @transform_2, window_bounds = array<i64: 128, 128>}, {pipeline_mode = #tpu.pipeline_mode<synchronous>, transform_indices = @transform_3, window_bounds = array<i64: 1, 128>}, {pipeline_mode = #tpu.pipeline_mode<synchronous>, transform_indices = @transform_4, window_bounds = array<i64: 128, 128>}, {pipeline_mode = #tpu.pipeline_mode<synchronous>, transform_indices = @transform_5, window_bounds = array<i64: 1, 128>}, {pipeline_mode = #tpu.pipeline_mode<synchronous>, transform_indices = @transform_6, window_bounds = array<i64: 128, 128>}, {pipeline_mode = #tpu.pipeline_mode<synchronous>, transform_indices = @transform_7, window_bounds = array<i64: 128, 128>}, {pipeline_mode = #tpu.pipeline_mode<synchronous>, transform_indices = @transform_8, window_bounds = array<i64: 1, 128>}, {transform_indices = @transform_9, window_bounds = array<i64: 512, 128>}, {transform_indices = @transform_10, window_bounds = array<i64: 512, 128>}]} {
    %get3A = arith.constant 0 : index
    %get3A_0 = arith.constant 0 : index
    %get3A_1 = vector.load %arg1[%get3A, %get3A_0] : memref<512x128xf32, #tpu.memory_space<vmem>>, vector<512x128xf32>
    %get3A_2 = arith.constant 0 : index
    %get3A_3 = arith.constant 0 : index
    %get3A_4 = vector.load %arg2[%get3A_2, %get3A_3] : memref<512x128xf32, #tpu.memory_space<vmem>>, vector<512x128xf32>
    %get3A_5 = arith.constant 0 : index
    %get3A_6 = arith.constant 0 : index
    %get3A_7 = vector.load %arg3[%get3A_5, %get3A_6] : memref<128x128xf32, #tpu.memory_space<vmem>>, vector<128x128xf32>
    %dot_general3A = arith.constant dense<0.000000e+00> : vector<512x128xf32>
    %dot_general3A_8 = tpu.matmul %get3A_1, %get3A_7, %dot_general3A {dimension_numbers = #tpu.dot_dimension_numbers<[1], [0], [0], [1], [0, 0, 1, 1], [], []>, transpose_lhs_hint = false} : vector<512x128xf32>, vector<128x128xf32>, vector<512x128xf32> -> vector<512x128xf32>
    %get3A_9 = arith.constant 0 : index
    %get3A_10 = arith.constant 0 : index
    %get3A_11 = vector.load %arg4[%get3A_9, %get3A_10] : memref<1x128xf32, #tpu.memory_space<vmem>>, vector<1x128xf32>
    %add3A = vector.broadcast %get3A_11 : vector<1x128xf32> to vector<512x128xf32>
    %add3A_12 = arith.addf %dot_general3A_8, %add3A : vector<512x128xf32>
    %max3A = arith.constant 0.000000e+00 : f32
    %max3A_13 = vector.broadcast %max3A : f32 to vector<512x128xf32>
    %max3A_14 = arith.maximumf %add3A_12, %max3A_13 : vector<512x128xf32>
    %get3A_15 = arith.constant 0 : index
    %get3A_16 = arith.constant 0 : index
    %get3A_17 = vector.load %arg5[%get3A_15, %get3A_16] : memref<128x128xf32, #tpu.memory_space<vmem>>, vector<128x128xf32>
    %dot_general3A_18 = arith.constant dense<0.000000e+00> : vector<512x128xf32>
    %dot_general3A_19 = tpu.matmul %max3A_14, %get3A_17, %dot_general3A_18 {dimension_numbers = #tpu.dot_dimension_numbers<[1], [0], [0], [1], [0, 0, 1, 1], [], []>, transpose_lhs_hint = false} : vector<512x128xf32>, vector<128x128xf32>, vector<512x128xf32> -> vector<512x128xf32>
    %get3A_20 = arith.constant 0 : index
    %get3A_21 = arith.constant 0 : index
    %get3A_22 = vector.load %arg6[%get3A_20, %get3A_21] : memref<1x128xf32, #tpu.memory_space<vmem>>, vector<1x128xf32>
    %add3A_23 = vector.broadcast %get3A_22 : vector<1x128xf32> to vector<512x128xf32>
    %add3A_24 = arith.addf %dot_general3A_19, %add3A_23 : vector<512x128xf32>
    %tanh3A = math.tanh %add3A_24 : vector<512x128xf32>
    %get3A_25 = arith.constant 0 : index
    %get3A_26 = arith.constant 0 : index
    %get3A_27 = vector.load %arg7[%get3A_25, %get3A_26] : memref<128x128xf32, #tpu.memory_space<vmem>>, vector<128x128xf32>
    %dot_general3A_28 = arith.constant dense<0.000000e+00> : vector<512x128xf32>
    %dot_general3A_29 = tpu.matmul %get3A_1, %get3A_27, %dot_general3A_28 {dimension_numbers = #tpu.dot_dimension_numbers<[1], [0], [0], [1], [0, 0, 1, 1], [], []>, transpose_lhs_hint = false} : vector<512x128xf32>, vector<128x128xf32>, vector<512x128xf32> -> vector<512x128xf32>
    %get3A_30 = arith.constant 0 : index
    %get3A_31 = arith.constant 0 : index
    %get3A_32 = vector.load %arg8[%get3A_30, %get3A_31] : memref<128x128xf32, #tpu.memory_space<vmem>>, vector<128x128xf32>
    %dot_general3A_33 = arith.constant dense<0.000000e+00> : vector<512x128xf32>
    %dot_general3A_34 = tpu.matmul %get3A_4, %get3A_32, %dot_general3A_33 {dimension_numbers = #tpu.dot_dimension_numbers<[1], [0], [0], [1], [0, 0, 1, 1], [], []>, transpose_lhs_hint = false} : vector<512x128xf32>, vector<128x128xf32>, vector<512x128xf32> -> vector<512x128xf32>
    %add3A_35 = arith.addf %dot_general3A_29, %dot_general3A_34 : vector<512x128xf32>
    %swap3A = arith.constant 0 : index
    %swap3A_36 = arith.constant 0 : index
    %swap3A_37 = vector.load %arg10[%swap3A, %swap3A_36] : memref<512x128xf32, #tpu.memory_space<vmem>>, vector<512x128xf32>
    tpu.vector_store %arg10[%swap3A, %swap3A_36], %add3A_35 {strides = array<i32>} : memref<512x128xf32, #tpu.memory_space<vmem>>, vector<512x128xf32>,
    %sub3A = arith.subf %tanh3A, %get3A_4 : vector<512x128xf32>
    %get3A_38 = arith.constant 0 : index
    %get3A_39 = arith.constant 0 : index
    %get3A_40 = vector.load %arg8[%get3A_38, %get3A_39] : memref<128x128xf32, #tpu.memory_space<vmem>>, vector<128x128xf32>
    %dot_general3A_41 = arith.constant dense<0.000000e+00> : vector<512x128xf32>
    %dot_general3A_42 = tpu.matmul %sub3A, %get3A_40, %dot_general3A_41 {dimension_numbers = #tpu.dot_dimension_numbers<[1], [0], [0], [1], [0, 0, 1, 1], [], []>, transpose_lhs_hint = false} : vector<512x128xf32>, vector<128x128xf32>, vector<512x128xf32> -> vector<512x128xf32>
    %get3A_43 = arith.constant 0 : index
    %get3A_44 = arith.constant 0 : index
    %get3A_45 = vector.load %arg9[%get3A_43, %get3A_44] : memref<1x128xf32, #tpu.memory_space<vmem>>, vector<1x128xf32>
    %add3A_46 = vector.broadcast %get3A_45 : vector<1x128xf32> to vector<512x128xf32>
    %add3A_47 = arith.addf %dot_general3A_42, %add3A_46 : vector<512x128xf32>
    %swap3A_48 = arith.constant 0 : index
    %swap3A_49 = arith.constant 0 : index
    %swap3A_50 = vector.load %arg11[%swap3A_48, %swap3A_49] : memref<512x128xf32, #tpu.memory_space<vmem>>, vector<512x128xf32>
    tpu.vector_store %arg11[%swap3A_48, %swap3A_49], %add3A_47 {strides = array<i32>} : memref<512x128xf32, #tpu.memory_space<vmem>>, vector<512x128xf32>,
    return
  }
  func.func @transform_0(%arg0: i32) -> (i32, i32) {
    %c0_i32 = arith.constant 0 : i32
    %c0_i32_0 = arith.constant 0 : i32
    return %arg0, %c0_i32 : i32, i32
  }
  func.func @transform_1(%arg0: i32) -> (i32, i32) {
    %c0_i32 = arith.constant 0 : i32
    %c0_i32_0 = arith.constant 0 : i32
    return %arg0, %c0_i32 : i32, i32
  }
  func.func @transform_2(%arg0: i32) -> (i32, i32) {
    %c0_i32 = arith.constant 0 : i32
    %c0_i32_0 = arith.constant 0 : i32
    %c0_i32_1 = arith.constant 0 : i32
    return %c0_i32, %c0_i32_0 : i32, i32
  }
  func.func @transform_3(%arg0: i32) -> (i32, i32) {
    %c0_i32 = arith.constant 0 : i32
    %c0_i32_0 = arith.constant 0 : i32
    %c0_i32_1 = arith.constant 0 : i32
    return %c0_i32, %c0_i32_0 : i32, i32
  }
  func.func @transform_4(%arg0: i32) -> (i32, i32) {
    %c0_i32 = arith.constant 0 : i32
    %c0_i32_0 = arith.constant 0 : i32
    %c0_i32_1 = arith.constant 0 : i32
    return %c0_i32, %c0_i32_0 : i32, i32
  }
  func.func @transform_5(%arg0: i32) -> (i32, i32) {
    %c0_i32 = arith.constant 0 : i32
    %c0_i32_0 = arith.constant 0 : i32
    %c0_i32_1 = arith.constant 0 : i32
    return %c0_i32, %c0_i32_0 : i32, i32
  }
  func.func @transform_6(%arg0: i32) -> (i32, i32) {
    %c0_i32 = arith.constant 0 : i32
    %c0_i32_0 = arith.constant 0 : i32
    %c0_i32_1 = arith.constant 0 : i32
    return %c0_i32, %c0_i32_0 : i32, i32
  }
  func.func @transform_7(%arg0: i32) -> (i32, i32) {
    %c0_i32 = arith.constant 0 : i32
    %c0_i32_0 = arith.constant 0 : i32
    %c0_i32_1 = arith.constant 0 : i32
    return %c0_i32, %c0_i32_0 : i32, i32
  }
  func.func @transform_8(%arg0: i32) -> (i32, i32) {
    %c0_i32 = arith.constant 0 : i32
    %c0_i32_0 = arith.constant 0 : i32
    %c0_i32_1 = arith.constant 0 : i32
    return %c0_i32, %c0_i32_0 : i32, i32
  }
  func.func @transform_9(%arg0: i32) -> (i32, i32) {
    %c0_i32 = arith.constant 0 : i32
    %c0_i32_0 = arith.constant 0 : i32
    return %arg0, %c0_i32 : i32, i32
  }
  func.func @transform_10(%arg0: i32) -> (i32, i32) {
    %c0_i32 = arith.constant 0 : i32
    %c0_i32_0 = arith.constant 0 : i32
    return %arg0, %c0_i32 : i32, i32
  }
}

module attributes {stable_mosaic.version = 14 : i64} {
  func.func @_epilogue_body(%arg0: i32, %arg1: memref<2x1000x128xf32, #tpu.memory_space<vmem>>, %arg2: memref<1000x128xf32, #tpu.memory_space<vmem>>, %arg3: memref<128x128xf32, #tpu.memory_space<vmem>>, %arg4: memref<1x128xf32, #tpu.memory_space<vmem>>, %arg5: memref<128x128xf32, #tpu.memory_space<vmem>>, %arg6: memref<1x128xf32, #tpu.memory_space<vmem>>, %arg7: memref<1000x128xf32, #tpu.memory_space<vmem>>) attributes {dimension_semantics = [#tpu.dimension_semantics<arbitrary>], iteration_bounds = array<i64: 10>, scalar_prefetch = 0 : i64, scratch_operands = 0 : i64, tpu.core_type = #tpu.core_type<tc>, window_params = [{transform_indices = @transform_0, window_bounds = array<i64: 2, 1000, 128>}, {transform_indices = @transform_1, window_bounds = array<i64: 1000, 128>}, {pipeline_mode = #tpu.pipeline_mode<synchronous>, transform_indices = @transform_2, window_bounds = array<i64: 128, 128>}, {pipeline_mode = #tpu.pipeline_mode<synchronous>, transform_indices = @transform_3, window_bounds = array<i64: 1, 128>}, {pipeline_mode = #tpu.pipeline_mode<synchronous>, transform_indices = @transform_4, window_bounds = array<i64: 128, 128>}, {pipeline_mode = #tpu.pipeline_mode<synchronous>, transform_indices = @transform_5, window_bounds = array<i64: 1, 128>}, {transform_indices = @transform_6, window_bounds = array<i64: 1000, 128>}]} {
    %get3A = arith.constant 0 : index
    %get3A_0 = arith.constant 0 : index
    %get3A_1 = arith.constant 0 : index
    %get3A_2 = vector.load %arg1[%get3A, %get3A_0, %get3A_1] : memref<2x1000x128xf32, #tpu.memory_space<vmem>>, vector<1x1000x128xf32>
    %get3A_3 = vector.shape_cast %get3A_2 : vector<1x1000x128xf32> to vector<1000x128xf32>
    %get3A_4 = arith.constant 1 : index
    %get3A_5 = arith.constant 0 : index
    %get3A_6 = arith.constant 0 : index
    %get3A_7 = vector.load %arg1[%get3A_4, %get3A_5, %get3A_6] : memref<2x1000x128xf32, #tpu.memory_space<vmem>>, vector<1x1000x128xf32>
    %get3A_8 = vector.shape_cast %get3A_7 : vector<1x1000x128xf32> to vector<1000x128xf32>
    %add3A = arith.addf %get3A_3, %get3A_8 : vector<1000x128xf32>
    %get3A_9 = arith.constant 0 : index
    %get3A_10 = arith.constant 0 : index
    %get3A_11 = vector.load %arg3[%get3A_9, %get3A_10] : memref<128x128xf32, #tpu.memory_space<vmem>>, vector<128x128xf32>
    %dot_general3A = arith.constant dense<0.000000e+00> : vector<1000x128xf32>
    %dot_general3A_12 = tpu.matmul %add3A, %get3A_11, %dot_general3A {dimension_numbers = #tpu.dot_dimension_numbers<[1], [0], [0], [1], [0, 0, 1, 1], [], []>, transpose_lhs_hint = false} : vector<1000x128xf32>, vector<128x128xf32>, vector<1000x128xf32> -> vector<1000x128xf32>
    %get3A_13 = arith.constant 0 : index
    %get3A_14 = arith.constant 0 : index
    %get3A_15 = vector.load %arg4[%get3A_13, %get3A_14] : memref<1x128xf32, #tpu.memory_space<vmem>>, vector<1x128xf32>
    %add3A_16 = vector.broadcast %get3A_15 : vector<1x128xf32> to vector<1000x128xf32>
    %add3A_17 = arith.addf %dot_general3A_12, %add3A_16 : vector<1000x128xf32>
    %max3A = arith.constant 0.000000e+00 : f32
    %max3A_18 = vector.broadcast %max3A : f32 to vector<1000x128xf32>
    %max3A_19 = arith.maximumf %add3A_17, %max3A_18 : vector<1000x128xf32>
    %get3A_20 = arith.constant 0 : index
    %get3A_21 = arith.constant 0 : index
    %get3A_22 = vector.load %arg5[%get3A_20, %get3A_21] : memref<128x128xf32, #tpu.memory_space<vmem>>, vector<128x128xf32>
    %dot_general3A_23 = arith.constant dense<0.000000e+00> : vector<1000x128xf32>
    %dot_general3A_24 = tpu.matmul %max3A_19, %get3A_22, %dot_general3A_23 {dimension_numbers = #tpu.dot_dimension_numbers<[1], [0], [0], [1], [0, 0, 1, 1], [], []>, transpose_lhs_hint = false} : vector<1000x128xf32>, vector<128x128xf32>, vector<1000x128xf32> -> vector<1000x128xf32>
    %get3A_25 = arith.constant 0 : index
    %get3A_26 = arith.constant 0 : index
    %get3A_27 = vector.load %arg6[%get3A_25, %get3A_26] : memref<1x128xf32, #tpu.memory_space<vmem>>, vector<1x128xf32>
    %add3A_28 = vector.broadcast %get3A_27 : vector<1x128xf32> to vector<1000x128xf32>
    %add3A_29 = arith.addf %dot_general3A_24, %add3A_28 : vector<1000x128xf32>
    %max3A_30 = arith.constant 0.000000e+00 : f32
    %max3A_31 = vector.broadcast %max3A_30 : f32 to vector<1000x128xf32>
    %max3A_32 = arith.maximumf %add3A_29, %max3A_31 : vector<1000x128xf32>
    %get3A_33 = arith.constant 0 : index
    %get3A_34 = arith.constant 0 : index
    %get3A_35 = vector.load %arg2[%get3A_33, %get3A_34] : memref<1000x128xf32, #tpu.memory_space<vmem>>, vector<1000x128xf32>
    %add3A_36 = arith.addf %get3A_35, %max3A_32 : vector<1000x128xf32>
    %swap3A = arith.constant 0 : index
    %swap3A_37 = arith.constant 0 : index
    %swap3A_38 = vector.load %arg7[%swap3A, %swap3A_37] : memref<1000x128xf32, #tpu.memory_space<vmem>>, vector<1000x128xf32>
    tpu.vector_store %arg7[%swap3A, %swap3A_37], %add3A_36 {strides = array<i32>} : memref<1000x128xf32, #tpu.memory_space<vmem>>, vector<1000x128xf32>,
    return
  }
  func.func @transform_0(%arg0: i32) -> (i32, i32, i32) {
    %c0_i32 = arith.constant 0 : i32
    %c0_i32_0 = arith.constant 0 : i32
    %c0_i32_1 = arith.constant 0 : i32
    return %c0_i32, %arg0, %c0_i32_0 : i32, i32, i32
  }
  func.func @transform_1(%arg0: i32) -> (i32, i32) {
    %c0_i32 = arith.constant 0 : i32
    %c0_i32_0 = arith.constant 0 : i32
    return %arg0, %c0_i32 : i32, i32
  }
  func.func @transform_2(%arg0: i32) -> (i32, i32) {
    %c0_i32 = arith.constant 0 : i32
    %c0_i32_0 = arith.constant 0 : i32
    %c0_i32_1 = arith.constant 0 : i32
    return %c0_i32, %c0_i32_0 : i32, i32
  }
  func.func @transform_3(%arg0: i32) -> (i32, i32) {
    %c0_i32 = arith.constant 0 : i32
    %c0_i32_0 = arith.constant 0 : i32
    %c0_i32_1 = arith.constant 0 : i32
    return %c0_i32, %c0_i32_0 : i32, i32
  }
  func.func @transform_4(%arg0: i32) -> (i32, i32) {
    %c0_i32 = arith.constant 0 : i32
    %c0_i32_0 = arith.constant 0 : i32
    %c0_i32_1 = arith.constant 0 : i32
    return %c0_i32, %c0_i32_0 : i32, i32
  }
  func.func @transform_5(%arg0: i32) -> (i32, i32) {
    %c0_i32 = arith.constant 0 : i32
    %c0_i32_0 = arith.constant 0 : i32
    %c0_i32_1 = arith.constant 0 : i32
    return %c0_i32, %c0_i32_0 : i32, i32
  }
  func.func @transform_6(%arg0: i32) -> (i32, i32) {
    %c0_i32 = arith.constant 0 : i32
    %c0_i32_0 = arith.constant 0 : i32
    return %arg0, %c0_i32 : i32, i32
  }
}

</mosaic_0001>

<sc_bundles>
// kernel: kernel.5.cloned.1.call-start
scs
__scs_entry_jumppad:
0x0: {  	(pc) =	sbr.rel $0x88, $3  }
0x1: {  	(tag) =	ssettag $0x0;
	lr =	simm.s32 $0x1  }
0x2: {  	[smem:$0x3F94] =	sst lr;
	_ =	strace $0xD0000000  }
0x3: {  	_ = 	snop  }
0x4: {  	_ = 	snop  }
0x5: {  	_ = 	snop  }
0x6: {  	_ = 	snop  }
0x7: {  	_ = 	snop  }
__scs_overlays_trampoline_lowered:
0x8: {  	[smem:$0x3FA3] =	sst s0  }
0x9: {  	[smem:$0x3FA4] =	sst s1  }
0xa: {  	[smem:$0x3FA5] =	sst s2  }
0xb: {  	[smem:$0x3FA6] =	sst s3  }
0xc: {  	[smem:$0x3FA7] =	sst s4  }
0xd: {  	[smem:$0x3FA8] =	sst s5  }
0xe: {  	[smem:$0x3FA9] =	sst s6  }
0xf: {  	[smem:$0x3FAA] =	sst s7  }
0x10: {  	[smem:$0x3FAB] =	sst s8  }
0x11: {  	[smem:$0x3FAC] =	sst s9;
	s0 =	simm.s32 @!p0 $0x0  }
0x12: {  	s1 =	sld [smem:$0x3F92];
	s0 =	simm.s32 @p0 $0x1  }
0x13: {  	[smem:$0x3FAD] =	sst s0;
	s0 =	simm.s32 @!p1 $0x0  }
0x14: {  	s2 =	sld [smem:$0x3F91];
	s0 =	simm.s32 @p1 $0x1  }
0x15: {  	[smem:$0x3FAE] =	sst s0;
	s0 =	simm.s32 @!p2 $0x0  }
0x16: {  	s3 =	sld [smem:$0x3FDB];
	s0 =	simm.s32 @p2 $0x1  }
0x17: {  	s4 =	simm.s32 $0x1BF5;
	[smem:$0x3FB0] =	sst s0  }
0x18: {  	s0 =	sld [smem:$0x3F93];
	_ =	swait.ge [sflag:s4], $0x0  }
0x19: {  	s7 =	sld [smem:$0x3F94]  }
0x1a: {  	s8 =	sadd.s32 $0xFFFFE003, lr  }
0x1b: {  	s9 =	sadd.s32 $0xFFFFFEF7, lr;
	s5 =	simm.s32 $0xFFFFFFFF;
	p2 =	slt.u32 s8, $0xFFFFF086  }
0x1c: {  	p1 =	slt.u32 s9, $0xF7A;
	s5 =	simm.s32 @!p2 $0x0  }
0x1d: {  	s5 =	simm.s32 @p1 $0x1;
	p0 =	seq.s32 s7, s2  }
0x1e: {  	s7 =	smul.u32 @!p0 $0xF7A, s2;
	p2 =	seq.s32 @!p0 s5, $0x0  }
0x1f: {  	s9 =	smul.u32 $0xF7A, s1;
	s8 =	simm.s32 @!p0 $0x1BF5;
	p2 =	por !p2, p0  }
0x20: {  	[sflag:s8] =	ssyncset.s32 @!p0 $0xFFFFF086;
	s6 =	sadd.s32 @!p0 s3, s7;
	s7 =	simm.s32 @!p0 $0x108  }
0x21: {  	s3 =	sadd.s32 s3, s9;
	s6 =	sadd.s32 @!p0 $0x88, s6;
	s7 =	simm.s32 @p2 $0x1082  }
0x22: {  	[simem:s7], [sflag:s8] =	dma.local @!p0 [hbm:s6], $0xF7A  }
0x23: {  	s9 =	sor.u32 $0xD0000000, s2;
	s6 =	simm.s32 $0x108;
	_ =	swait.ge @!p0 [sflag:s8], $0x0  }
0x24: {  	s3 =	sadd.s32 $0x88, s3;
	s6 =	simm.s32 @!p1 $0x1082;
	[sflag:s4] =	ssyncset.s32 $0xFFFFF086  }
0x25: {  	[simem:s6], [sflag:s4] =	dma.local [hbm:s3], $0xF7A  }
0x26: {  	[smem:$0x3F94] =	sst s1;
	(tag) =	ssettag s2;
	_ =	strace s9  }
0x27: {  	s1 =	sld [smem:$0x3FA4]  }
0x28: {  	s2 =	sld [smem:$0x3FA5]  }
0x29: {  	s4 =	sld [smem:$0x3FA7]  }
0x2a: {  	p0 =	seq.s32 s5, $0x0;
	s5 =	sld [smem:$0x3FA8]  }
0x2b: {  	s6 =	sld [smem:$0x3FA9]  }
0x2c: {  	s7 =	sld [smem:$0x3FAA]  }
0x2d: {  	s3 =	simm.s32 $0x108;
	s8 =	sld [smem:$0x3FAB]  }
0x2e: {  	s3 =	simm.s32 @!p0 $0x1082;
	s9 =	sld [smem:$0x3FAC]  }
0x2f: {  	lr =	sadd.s32 s0, s3;
	s0 =	sld [smem:$0x3FA3]  }
0x30: {  	s3 =	sld [smem:$0x3FA6]  }
0x31: {  	[smem:$0x3FAF] =	sst s10  }
0x32: {  	s10 =	sld [smem:$0x3FAD];
	_ =	sdelay $0x3  }
0x33: {  	p0 =	seq.s32 s10, $0x1;
	s10 =	sld [smem:$0x3FAF];
	_ =	sdelay $0x3  }
0x34: {  	[smem:$0x3FAF] =	sst s10  }
0x35: {  	s10 =	sld [smem:$0x3FAE];
	_ =	sdelay $0x3  }
0x36: {  	p1 =	seq.s32 s10, $0x1;
	s10 =	sld [smem:$0x3FAF];
	_ =	sdelay $0x3  }
0x37: {  	[smem:$0x3FAF] =	sst s10  }
0x38: {  	s10 =	sld [smem:$0x3FB0]  }
0x39: {  	_ = 	snop;
	(pc) =	sbr.ind lr, $3  }
0x3a: {  	_ = 	snop  }
0x3b: {  	_ = 	snop  }
0x3c: {  	p2 =	seq.s32 s10, $0x1;
	s10 =	sld [smem:$0x3FAF]  }
0x3d: {  	_ =	shalt  }
0x3e: {  	_ =	shalt  }
0x3f: {  	_ =	shalt  }
0x40: {  	_ =	shalt  }
0x41: {  	_ =	shalt  }
0x42: {  	_ =	shalt  }
0x43: {  	_ =	shalt  }
0x44: {  	_ =	shalt  }
0x45: {  	_ =	shalt  }
0x46: {  	_ =	shalt  }
0x47: {  	_ =	shalt  }
0x48: {  	_ =	shalt  }
0x49: {  	_ =	shalt  }
0x4a: {  	_ =	shalt  }
0x4b: {  	_ =	shalt  }
0x4c: {  	_ =	shalt  }
0x4d: {  	_ =	shalt  }
0x4e: {  	_ =	shalt  }
0x4f: {  	_ =	shalt  }
0x50: {  	_ =	shalt  }
0x51: {  	_ =	shalt  }
0x52: {  	_ =	shalt  }
0x53: {  	_ =	shalt  }
0x54: {  	_ =	shalt  }
0x55: {  	_ =	shalt  }
0x56: {  	_ =	shalt  }
0x57: {  	_ =	shalt  }
0x58: {  	_ =	shalt  }
0x59: {  	_ =	shalt  }
0x5a: {  	_ =	shalt  }
0x5b: {  	_ =	shalt  }
0x5c: {  	_ =	shalt  }
0x5d: {  	_ =	shalt  }
0x5e: {  	_ =	shalt  }
0x5f: {  	_ =	shalt  }
0x60: {  	_ =	shalt  }
0x61: {  	_ =	shalt  }
0x62: {  	_ =	shalt  }
0x63: {  	_ =	shalt  }
0x64: {  	_ =	shalt  }
0x65: {  	_ =	shalt  }
0x66: {  	_ =	shalt  }
0x67: {  	_ =	shalt  }
0x68: {  	_ =	shalt  }
0x69: {  	_ =	shalt  }
0x6a: {  	_ =	shalt  }
0x6b: {  	_ =	shalt  }
0x6c: {  	_ =	shalt  }
0x6d: {  	_ =	shalt  }
0x6e: {  	_ =	shalt  }
0x6f: {  	_ =	shalt  }
0x70: {  	_ =	shalt  }
0x71: {  	_ =	shalt  }
0x72: {  	_ =	shalt  }
0x73: {  	_ =	shalt  }
0x74: {  	_ =	shalt  }
0x75: {  	_ =	shalt  }
0x76: {  	_ =	shalt  }
0x77: {  	_ =	shalt  }
0x78: {  	_ =	shalt  }
0x79: {  	_ =	shalt  }
0x7a: {  	_ =	shalt  }
0x7b: {  	_ =	shalt  }
0x7c: {  	_ =	shalt  }
0x7d: {  	_ =	shalt  }
0x7e: {  	_ =	shalt  }
0x7f: {  	_ =	shalt  }
0x80: {  	_ =	shalt  }
0x81: {  	_ =	shalt  }
0x82: {  	_ =	shalt  }
0x83: {  	_ =	shalt  }
0x84: {  	_ =	shalt  }
0x85: {  	_ =	shalt  }
0x86: {  	_ =	shalt  }
0x87: {  	_ =	shalt  }
.Lfunc_end0:
.L_simem_size_0:
called_computation_lowered:
.L_overlay_start_0:
0x88: {  	s2 =	sld [smem:$0x3FD9]  }
0x89: {  	s3 =	sld [smem:$0x3FFE];
	_ =	sdelay $0x1  }
0x8a: {  	s1 =	srdreg.scid  }
0x8b: {  	s0 =	sand.u32 $0x1, s1  }
0x8c: {  	s17 =	sshll.u32 s0, $0xA;
	s2 =	sadd.s32 s3, s2  }
0x8d: {  	s2 =	sadd.s32 s2, s17  }
0x8e: {  	[smem:$0x3FBB] =	sst s2  }
0x8f: {  	_ = 	snop  }
0x90: {  	s2 =	sld [smem:$0x3FD0];
	(tm) =	ssettm $0x1  }
0x91: {  	s18 =	sld [smem:$0x3FFB];
	_ =	sdelay $0x3  }
0x92: {  	_ =	strace s18  }
0x93: {  	s3 =	sld [smem:$0x3FFC];
	_ =	sdelay $0x3  }
0x94: {  	_ =	strace s3  }
0x95: {  	s3 =	sld [smem:$0x3FFD];
	_ =	sdelay $0x3  }
0x96: {  	_ =	strace s3  }
0x97: {  	_ =	strace $0x8FFFFFFF  }
0x98: {  	s19 =	sld [smem:$0x3FDB];
	_ =	sdelay $0x1  }
0x99: {  	s4 =	simm.s32 $_scs_section_size  }
0x9a: {  	s5 =	simm.s32 $_size__tile_overlayer_lowered;
	s6 =	simm.s32 $_tile_overlayer_lowered  }
0x9b: {  	s22 =	simm.s32 $0x1BFF;
	s21 =	sshll.u32 s6, $0x1;
	s3 =	sadd.s32 s4, s19  }
0x9c: {  	s7 =	simm.s32 $0x0;
	s20 =	sshll.u32 s5, $0x1;
	s5 =	sadd.s32 s21, s3  }
0x9d: {  	[timem:s7], [sflag:s22] =	dma.local [hbm:s5], s20  }
0x9e: {  	_ =	swait.ge [sflag:s22], s20  }
0x9f: {  	s4 =	ssub.s32 $0x0, s20;
	[sflag:s22] =	ssyncset.done $0x0  }
0xa0: {  	[sflag:s22] =	ssyncadd.s32 s4;
	_ =	sdelay $0x1  }
0xa1: {  	s23 =	simm.s32 $0x1B8B  }
0xa2: {  	_ =	swait.ge [sflag:s23], $0x1  }
0xa3: {  	[sflag:s23] =	ssyncset.done $0x0  }
0xa4: {  	s25 =	simm.s32 $0x1B8E;
	s24 =	sld [smem:$0x3FFE];
	[sflag:s23] =	ssyncadd.s32 $0xFFFFFFFF  }
0xa5: {  	s26 =	simm.s32 $execute0_lowered;
	[smem:$0x3FD2] =	sst s25  }
0xa6: {  	s5 =	sshll.u32 s26, $0x1;
	_ =	strace $0x80000046;
	[dreg:$0x1] =	wrdreg $0xFFFFFFFF  }
0xa7: {  	s28 =	simm.s32 $_size_execute0_lowered;
	s3 =	sadd.s32 s3, s5;
	[dreg:$0x0] =	wrdreg $0x0  }
0xa8: {  	s5 =	sshll.u32 s28, $0x1;
	[dreg:$0x2] =	wrdreg s3  }
0xa9: {  	[dreg:$0x3] =	wrdreg s5  }
0xaa: {  	[dreg:$0x4] =	wrdreg $0xC0  }
0xab: {  	_ =	task [dreg:s7], $0x5FFFF  }
0xac: {  	[dreg:$0x1] =	wrdreg $0xFFFFFFFF  }
0xad: {  	[dreg:$0x0] =	wrdreg $0x60  }
0xae: {  	[dreg:$0x2] =	wrdreg s24  }
0xaf: {  	[dreg:$0x3] =	wrdreg s2  }
0xb0: {  	[dreg:$0x4] =	wrdreg $0xB9800  }
0xb1: {  	[dreg:$0x5] =	wrdreg $0x9  }
0xb2: {  	_ =	task.clear_ibuf [dreg:s7], $0x6FFFF;
	_ =	strace $0x90000046  }
0xb3: {  	s29 =	simm.s32 $0x9;
	_ =	strace $0x80000048  }
0xb4: {  	_ =	swait.ge [sflag:s29], $0x1  }
0xb5: {  	[sflag:s29] =	ssyncadd.s32 $0xFFFFFFFF  }
0xb6: {  	_ =	strace $0x90000048  }
0xb7: {  	_ =	sfence  }
0xb8: {  	s30 =	sld [smem:$0x0];
	_ =	sdelay $0x2  }
0xb9: {  	s31 =	sshll.u32 s1, $0xD;
	s1 =	sshrl.u32 s1, $0x2  }
0xba: {  	s3 =	sand.u32 $0x4000, s31;
	s1 =	sadd.s32 s1, s30  }
0xbb: {  	s0 =	sor.u32 s3, s0;
	s1 =	sshll.u32 s1, $0x11  }
0xbc: {  	s0 =	sor.u32 s1, s0  }
0xbd: {  	s0 =	sadd.s32 $0x8F2B, s0  }
0xbe: {  	[sflag:s0] =	ssyncadd.remote.s32 $0x1  }
0xbf: {  	_ =	sfence.sel $0xFFFF  }
0xc0: {  	[dreg:$0x0] =	wrdreg $0xFFFFFFFF;
	(pc) =	sbr.abs _section_cstart, $3  }
0xc1: {  	[dreg:$0x1] =	wrdreg $0xFFFFFFFF  }
0xc2: {  	_ =	task.clear_ibuf [dreg:s7], $0x2FFFF;
	_ =	strace $0x9FFFFFFF  }
0xc3: {  	(tm) =	ssettm $0x7FFFFFFF  }
tec
execute0_lowered:
.L_overlay_start_1:
0x0: {  	(tag) =	ssettag $0x1  }
0x1: {  	s0 =	rddreg [dreg:$0x0]  }
0x2: {  	s3 =	simm.s32 $0x0;
	s22 =	srdreg.scid;
	s10 =	stileid.u32  }
0x3: {  	[smem:$0x7FF] =	sst s3;
	s3 =	sand.u32 $0x1, s22;
	s6 =	sshll.u32 s10, $0x1  }
0x4: {  	s7 =	smul.u32 $0x28000, s3;
	s8 =	ssub.s32 $0x2, s3;
	s3 =	sor.u32 s3, s6  }
0x5: {  	s2 =	rddreg [dreg:$0x1];
	s3 =	smul.u32 $0x500, s3  }
0x6: {  	s1 =	rddreg [dreg:$0x2];
	s23 =	sadd.s32 $0x2600, s0;
	s25 =	smul.u32 $0x50000, s10  }
0x7: {  	_ =	strace $0x80000047;
	s9 =	sshrl.u32 s8, $0x1;
	s26 =	sadd.s32 s2, s3  }
0x8: {  	s24 =	ssub.s32 s8, s9;
	s31 =	sadd.s32 s23, s3;
	[dreg:$0x4] =	wrdreg s26  }
0x9: {  	s9 =	sshrl.u32 s25, $0x2;
	s12 =	smax.u32 s24, $0x1;
	[dreg:$0x5] =	wrdreg s31  }
0xa: {  	s3 =	sor.u32 $0x10, s3;
	s28 =	sadd.s32 s9, s1;
	[dreg:$0x9] =	wrdreg s12  }
0xb: {  	s2 =	sadd.s32 s2, s3;
	[dreg:$0x8] =	wrdreg s28  }
0xc: {  	s6 =	sadd.s32 s23, s3;
	[dreg:$0x6] =	wrdreg s2  }
0xd: {  	s13 =	sadd.s32 $0x1400, s28;
	[dreg:$0x7] =	wrdreg s6  }
0xe: {  	s14 =	sadd.s32 $0x2800, s28;
	[dreg:$0xa] =	wrdreg s13  }
0xf: {  	s15 =	sadd.s32 $0x3C00, s28;
	[dreg:$0xb] =	wrdreg s14  }
0x10: {  	s16 =	sadd.s32 $0x5000, s28;
	[dreg:$0xc] =	wrdreg s15  }
0x11: {  	s17 =	sadd.s32 $0x6400, s28;
	[dreg:$0xd] =	wrdreg s16  }
0x12: {  	s29 =	simm.s32 $0x2800;
	s18 =	sadd.s32 $0x7800, s28;
	[dreg:$0xe] =	wrdreg s17  }
0x13: {  	s30 =	simm.s32 $0xA;
	s19 =	sadd.s32 $0x8C00, s28;
	[dreg:$0xf] =	wrdreg s18  }
0x14: {  	s4 =	sadd.s32 $0xC600, s0;
	s20 =	sadd.s32 $0xA000, s28;
	[dreg:$0x10] =	wrdreg s19  }
0x15: {  	s5 =	sadd.s32 $0x34600, s0;
	s21 =	sadd.s32 $0xB400, s28;
	[dreg:$0x11] =	wrdreg s20  }
0x16: {  	s11 =	smul.u32 $0x2800, s10;
	s22 =	sadd.s32 $0xC800, s28;
	[dreg:$0x12] =	wrdreg s21  }
0x17: {  	s0 =	sadd.s32 s7, s0;
	s23 =	sadd.s32 $0xDC00, s28;
	[dreg:$0x13] =	wrdreg s22  }
0x18: {  	s0 =	sadd.s32 $0x5C600, s0;
	s24 =	sadd.s32 $0xF000, s28;
	[dreg:$0x14] =	wrdreg s23  }
0x19: {  	s7 =	simm.s32 $0x5;
	s0 =	sadd.s32 s11, s0;
	[dreg:$0x15] =	wrdreg s24  }
0x1a: {  	s8 =	simm.s32 $0xB900;
	s25 =	sadd.s32 $0x10400, s28;
	[dreg:$0x16] =	wrdreg s0  }
0x1b: {  	s9 =	simm.s32 $0x7000;
	s26 =	sadd.s32 $0x11800, s28;
	[dreg:$0x17] =	wrdreg s25  }
0x1c: {  	s31 =	sadd.s32 $0x12C00, s28;
	s11 =	simm.s32 $0x8800;
	[dreg:$0x18] =	wrdreg s26  }
0x1d: {  	s12 =	simm.s32 $0x1;
	[dreg:$0x19] =	wrdreg s31;
	s2 =	simm.s32 $0x30  }
0x1e: {  	s6 =	simm.s32 $0x4000;
	s13 =	simm.s32 $0x2;
	s14 =	simm.s32 $0xB800  }
0x1f: {  	s15 =	simm.s32 $0xA000;
	s16 =	simm.s32 $0x3;
	s17 =	simm.s32 $0x4  }
0x20: {  	s18 =	simm.s32 $0xB880;
	s19 =	simm.s32 $0x7;
	s20 =	simm.s32 $0x6  }
0x21: {  	v0 =	vimm.f32 $0.0e+00;
	s21 =	simm.s32 $0x8;
	s22 =	simm.s32 $0x9;
	s23 =	simm.s32 $0x0  }
.LBB2_1:
0x22: {  	s3 =	simm.s32 $0x0  }
0x23: {  	s0 =	sand.u32 $0x7E00, s3  }
0x24: {  	s24 =	sand.u32 $0x70, s3;
	s25 =	sshrl.u32 s0, $0x2  }
0x25: {  	s0 =	simm.s32 $0x40;
	s25 =	sor.u32 s24, s25;
	s24 =	simm.s32 $0x0  }
.LBB2_2:
0x26: {  	p0 =	sne.s32 s0, $0x4FC0  }
0x27: {  	[tilespmem:s25+$0x2800] =	vst v0;
	s24 =	sadd.s32 $0x10, s24;
	s25 =	smov.u32 s0;
	s0 =	sadd.s32 $0x40, s0  }
.Ltmp0:
0x28: {  	(pc) =	sbr.rel @p0 .LBB2_2-.Ltmp0, $4  }
0x29: {  	_ = 	snop  }
0x2a: {  	s25 =	sand.u32 $0x7E00, s25  }
0x2b: {  	s26 =	sand.u32 $0x70, s24;
	s25 =	sshrl.u32 s25, $0x2  }
0x2c: {  	s25 =	sor.u32 s26, s25  }
0x2d: {  	[tilespmem:s25+$0x2800] =	vst v0  }
0x2e: {  	[spmem:s28] =	stream.linear.scatter [tilespmem:s29], [sflag:$0xA], $0x1400, $0x38;
	[tilespmem:$0x1F980] =	vst v63  }
0x2f: {  	_ =	swait.ge [sflag:s30], $0x1400  }
0x30: {  	[sflag:s30] =	ssyncset.done $0x0  }
0x31: {  	s0 =	rddreg [dreg:$0xa];
	[sflag:s30] =	ssyncadd.s32 $0xFFFFEC00  }
0x32: {  	[spmem:s0] =	stream.linear.scatter [tilespmem:s29], [sflag:$0xA], $0x1400, $0x38;
	[tilespmem:$0x1F980] =	vst v63  }
0x33: {  	_ =	swait.ge [sflag:s30], $0x1400  }
0x34: {  	[sflag:s30] =	ssyncset.done $0x0  }
0x35: {  	s31 =	rddreg [dreg:$0xb];
	[sflag:s30] =	ssyncadd.s32 $0xFFFFEC00  }
0x36: {  	[spmem:s31] =	stream.linear.scatter [tilespmem:s29], [sflag:$0xA], $0x1400, $0x38;
	[tilespmem:$0x1F980] =	vst v63  }
0x37: {  	_ =	swait.ge [sflag:s30], $0x1400  }
0x38: {  	[sflag:s30] =	ssyncset.done $0x0  }
0x39: {  	s3 =	rddreg [dreg:$0xc];
	[sflag:s30] =	ssyncadd.s32 $0xFFFFEC00  }
0x3a: {  	[spmem:s3] =	stream.linear.scatter [tilespmem:s29], [sflag:$0xA], $0x1400, $0x38;
	[tilespmem:$0x1F980] =	vst v63  }
0x3b: {  	_ =	swait.ge [sflag:s30], $0x1400  }
0x3c: {  	[sflag:s30] =	ssyncset.done $0x0  }
0x3d: {  	s10 =	rddreg [dreg:$0xd];
	[sflag:s30] =	ssyncadd.s32 $0xFFFFEC00  }
0x3e: {  	[spmem:s10] =	stream.linear.scatter [tilespmem:s29], [sflag:$0xA], $0x1400, $0x38;
	[tilespmem:$0x1F980] =	vst v63  }
0x3f: {  	_ =	swait.ge [sflag:s30], $0x1400  }
0x40: {  	[sflag:s30] =	ssyncset.done $0x0  }
0x41: {  	s24 =	rddreg [dreg:$0xe];
	[sflag:s30] =	ssyncadd.s32 $0xFFFFEC00  }
0x42: {  	[spmem:s24] =	stream.linear.scatter [tilespmem:s29], [sflag:$0xA], $0x1400, $0x38;
	[tilespmem:$0x1F980] =	vst v63  }
0x43: {  	_ =	swait.ge [sflag:s30], $0x1400  }
0x44: {  	[sflag:s30] =	ssyncset.done $0x0  }
0x45: {  	s25 =	rddreg [dreg:$0xf];
	[sflag:s30] =	ssyncadd.s32 $0xFFFFEC00  }
0x46: {  	[spmem:s25] =	stream.linear.scatter [tilespmem:s29], [sflag:$0xA], $0x1400, $0x38;
	[tilespmem:$0x1F980] =	vst v63  }
0x47: {  	_ =	swait.ge [sflag:s30], $0x1400  }
0x48: {  	[sflag:s30] =	ssyncset.done $0x0  }
0x49: {  	s26 =	rddreg [dreg:$0x10];
	[sflag:s30] =	ssyncadd.s32 $0xFFFFEC00  }
0x4a: {  	[spmem:s26] =	stream.linear.scatter [tilespmem:s29], [sflag:$0xA], $0x1400, $0x38;
	[tilespmem:$0x1F980] =	vst v63  }
0x4b: {  	_ =	swait.ge [sflag:s30], $0x1400  }
0x4c: {  	[sflag:s30] =	ssyncset.done $0x0  }
0x4d: {  	s28 =	rddreg [dreg:$0x11];
	[sflag:s30] =	ssyncadd.s32 $0xFFFFEC00  }
0x4e: {  	[spmem:s28] =	stream.linear.scatter [tilespmem:s29], [sflag:$0xA], $0x1400, $0x38;
	[tilespmem:$0x1F980] =	vst v63  }
0x4f: {  	_ =	swait.ge [sflag:s30], $0x1400  }
0x50: {  	[sflag:s30] =	ssyncset.done $0x0  }
0x51: {  	s31 =	rddreg [dreg:$0x12];
	[sflag:s30] =	ssyncadd.s32 $0xFFFFEC00  }
0x52: {  	[spmem:s31] =	stream.linear.scatter [tilespmem:s29], [sflag:$0xA], $0x1400, $0x38;
	[tilespmem:$0x1F980] =	vst v63  }
0x53: {  	_ =	swait.ge [sflag:s30], $0x1400  }
0x54: {  	[sflag:s30] =	ssyncset.done $0x0  }
0x55: {  	s3 =	rddreg [dreg:$0x13];
	[sflag:s30] =	ssyncadd.s32 $0xFFFFEC00  }
0x56: {  	[spmem:s3] =	stream.linear.scatter [tilespmem:s29], [sflag:$0xA], $0x1400, $0x38;
	[tilespmem:$0x1F980] =	vst v63  }
0x57: {  	_ =	swait.ge [sflag:s30], $0x1400  }
0x58: {  	[sflag:s30] =	ssyncset.done $0x0  }
0x59: {  	s10 =	rddreg [dreg:$0x14];
	[sflag:s30] =	ssyncadd.s32 $0xFFFFEC00  }
0x5a: {  	[spmem:s10] =	stream.linear.scatter [tilespmem:s29], [sflag:$0xA], $0x1400, $0x38;
	[tilespmem:$0x1F980] =	vst v63  }
0x5b: {  	_ =	swait.ge [sflag:s30], $0x1400  }
0x5c: {  	[sflag:s30] =	ssyncset.done $0x0  }
0x5d: {  	s24 =	rddreg [dreg:$0x15];
	[sflag:s30] =	ssyncadd.s32 $0xFFFFEC00  }
0x5e: {  	[spmem:s24] =	stream.linear.scatter [tilespmem:s29], [sflag:$0xA], $0x1400, $0x38;
	[tilespmem:$0x1F980] =	vst v63  }
0x5f: {  	_ =	swait.ge [sflag:s30], $0x1400  }
0x60: {  	[sflag:s30] =	ssyncset.done $0x0  }
0x61: {  	s25 =	rddreg [dreg:$0x17];
	[sflag:s30] =	ssyncadd.s32 $0xFFFFEC00  }
0x62: {  	[spmem:s25] =	stream.linear.scatter [tilespmem:s29], [sflag:$0xA], $0x1400, $0x38;
	[tilespmem:$0x1F980] =	vst v63  }
0x63: {  	_ =	swait.ge [sflag:s30], $0x1400  }
0x64: {  	[sflag:s30] =	ssyncset.done $0x0  }
0x65: {  	s26 =	rddreg [dreg:$0x18];
	[sflag:s30] =	ssyncadd.s32 $0xFFFFEC00  }
0x66: {  	[spmem:s26] =	stream.linear.scatter [tilespmem:s29], [sflag:$0xA], $0x1400, $0x38;
	[tilespmem:$0x1F980] =	vst v63  }
0x67: {  	_ =	swait.ge [sflag:s30], $0x1400  }
0x68: {  	[sflag:s30] =	ssyncset.done $0x0  }
0x69: {  	s28 =	rddreg [dreg:$0x19];
	[sflag:s30] =	ssyncadd.s32 $0xFFFFEC00  }
0x6a: {  	[spmem:s28] =	stream.linear.scatter [tilespmem:s29], [sflag:$0xA], $0x1400, $0x38;
	[tilespmem:$0x1F980] =	vst v63  }
0x6b: {  	_ =	swait.ge [sflag:s30], $0x1400  }
0x6c: {  	[sflag:s30] =	ssyncset.done $0x0  }
0x6d: {  	[sflag:s30] =	ssyncadd.s32 $0xFFFFEC00  }
0x6e: {  	s3 =	simm.s32 $0x80;
	[bflag:$0x0] =	sbarrier.arrive $0xFFFF  }
0x6f: {  	s10 =	simm.s32 $0x100;
	s24 =	simm.s32 $0x0;
	s31 =	rddreg [dreg:$0x4]  }
0x70: {  	[tilespmem:s24], [sflag:$0xA] =	stream.strided.gather [hbm4b:s31+s3], $0x1400, s10, s3, $0x38;
	[tilespmem:$0x1F980] =	vst v63  }
0x71: {  	_ =	swait.ge [sflag:s30], $0x1400  }
0x72: {  	[sflag:s30] =	ssyncset.done $0x0  }
0x73: {  	s26 =	simm.s32 $0x1400;
	s25 =	rddreg [dreg:$0x5];
	[sflag:s30] =	ssyncadd.s32 $0xFFFFEC00  }
0x74: {  	[tilespmem:s26], [sflag:$0xA] =	stream.strided.gather [hbm4b:s25+s3], $0x1400, s10, s3, $0x38;
	[tilespmem:$0x1F980] =	vst v63  }
0x75: {  	_ =	swait.ge [sflag:s30], $0x1400  }
0x76: {  	[sflag:s30] =	ssyncset.done $0x0  }
0x77: {  	[sflag:s30] =	ssyncadd.s32 $0xFFFFEC00  }
0x78: {  	[tilespmem:s29], [sflag:$0x1] =	stream.indirect.gather [hbm4b:s4+s2], $0x80, s24, s2, $0xb8;
	[tilespmem:$0x1F980] =	vst v63  }
0x79: {  	_ = 	snop  }
0x7a: {  	[tilespmem:s6], [sflag:$0x2] =	stream.indirect.gather [hbm4b:s5+s2], $0x80, s26, s2, $0xb8;
	[tilespmem:$0x1F980] =	vst v63  }
0x7b: {  	s28 =	simm.s32 $0x5800  }
0x7c: {  	[tilespmem:s28], [sflag:$0x3] =	stream.indirect.gather [hbm4b:s4+s2], $0x80, s2, s2, $0xb8;
	[tilespmem:$0x1F980] =	vst v63  }
0x7d: {  	s31 =	simm.s32 $0x1430  }
0x7e: {  	[tilespmem:s9], [sflag:$0x4] =	stream.indirect.gather [hbm4b:s5+s2], $0x80, s31, s2, $0xb8;
	[tilespmem:$0x1F980] =	vst v63  }
.LBB2_4:
0x7f: {  	s0 =	smul.u32 $0x240, s24;
	_ =	sdelay $0x1  }
0x80: {  	s25 =	sadd.s32 $0x180, s0  }
0x81: {  	s25 =	sshra.s32 s25, $0x2  }
0x82: {  	[tilespmem:s11], [sflag:$0x5] =	stream.indirect.gather [hbm4b:s4+s2], $0x80, s25, s2, $0xb8;
	[tilespmem:$0x1F980] =	vst v63  }
0x83: {  	_ =	swait.ge [sflag:s12], $0x1800  }
0x84: {  	[sflag:s12] =	ssyncset.done $0x0  }
0x85: {  	[sflag:s12] =	ssyncadd.s32 $0xFFFFE800  }
0x86: {  	_ =	swait.ge [sflag:s13], $0x1800  }
0x87: {  	[sflag:s13] =	ssyncset.done $0x0  }
0x88: {  	s28 =	sshra.s32 s0, $0x2;
	[sflag:s13] =	ssyncadd.s32 $0xFFFFE800  }
0x89: {  	v1 =	vld [tilespmem:s28+$0x1400];
	_ =	sdelay $0x4  }
0x8a: {  	[tilespmem:$0xB800] =	vst v1  }
0x8b: {  	v1 =	vld [tilespmem:s28+$0x1410];
	_ =	sdelay $0x4  }
0x8c: {  	[tilespmem:$0xB810] =	vst v1  }
0x8d: {  	v1 =	vld [tilespmem:s28+$0x1420];
	_ =	sdelay $0x4  }
0x8e: {  	s31 =	simm.s32 $0x0;
	[tilespmem:$0xB820] =	vst v1  }
0x8f: {  	v7 =	vld [tilespmem:s31+$0x2800]  }
0x90: {  	v12 =	vld [tilespmem:s31+$0x2810]  }
0x91: {  	v6 =	vld [tilespmem:s31+$0x2820]  }
0x92: {  	v5 =	vld [tilespmem:s31+$0x2830]  }
0x93: {  	v4 =	vld [tilespmem:s31+$0x2840]  }
0x94: {  	v3 =	vld [tilespmem:s31+$0x2850]  }
0x95: {  	v2 =	vld [tilespmem:s31+$0x2860]  }
0x96: {  	v1 =	vld [tilespmem:s31+$0x2870]  }
0x97: {  	v13 =	vld [tilespmem:s31+$0x4000]  }
0x98: {  	v14 =	vld [tilespmem:s31+$0x4010]  }
0x99: {  	v11 =	vld [tilespmem:s31+$0x4020]  }
0x9a: {  	v10 =	vld [tilespmem:s31+$0x4030]  }
0x9b: {  	v9 =	vld [tilespmem:s31+$0x4040]  }
0x9c: {  	v8 =	vld [tilespmem:s31+$0x4050];
	v13 =	vadd.f32 v13, v7  }
0x9d: {  	s26 =	smul.u32 $0x3, s24;
	s0 =	simm.s32 $0x200;
	v12 =	vadd.f32 v14, v12;
	v7 =	vld [tilespmem:s31+$0x4060]  }
.LBB2_5:
0x9e: {  	s3 =	sshra.s32 s0, $0x2;
	p0 =	sne.s32 s0, $0x5E00;
	v13 =	vmax.f32 v13, $0.0e+00;
	v6 =	vadd.f32 v11, v6;
	v11 =	vld [tilespmem:s31+$0x4070]  }
0x9f: {  	v14 =	vld [tilespmem:s3+$0x2800];
	[tilespmem:s31+$0x4000] =	vst v13;
	v12 =	vmax.f32 v12, $0.0e+00;
	v5 =	vadd.f32 v10, v5  }
0xa0: {  	v15 =	vld [tilespmem:s3+$0x2810];
	[tilespmem:s31+$0x4010] =	vst v12;
	v10 =	vmax.f32 v6, $0.0e+00;
	v4 =	vadd.f32 v9, v4  }
0xa1: {  	v6 =	vld [tilespmem:s3+$0x2820];
	[tilespmem:s31+$0x4020] =	vst v10;
	v9 =	vmax.f32 v5, $0.0e+00;
	v3 =	vadd.f32 v8, v3  }
0xa2: {  	v5 =	vld [tilespmem:s3+$0x2830];
	[tilespmem:s31+$0x4030] =	vst v9;
	v8 =	vmax.f32 v4, $0.0e+00;
	v2 =	vadd.f32 v7, v2  }
0xa3: {  	v4 =	vld [tilespmem:s3+$0x2840];
	[tilespmem:s31+$0x4040] =	vst v8;
	v7 =	vmax.f32 v3, $0.0e+00;
	v1 =	vadd.f32 v11, v1  }
0xa4: {  	v3 =	vld [tilespmem:s3+$0x2850];
	[tilespmem:s31+$0x4050] =	vst v7;
	v7 =	vmax.f32 v2, $0.0e+00  }
0xa5: {  	v2 =	vld [tilespmem:s3+$0x2860];
	[tilespmem:s31+$0x4060] =	vst v7;
	v7 =	vmax.f32 v1, $0.0e+00  }
0xa6: {  	v1 =	vld [tilespmem:s3+$0x2870];
	[tilespmem:s31+$0x4070] =	vst v7;
	s31 =	smov.u32 s3  }
0xa7: {  	v7 =	vld [tilespmem:s31+$0x4000]  }
0xa8: {  	v12 =	vld [tilespmem:s31+$0x4010]  }
.Ltmp1:
0xa9: {  	v11 =	vld [tilespmem:s31+$0x4020];
	(pc) =	sbr.rel @p0 .LBB2_5-.Ltmp1, $4  }
0xaa: {  	v10 =	vld [tilespmem:s31+$0x4030]  }
0xab: {  	v9 =	vld [tilespmem:s31+$0x4040]  }
0xac: {  	v13 =	vadd.f32 v7, v14;
	v8 =	vld [tilespmem:s31+$0x4050]  }
0xad: {  	s0 =	sadd.s32 $0x200, s0;
	v12 =	vadd.f32 v12, v15;
	v7 =	vld [tilespmem:s31+$0x4060]  }
0xae: {  	v13 =	vmax.f32 v13, $0.0e+00;
	v6 =	vadd.f32 v11, v6;
	v63 =	vld [tilespmem:s31+$0x4070]  }
0xaf: {  	[tilespmem:s31+$0x4000] =	vst v13;
	v12 =	vmax.f32 v12, $0.0e+00;
	v5 =	vadd.f32 v10, v5  }
0xb0: {  	[tilespmem:s31+$0x4010] =	vst v12;
	v6 =	vmax.f32 v6, $0.0e+00;
	v4 =	vadd.f32 v9, v4  }
0xb1: {  	[tilespmem:s31+$0x4020] =	vst v6;
	v5 =	vmax.f32 v5, $0.0e+00;
	v3 =	vadd.f32 v8, v3  }
0xb2: {  	p0 =	sne.s32 s24, $0x0;
	[tilespmem:s31+$0x4030] =	vst v5;
	v4 =	vmax.f32 v4, $0.0e+00;
	v2 =	vadd.f32 v7, v2  }
.Ltmp2:
0xb3: {  	[tilespmem:s31+$0x4040] =	vst v4;
	v3 =	vmax.f32 v3, $0.0e+00;
	v1 =	vadd.f32 v63, v1;
	(pc) =	sbr.rel @!p0 .LBB2_7-.Ltmp2, $4  }
0xb4: {  	[tilespmem:s31+$0x4050] =	vst v3;
	v2 =	vmax.f32 v2, $0.0e+00  }
0xb5: {  	[tilespmem:s31+$0x4060] =	vst v2;
	v1 =	vmax.f32 v1, $0.0e+00  }
0xb6: {  	s0 =	sadd.s32 $0x1400, s25;
	[tilespmem:s31+$0x4070] =	vst v1  }
0xb7: {  	[spmem:s1] =	stream.indirect.scatter.add.f32 [tilespmem:s6], [sflag:$0x7], $0x80, s14, s2, $0xb8;
	[tilespmem:$0x1F980] =	vst v63  }
0xb8: {  	p1 =	seq.s32 s24, $0x22  }
.Ltmp3:
0xb9: {  	_ = 	snop;
	(pc) =	sbr.rel @p1 .LBB2_10-.Ltmp3, $4  }
.Ltmp4:
0xba: {  	_ =	swait.ge [sflag:s22], $0x1800;
	(pc) =	sbr.rel @!p1 .LBB2_9-.Ltmp4, $4  }
0xbb: {  	[sflag:s22] =	ssyncset.done $0x0  }
0xbc: {  	s31 =	sadd.s32 $0x3, s26;
	p0 =	por $0x1, $0x1;
	[sflag:s22] =	ssyncadd.s32 $0xFFFFE800  }
0xbd: {  	[tilespmem:s15], [sflag:$0x6] =	stream.indirect.gather [hbm4b:s5+s2], $0x80, s0, s2, $0xb8;
	[tilespmem:$0x1F980] =	vst v63  }
0xbe: {  	_ = 	snop  }
.LBB2_7:
0xbf: {  	[tilespmem:s15], [sflag:$0x6] =	stream.indirect.gather [hbm4b:s5+s2], $0x80, s0, s2, $0xb8;
	[tilespmem:$0x1F980] =	vst v63  }
0xc0: {  	s31 =	simm.s32 $0x3  }
.LBB2_9:
0xc1: {  	s0 =	smul.u32 $0xC0, s31;
	_ =	sdelay $0x1  }
0xc2: {  	p0 =	por $0x0, $0x0;
	s0 =	sshra.s32 s0, $0x2  }
0xc3: {  	[tilespmem:s29], [sflag:$0x1] =	stream.indirect.gather [hbm4b:s4+s2], $0x80, s0, s2, $0xb8;
	[tilespmem:$0x1F980] =	vst v63  }
.LBB2_10:
0xc4: {  	_ =	swait.ge [sflag:s16], $0x1800  }
0xc5: {  	[sflag:s16] =	ssyncset.done $0x0  }
0xc6: {  	[sflag:s16] =	ssyncadd.s32 $0xFFFFE800  }
0xc7: {  	_ =	swait.ge [sflag:s17], $0x1800  }
0xc8: {  	[sflag:s17] =	ssyncset.done $0x0  }
0xc9: {  	[sflag:s17] =	ssyncadd.s32 $0xFFFFE800  }
0xca: {  	v1 =	vld [tilespmem:s28+$0x1430];
	_ =	sdelay $0x4  }
0xcb: {  	[tilespmem:$0xB880] =	vst v1  }
0xcc: {  	v1 =	vld [tilespmem:s28+$0x1440];
	_ =	sdelay $0x4  }
0xcd: {  	[tilespmem:$0xB890] =	vst v1  }
0xce: {  	v1 =	vld [tilespmem:s28+$0x1450];
	_ =	sdelay $0x4  }
0xcf: {  	s28 =	simm.s32 $0x0;
	[tilespmem:$0xB8A0] =	vst v1  }
0xd0: {  	v7 =	vld [tilespmem:s28+$0x5800]  }
0xd1: {  	v12 =	vld [tilespmem:s28+$0x5810]  }
0xd2: {  	v6 =	vld [tilespmem:s28+$0x5820]  }
0xd3: {  	v5 =	vld [tilespmem:s28+$0x5830]  }
0xd4: {  	v4 =	vld [tilespmem:s28+$0x5840]  }
0xd5: {  	v3 =	vld [tilespmem:s28+$0x5850]  }
0xd6: {  	v2 =	vld [tilespmem:s28+$0x5860]  }
0xd7: {  	v1 =	vld [tilespmem:s28+$0x5870]  }
0xd8: {  	v13 =	vld [tilespmem:s28+$0x7000]  }
0xd9: {  	v14 =	vld [tilespmem:s28+$0x7010]  }
0xda: {  	v11 =	vld [tilespmem:s28+$0x7020]  }
0xdb: {  	v10 =	vld [tilespmem:s28+$0x7030]  }
0xdc: {  	v9 =	vld [tilespmem:s28+$0x7040]  }
0xdd: {  	v8 =	vld [tilespmem:s28+$0x7050];
	v13 =	vadd.f32 v13, v7  }
0xde: {  	s0 =	simm.s32 $0x200;
	v12 =	vadd.f32 v14, v12;
	v7 =	vld [tilespmem:s28+$0x7060]  }
.LBB2_11:
0xdf: {  	s3 =	sshra.s32 s0, $0x2;
	p1 =	sne.s32 s0, $0x5E00;
	v13 =	vmax.f32 v13, $0.0e+00;
	v6 =	vadd.f32 v11, v6;
	v11 =	vld [tilespmem:s28+$0x7070]  }
0xe0: {  	v14 =	vld [tilespmem:s3+$0x5800];
	[tilespmem:s28+$0x7000] =	vst v13;
	v12 =	vmax.f32 v12, $0.0e+00;
	v5 =	vadd.f32 v10, v5  }
0xe1: {  	v15 =	vld [tilespmem:s3+$0x5810];
	[tilespmem:s28+$0x7010] =	vst v12;
	v10 =	vmax.f32 v6, $0.0e+00;
	v4 =	vadd.f32 v9, v4  }
0xe2: {  	v6 =	vld [tilespmem:s3+$0x5820];
	[tilespmem:s28+$0x7020] =	vst v10;
	v9 =	vmax.f32 v5, $0.0e+00;
	v3 =	vadd.f32 v8, v3  }
0xe3: {  	v5 =	vld [tilespmem:s3+$0x5830];
	[tilespmem:s28+$0x7030] =	vst v9;
	v8 =	vmax.f32 v4, $0.0e+00;
	v2 =	vadd.f32 v7, v2  }
0xe4: {  	v4 =	vld [tilespmem:s3+$0x5840];
	[tilespmem:s28+$0x7040] =	vst v8;
	v7 =	vmax.f32 v3, $0.0e+00;
	v1 =	vadd.f32 v11, v1  }
0xe5: {  	v3 =	vld [tilespmem:s3+$0x5850];
	[tilespmem:s28+$0x7050] =	vst v7;
	v7 =	vmax.f32 v2, $0.0e+00  }
0xe6: {  	v2 =	vld [tilespmem:s3+$0x5860];
	[tilespmem:s28+$0x7060] =	vst v7;
	v7 =	vmax.f32 v1, $0.0e+00  }
0xe7: {  	v1 =	vld [tilespmem:s3+$0x5870];
	[tilespmem:s28+$0x7070] =	vst v7;
	s28 =	smov.u32 s3  }
0xe8: {  	v7 =	vld [tilespmem:s28+$0x7000]  }
0xe9: {  	v12 =	vld [tilespmem:s28+$0x7010]  }
.Ltmp5:
0xea: {  	v11 =	vld [tilespmem:s28+$0x7020];
	(pc) =	sbr.rel @p1 .LBB2_11-.Ltmp5, $4  }
0xeb: {  	v10 =	vld [tilespmem:s28+$0x7030]  }
0xec: {  	v9 =	vld [tilespmem:s28+$0x7040]  }
0xed: {  	v13 =	vadd.f32 v7, v14;
	v8 =	vld [tilespmem:s28+$0x7050]  }
0xee: {  	s0 =	sadd.s32 $0x200, s0;
	v12 =	vadd.f32 v12, v15;
	v7 =	vld [tilespmem:s28+$0x7060]  }
0xef: {  	v13 =	vmax.f32 v13, $0.0e+00;
	v6 =	vadd.f32 v11, v6;
	v11 =	vld [tilespmem:s28+$0x7070]  }
0xf0: {  	[tilespmem:s28+$0x7000] =	vst v13;
	v12 =	vmax.f32 v12, $0.0e+00;
	v5 =	vadd.f32 v10, v5  }
0xf1: {  	[tilespmem:s28+$0x7010] =	vst v12;
	v6 =	vmax.f32 v6, $0.0e+00;
	v4 =	vadd.f32 v9, v4  }
0xf2: {  	[tilespmem:s28+$0x7020] =	vst v6;
	v5 =	vmax.f32 v5, $0.0e+00;
	v3 =	vadd.f32 v8, v3  }
0xf3: {  	[tilespmem:s28+$0x7030] =	vst v5;
	v4 =	vmax.f32 v4, $0.0e+00;
	v2 =	vadd.f32 v7, v2  }
0xf4: {  	[tilespmem:s28+$0x7040] =	vst v4;
	v3 =	vmax.f32 v3, $0.0e+00;
	v1 =	vadd.f32 v11, v1  }
0xf5: {  	[tilespmem:s28+$0x7050] =	vst v3;
	v2 =	vmax.f32 v2, $0.0e+00  }
0xf6: {  	[tilespmem:s28+$0x7060] =	vst v2;
	v1 =	vmax.f32 v1, $0.0e+00  }
0xf7: {  	s0 =	smul.u32 @!p0 $0xC0, s31;
	[tilespmem:s28+$0x7070] =	vst v1  }
0xf8: {  	[spmem:s1] =	stream.indirect.scatter.add.f32 [tilespmem:s9], [sflag:$0x8], $0x80, s18, s2, $0xb8;
	[tilespmem:$0x1F980] =	vst v63  }
0xf9: {  	s3 =	simm.s32 @!p0 $0x30;
	s31 =	simm.s32 @!p0 $0x4000;
	_ =	swait.ge [sflag:s19], $0x1800  }
0xfa: {  	s0 =	sshra.s32 @!p0 s0, $0x2;
	s28 =	sadd.s32 @!p0 $0x4, s26;
	[sflag:s19] =	ssyncset.done $0x0  }
0xfb: {  	s0 =	sadd.s32 @!p0 $0x1400, s0;
	s10 =	smul.u32 @!p0 $0xC0, s28;
	[sflag:s19] =	ssyncadd.s32 $0xFFFFE800  }
0xfc: {  	[tilespmem:s31], [sflag:$0x2] =	stream.indirect.gather @!p0 [hbm4b:s5+s3], $0x80, s0, s3, $0xb8;
	[tilespmem:$0x1F980] =	vst v63  }
0xfd: {  	s0 =	sshra.s32 @!p0 s10, $0x2;
	s10 =	simm.s32 @!p0 $0x5800  }
0xfe: {  	[tilespmem:s10], [sflag:$0x3] =	stream.indirect.gather @!p0 [hbm4b:s4+s3], $0x80, s0, s3, $0xb8;
	[tilespmem:$0x1F980] =	vst v63  }
0xff: {  	_ =	swait.ge [sflag:s7], $0x1800  }
0x100: {  	[sflag:s7] =	ssyncset.done $0x0  }
0x101: {  	[sflag:s7] =	ssyncadd.s32 $0xFFFFE800  }
0x102: {  	_ =	swait.ge [sflag:s20], $0x1800  }
0x103: {  	[sflag:s20] =	ssyncset.done $0x0  }
0x104: {  	[sflag:s20] =	ssyncadd.s32 $0xFFFFE800  }
0x105: {  	v1 =	vld [tilespmem:s25+$0x1400];
	_ =	sdelay $0x4  }
0x106: {  	[tilespmem:$0xB900] =	vst v1  }
0x107: {  	v1 =	vld [tilespmem:s25+$0x1410];
	_ =	sdelay $0x4  }
0x108: {  	[tilespmem:$0xB910] =	vst v1  }
0x109: {  	v1 =	vld [tilespmem:s25+$0x1420];
	_ =	sdelay $0x4  }
0x10a: {  	s25 =	simm.s32 $0x0;
	[tilespmem:$0xB920] =	vst v1  }
0x10b: {  	v7 =	vld [tilespmem:s25+$0x8800]  }
0x10c: {  	v12 =	vld [tilespmem:s25+$0x8810]  }
0x10d: {  	v6 =	vld [tilespmem:s25+$0x8820]  }
0x10e: {  	v5 =	vld [tilespmem:s25+$0x8830]  }
0x10f: {  	v4 =	vld [tilespmem:s25+$0x8840]  }
0x110: {  	v3 =	vld [tilespmem:s25+$0x8850]  }
0x111: {  	v2 =	vld [tilespmem:s25+$0x8860]  }
0x112: {  	v1 =	vld [tilespmem:s25+$0x8870]  }
0x113: {  	v13 =	vld [tilespmem:s25+$0xA000]  }
0x114: {  	v14 =	vld [tilespmem:s25+$0xA010]  }
0x115: {  	v11 =	vld [tilespmem:s25+$0xA020]  }
0x116: {  	v10 =	vld [tilespmem:s25+$0xA030]  }
0x117: {  	v9 =	vld [tilespmem:s25+$0xA040]  }
0x118: {  	s0 =	sadd.s32 @p0 $0x4, s26;
	v8 =	vld [tilespmem:s25+$0xA050];
	v13 =	vadd.f32 v13, v7  }
0x119: {  	s28 =	smov.u32 @p0 s0;
	s0 =	simm.s32 $0x200;
	v12 =	vadd.f32 v14, v12;
	v7 =	vld [tilespmem:s25+$0xA060]  }
.LBB2_13:
0x11a: {  	s3 =	sshra.s32 s0, $0x2;
	p1 =	sne.s32 s0, $0x5E00;
	v13 =	vmax.f32 v13, $0.0e+00;
	v6 =	vadd.f32 v11, v6;
	v11 =	vld [tilespmem:s25+$0xA070]  }
0x11b: {  	v14 =	vld [tilespmem:s3+$0x8800];
	[tilespmem:s25+$0xA000] =	vst v13;
	v12 =	vmax.f32 v12, $0.0e+00;
	v5 =	vadd.f32 v10, v5  }
0x11c: {  	v15 =	vld [tilespmem:s3+$0x8810];
	[tilespmem:s25+$0xA010] =	vst v12;
	v10 =	vmax.f32 v6, $0.0e+00;
	v4 =	vadd.f32 v9, v4  }
0x11d: {  	v6 =	vld [tilespmem:s3+$0x8820];
	[tilespmem:s25+$0xA020] =	vst v10;
	v9 =	vmax.f32 v5, $0.0e+00;
	v3 =	vadd.f32 v8, v3  }
0x11e: {  	v5 =	vld [tilespmem:s3+$0x8830];
	[tilespmem:s25+$0xA030] =	vst v9;
	v8 =	vmax.f32 v4, $0.0e+00;
	v2 =	vadd.f32 v7, v2  }
0x11f: {  	v4 =	vld [tilespmem:s3+$0x8840];
	[tilespmem:s25+$0xA040] =	vst v8;
	v7 =	vmax.f32 v3, $0.0e+00;
	v1 =	vadd.f32 v11, v1  }
0x120: {  	v3 =	vld [tilespmem:s3+$0x8850];
	[tilespmem:s25+$0xA050] =	vst v7;
	v7 =	vmax.f32 v2, $0.0e+00  }
0x121: {  	v2 =	vld [tilespmem:s3+$0x8860];
	[tilespmem:s25+$0xA060] =	vst v7;
	v7 =	vmax.f32 v1, $0.0e+00  }
0x122: {  	v1 =	vld [tilespmem:s3+$0x8870];
	[tilespmem:s25+$0xA070] =	vst v7;
	s25 =	smov.u32 s3  }
0x123: {  	v7 =	vld [tilespmem:s25+$0xA000]  }
0x124: {  	v12 =	vld [tilespmem:s25+$0xA010]  }
.Ltmp6:
0x125: {  	v11 =	vld [tilespmem:s25+$0xA020];
	(pc) =	sbr.rel @p1 .LBB2_13-.Ltmp6, $4  }
0x126: {  	v10 =	vld [tilespmem:s25+$0xA030]  }
0x127: {  	v9 =	vld [tilespmem:s25+$0xA040]  }
0x128: {  	v13 =	vadd.f32 v7, v14;
	v8 =	vld [tilespmem:s25+$0xA050]  }
0x129: {  	s0 =	sadd.s32 $0x200, s0;
	v12 =	vadd.f32 v12, v15;
	v7 =	vld [tilespmem:s25+$0xA060]  }
0x12a: {  	v13 =	vmax.f32 v13, $0.0e+00;
	v6 =	vadd.f32 v11, v6;
	v63 =	vld [tilespmem:s25+$0xA070]  }
0x12b: {  	[tilespmem:s25+$0xA000] =	vst v13;
	v12 =	vmax.f32 v12, $0.0e+00;
	v5 =	vadd.f32 v10, v5  }
0x12c: {  	[tilespmem:s25+$0xA010] =	vst v12;
	v6 =	vmax.f32 v6, $0.0e+00;
	v4 =	vadd.f32 v9, v4  }
0x12d: {  	[tilespmem:s25+$0xA020] =	vst v6;
	v5 =	vmax.f32 v5, $0.0e+00;
	v3 =	vadd.f32 v8, v3  }
0x12e: {  	[tilespmem:s25+$0xA030] =	vst v5;
	v4 =	vmax.f32 v4, $0.0e+00;
	v2 =	vadd.f32 v7, v2  }
0x12f: {  	[tilespmem:s25+$0xA040] =	vst v4;
	v3 =	vmax.f32 v3, $0.0e+00;
	v1 =	vadd.f32 v63, v1  }
0x130: {  	[tilespmem:s25+$0xA050] =	vst v3;
	v2 =	vmax.f32 v2, $0.0e+00  }
0x131: {  	[tilespmem:s25+$0xA060] =	vst v2;
	v1 =	vmax.f32 v1, $0.0e+00  }
0x132: {  	s0 =	smul.u32 @!p0 $0xC0, s28;
	[tilespmem:s25+$0xA070] =	vst v1  }
0x133: {  	[spmem:s1] =	stream.indirect.scatter.add.f32 [tilespmem:s15], [sflag:$0x9], $0x80, s8, s2, $0xb8;
	[tilespmem:$0x1F980] =	vst v63  }
0x134: {  	s3 =	simm.s32 @!p0 $0x30;
	_ =	swait.ge [sflag:s21], $0x1800  }
0x135: {  	s10 =	simm.s32 @!p0 $0x7000;
	s0 =	sshra.s32 @!p0 s0, $0x2;
	[sflag:s21] =	ssyncset.done $0x0  }
0x136: {  	s24 =	sadd.s32 $0x1, s24;
	s0 =	sadd.s32 @!p0 $0x1400, s0;
	[sflag:s21] =	ssyncadd.s32 $0xFFFFE800  }
0x137: {  	[tilespmem:s10], [sflag:$0x4] =	stream.indirect.gather @!p0 [hbm4b:s5+s3], $0x80, s0, s3, $0xb8;
	[tilespmem:$0x1F980] =	vst v63  }
0x138: {  	p0 =	sne.s32 s24, $0x23  }
.Ltmp7:
0x139: {  	_ = 	snop;
	(pc) =	sbr.rel @p0 .LBB2_4-.Ltmp7, $1  }
0x13a: {  	_ =	sdelay $0x3  }
0x13b: {  	_ =	swait.ge [sflag:s22], $0x1800  }
0x13c: {  	s24 =	simm.s32 $0x0;
	s3 =	simm.s32 $0x80;
	[sflag:s22] =	ssyncset.done $0x0  }
0x13d: {  	s10 =	simm.s32 $0x100;
	s0 =	rddreg [dreg:$0x6];
	[sflag:s22] =	ssyncadd.s32 $0xFFFFE800  }
0x13e: {  	[tilespmem:s24], [sflag:$0xA] =	stream.strided.gather [hbm4b:s0+s3], $0x1400, s10, s3, $0x38;
	[tilespmem:$0x1F980] =	vst v63  }
0x13f: {  	_ =	swait.ge [sflag:s30], $0x1400  }
0x140: {  	[sflag:s30] =	ssyncset.done $0x0  }
0x141: {  	s25 =	simm.s32 $0x1400;
	s26 =	rddreg [dreg:$0x7];
	[sflag:s30] =	ssyncadd.s32 $0xFFFFEC00  }
0x142: {  	[tilespmem:s25], [sflag:$0xA] =	stream.strided.gather [hbm4b:s26+s3], $0x1400, s10, s3, $0x38;
	[tilespmem:$0x1F980] =	vst v63  }
0x143: {  	_ =	swait.ge [sflag:s30], $0x1400  }
0x144: {  	[sflag:s30] =	ssyncset.done $0x0  }
0x145: {  	[sflag:s30] =	ssyncadd.s32 $0xFFFFEC00  }
0x146: {  	[tilespmem:s29], [sflag:$0x1] =	stream.indirect.gather [hbm4b:s4+s2], $0x80, s24, s2, $0xb8;
	[tilespmem:$0x1F980] =	vst v63  }
0x147: {  	_ = 	snop  }
0x148: {  	[tilespmem:s6], [sflag:$0x2] =	stream.indirect.gather [hbm4b:s5+s2], $0x80, s25, s2, $0xb8;
	[tilespmem:$0x1F980] =	vst v63  }
0x149: {  	s28 =	simm.s32 $0x5800  }
0x14a: {  	[tilespmem:s28], [sflag:$0x3] =	stream.indirect.gather [hbm4b:s4+s2], $0x80, s2, s2, $0xb8;
	[tilespmem:$0x1F980] =	vst v63  }
0x14b: {  	s31 =	simm.s32 $0x1430  }
0x14c: {  	[tilespmem:s9], [sflag:$0x4] =	stream.indirect.gather [hbm4b:s5+s2], $0x80, s31, s2, $0xb8;
	[tilespmem:$0x1F980] =	vst v63  }
.LBB2_16:
0x14d: {  	s0 =	smul.u32 $0x240, s24;
	_ =	sdelay $0x1  }
0x14e: {  	s3 =	sadd.s32 $0x180, s0  }
0x14f: {  	s25 =	sshra.s32 s3, $0x2  }
0x150: {  	[tilespmem:s11], [sflag:$0x5] =	stream.indirect.gather [hbm4b:s4+s2], $0x80, s25, s2, $0xb8;
	[tilespmem:$0x1F980] =	vst v63  }
0x151: {  	_ =	swait.ge [sflag:s12], $0x1800  }
0x152: {  	[sflag:s12] =	ssyncset.done $0x0  }
0x153: {  	[sflag:s12] =	ssyncadd.s32 $0xFFFFE800  }
0x154: {  	_ =	swait.ge [sflag:s13], $0x1800  }
0x155: {  	[sflag:s13] =	ssyncset.done $0x0  }
0x156: {  	s28 =	sshra.s32 s0, $0x2;
	[sflag:s13] =	ssyncadd.s32 $0xFFFFE800  }
0x157: {  	v1 =	vld [tilespmem:s28+$0x1400];
	_ =	sdelay $0x4  }
0x158: {  	[tilespmem:$0xB800] =	vst v1  }
0x159: {  	v1 =	vld [tilespmem:s28+$0x1410];
	_ =	sdelay $0x4  }
0x15a: {  	[tilespmem:$0xB810] =	vst v1  }
0x15b: {  	v1 =	vld [tilespmem:s28+$0x1420];
	_ =	sdelay $0x4  }
0x15c: {  	s31 =	simm.s32 $0x0;
	[tilespmem:$0xB820] =	vst v1  }
0x15d: {  	v7 =	vld [tilespmem:s31+$0x2800]  }
0x15e: {  	v12 =	vld [tilespmem:s31+$0x2810]  }
0x15f: {  	v6 =	vld [tilespmem:s31+$0x2820]  }
0x160: {  	v5 =	vld [tilespmem:s31+$0x2830]  }
0x161: {  	v4 =	vld [tilespmem:s31+$0x2840]  }
0x162: {  	v3 =	vld [tilespmem:s31+$0x2850]  }
0x163: {  	v2 =	vld [tilespmem:s31+$0x2860]  }
0x164: {  	v1 =	vld [tilespmem:s31+$0x2870]  }
0x165: {  	v13 =	vld [tilespmem:s31+$0x4000]  }
0x166: {  	v14 =	vld [tilespmem:s31+$0x4010]  }
0x167: {  	v11 =	vld [tilespmem:s31+$0x4020]  }
0x168: {  	v10 =	vld [tilespmem:s31+$0x4030]  }
0x169: {  	v9 =	vld [tilespmem:s31+$0x4040]  }
0x16a: {  	v8 =	vld [tilespmem:s31+$0x4050];
	v13 =	vadd.f32 v13, v7  }
0x16b: {  	s26 =	smul.u32 $0x3, s24;
	s0 =	simm.s32 $0x200;
	v12 =	vadd.f32 v14, v12;
	v7 =	vld [tilespmem:s31+$0x4060]  }
.LBB2_17:
0x16c: {  	s3 =	sshra.s32 s0, $0x2;
	p0 =	sne.s32 s0, $0x5E00;
	v13 =	vmax.f32 v13, $0.0e+00;
	v6 =	vadd.f32 v11, v6;
	v11 =	vld [tilespmem:s31+$0x4070]  }
0x16d: {  	v14 =	vld [tilespmem:s3+$0x2800];
	[tilespmem:s31+$0x4000] =	vst v13;
	v12 =	vmax.f32 v12, $0.0e+00;
	v5 =	vadd.f32 v10, v5  }
0x16e: {  	v15 =	vld [tilespmem:s3+$0x2810];
	[tilespmem:s31+$0x4010] =	vst v12;
	v10 =	vmax.f32 v6, $0.0e+00;
	v4 =	vadd.f32 v9, v4  }
0x16f: {  	v6 =	vld [tilespmem:s3+$0x2820];
	[tilespmem:s31+$0x4020] =	vst v10;
	v9 =	vmax.f32 v5, $0.0e+00;
	v3 =	vadd.f32 v8, v3  }
0x170: {  	v5 =	vld [tilespmem:s3+$0x2830];
	[tilespmem:s31+$0x4030] =	vst v9;
	v8 =	vmax.f32 v4, $0.0e+00;
	v2 =	vadd.f32 v7, v2  }
0x171: {  	v4 =	vld [tilespmem:s3+$0x2840];
	[tilespmem:s31+$0x4040] =	vst v8;
	v7 =	vmax.f32 v3, $0.0e+00;
	v1 =	vadd.f32 v11, v1  }
0x172: {  	v3 =	vld [tilespmem:s3+$0x2850];
	[tilespmem:s31+$0x4050] =	vst v7;
	v7 =	vmax.f32 v2, $0.0e+00  }
0x173: {  	v2 =	vld [tilespmem:s3+$0x2860];
	[tilespmem:s31+$0x4060] =	vst v7;
	v7 =	vmax.f32 v1, $0.0e+00  }
0x174: {  	v1 =	vld [tilespmem:s3+$0x2870];
	[tilespmem:s31+$0x4070] =	vst v7;
	s31 =	smov.u32 s3  }
0x175: {  	v7 =	vld [tilespmem:s31+$0x4000]  }
0x176: {  	v12 =	vld [tilespmem:s31+$0x4010]  }
.Ltmp8:
0x177: {  	v11 =	vld [tilespmem:s31+$0x4020];
	(pc) =	sbr.rel @p0 .LBB2_17-.Ltmp8, $4  }
0x178: {  	v10 =	vld [tilespmem:s31+$0x4030]  }
0x179: {  	v9 =	vld [tilespmem:s31+$0x4040]  }
0x17a: {  	v13 =	vadd.f32 v7, v14;
	v8 =	vld [tilespmem:s31+$0x4050]  }
0x17b: {  	s0 =	sadd.s32 $0x200, s0;
	v12 =	vadd.f32 v12, v15;
	v7 =	vld [tilespmem:s31+$0x4060]  }
0x17c: {  	v13 =	vmax.f32 v13, $0.0e+00;
	v6 =	vadd.f32 v11, v6;
	v63 =	vld [tilespmem:s31+$0x4070]  }
0x17d: {  	[tilespmem:s31+$0x4000] =	vst v13;
	v12 =	vmax.f32 v12, $0.0e+00;
	v5 =	vadd.f32 v10, v5  }
0x17e: {  	[tilespmem:s31+$0x4010] =	vst v12;
	v6 =	vmax.f32 v6, $0.0e+00;
	v4 =	vadd.f32 v9, v4  }
0x17f: {  	[tilespmem:s31+$0x4020] =	vst v6;
	v5 =	vmax.f32 v5, $0.0e+00;
	v3 =	vadd.f32 v8, v3  }
0x180: {  	p0 =	sne.s32 s24, $0x0;
	[tilespmem:s31+$0x4030] =	vst v5;
	v4 =	vmax.f32 v4, $0.0e+00;
	v2 =	vadd.f32 v7, v2  }
.Ltmp9:
0x181: {  	[tilespmem:s31+$0x4040] =	vst v4;
	v3 =	vmax.f32 v3, $0.0e+00;
	v1 =	vadd.f32 v63, v1;
	(pc) =	sbr.rel @!p0 .LBB2_19-.Ltmp9, $4  }
0x182: {  	[tilespmem:s31+$0x4050] =	vst v3;
	v2 =	vmax.f32 v2, $0.0e+00  }
0x183: {  	[tilespmem:s31+$0x4060] =	vst v2;
	v1 =	vmax.f32 v1, $0.0e+00  }
0x184: {  	s0 =	sadd.s32 $0x1400, s25;
	[tilespmem:s31+$0x4070] =	vst v1  }
0x185: {  	[spmem:s1] =	stream.indirect.scatter.add.f32 [tilespmem:s6], [sflag:$0x7], $0x80, s14, s2, $0xb8;
	[tilespmem:$0x1F980] =	vst v63  }
0x186: {  	p1 =	seq.s32 s24, $0x22  }
.Ltmp10:
0x187: {  	_ = 	snop;
	(pc) =	sbr.rel @p1 .LBB2_22-.Ltmp10, $4  }
.Ltmp11:
0x188: {  	_ =	swait.ge [sflag:s22], $0x1800;
	(pc) =	sbr.rel @!p1 .LBB2_21-.Ltmp11, $4  }
0x189: {  	[sflag:s22] =	ssyncset.done $0x0  }
0x18a: {  	s31 =	sadd.s32 $0x3, s26;
	p0 =	por $0x1, $0x1;
	[sflag:s22] =	ssyncadd.s32 $0xFFFFE800  }
0x18b: {  	[tilespmem:s15], [sflag:$0x6] =	stream.indirect.gather [hbm4b:s5+s2], $0x80, s0, s2, $0xb8;
	[tilespmem:$0x1F980] =	vst v63  }
0x18c: {  	_ = 	snop  }
.LBB2_19:
0x18d: {  	[tilespmem:s15], [sflag:$0x6] =	stream.indirect.gather [hbm4b:s5+s2], $0x80, s0, s2, $0xb8;
	[tilespmem:$0x1F980] =	vst v63  }
0x18e: {  	s31 =	simm.s32 $0x3  }
.LBB2_21:
0x18f: {  	s0 =	smul.u32 $0xC0, s31;
	_ =	sdelay $0x1  }
0x190: {  	p0 =	por $0x0, $0x0;
	s0 =	sshra.s32 s0, $0x2  }
0x191: {  	[tilespmem:s29], [sflag:$0x1] =	stream.indirect.gather [hbm4b:s4+s2], $0x80, s0, s2, $0xb8;
	[tilespmem:$0x1F980] =	vst v63  }
.LBB2_22:
0x192: {  	_ =	swait.ge [sflag:s16], $0x1800  }
0x193: {  	[sflag:s16] =	ssyncset.done $0x0  }
0x194: {  	[sflag:s16] =	ssyncadd.s32 $0xFFFFE800  }
0x195: {  	_ =	swait.ge [sflag:s17], $0x1800  }
0x196: {  	[sflag:s17] =	ssyncset.done $0x0  }
0x197: {  	[sflag:s17] =	ssyncadd.s32 $0xFFFFE800  }
0x198: {  	v1 =	vld [tilespmem:s28+$0x1430];
	_ =	sdelay $0x4  }
0x199: {  	[tilespmem:$0xB880] =	vst v1  }
0x19a: {  	v1 =	vld [tilespmem:s28+$0x1440];
	_ =	sdelay $0x4  }
0x19b: {  	[tilespmem:$0xB890] =	vst v1  }
0x19c: {  	v1 =	vld [tilespmem:s28+$0x1450];
	_ =	sdelay $0x4  }
0x19d: {  	s28 =	simm.s32 $0x0;
	[tilespmem:$0xB8A0] =	vst v1  }
0x19e: {  	v7 =	vld [tilespmem:s28+$0x5800]  }
0x19f: {  	v12 =	vld [tilespmem:s28+$0x5810]  }
0x1a0: {  	v6 =	vld [tilespmem:s28+$0x5820]  }
0x1a1: {  	v5 =	vld [tilespmem:s28+$0x5830]  }
0x1a2: {  	v4 =	vld [tilespmem:s28+$0x5840]  }
0x1a3: {  	v3 =	vld [tilespmem:s28+$0x5850]  }
0x1a4: {  	v2 =	vld [tilespmem:s28+$0x5860]  }
0x1a5: {  	v1 =	vld [tilespmem:s28+$0x5870]  }
0x1a6: {  	v13 =	vld [tilespmem:s28+$0x7000]  }
0x1a7: {  	v14 =	vld [tilespmem:s28+$0x7010]  }
0x1a8: {  	v11 =	vld [tilespmem:s28+$0x7020]  }
0x1a9: {  	v10 =	vld [tilespmem:s28+$0x7030]  }
0x1aa: {  	v9 =	vld [tilespmem:s28+$0x7040]  }
0x1ab: {  	v8 =	vld [tilespmem:s28+$0x7050];
	v13 =	vadd.f32 v13, v7  }
0x1ac: {  	s0 =	simm.s32 $0x200;
	v12 =	vadd.f32 v14, v12;
	v7 =	vld [tilespmem:s28+$0x7060]  }
.LBB2_23:
0x1ad: {  	s3 =	sshra.s32 s0, $0x2;
	p1 =	sne.s32 s0, $0x5E00;
	v13 =	vmax.f32 v13, $0.0e+00;
	v6 =	vadd.f32 v11, v6;
	v11 =	vld [tilespmem:s28+$0x7070]  }
0x1ae: {  	v14 =	vld [tilespmem:s3+$0x5800];
	[tilespmem:s28+$0x7000] =	vst v13;
	v12 =	vmax.f32 v12, $0.0e+00;
	v5 =	vadd.f32 v10, v5  }
0x1af: {  	v15 =	vld [tilespmem:s3+$0x5810];
	[tilespmem:s28+$0x7010] =	vst v12;
	v10 =	vmax.f32 v6, $0.0e+00;
	v4 =	vadd.f32 v9, v4  }
0x1b0: {  	v6 =	vld [tilespmem:s3+$0x5820];
	[tilespmem:s28+$0x7020] =	vst v10;
	v9 =	vmax.f32 v5, $0.0e+00;
	v3 =	vadd.f32 v8, v3  }
0x1b1: {  	v5 =	vld [tilespmem:s3+$0x5830];
	[tilespmem:s28+$0x7030] =	vst v9;
	v8 =	vmax.f32 v4, $0.0e+00;
	v2 =	vadd.f32 v7, v2  }
0x1b2: {  	v4 =	vld [tilespmem:s3+$0x5840];
	[tilespmem:s28+$0x7040] =	vst v8;
	v7 =	vmax.f32 v3, $0.0e+00;
	v1 =	vadd.f32 v11, v1  }
0x1b3: {  	v3 =	vld [tilespmem:s3+$0x5850];
	[tilespmem:s28+$0x7050] =	vst v7;
	v7 =	vmax.f32 v2, $0.0e+00  }
0x1b4: {  	v2 =	vld [tilespmem:s3+$0x5860];
	[tilespmem:s28+$0x7060] =	vst v7;
	v7 =	vmax.f32 v1, $0.0e+00  }
0x1b5: {  	v1 =	vld [tilespmem:s3+$0x5870];
	[tilespmem:s28+$0x7070] =	vst v7;
	s28 =	smov.u32 s3  }
0x1b6: {  	v7 =	vld [tilespmem:s28+$0x7000]  }
0x1b7: {  	v12 =	vld [tilespmem:s28+$0x7010]  }
.Ltmp12:
0x1b8: {  	v11 =	vld [tilespmem:s28+$0x7020];
	(pc) =	sbr.rel @p1 .LBB2_23-.Ltmp12, $4  }
0x1b9: {  	v10 =	vld [tilespmem:s28+$0x7030]  }
0x1ba: {  	v9 =	vld [tilespmem:s28+$0x7040]  }
0x1bb: {  	v13 =	vadd.f32 v7, v14;
	v8 =	vld [tilespmem:s28+$0x7050]  }
0x1bc: {  	s0 =	sadd.s32 $0x200, s0;
	v12 =	vadd.f32 v12, v15;
	v7 =	vld [tilespmem:s28+$0x7060]  }
0x1bd: {  	v13 =	vmax.f32 v13, $0.0e+00;
	v6 =	vadd.f32 v11, v6;
	v11 =	vld [tilespmem:s28+$0x7070]  }
0x1be: {  	[tilespmem:s28+$0x7000] =	vst v13;
	v12 =	vmax.f32 v12, $0.0e+00;
	v5 =	vadd.f32 v10, v5  }
0x1bf: {  	[tilespmem:s28+$0x7010] =	vst v12;
	v6 =	vmax.f32 v6, $0.0e+00;
	v4 =	vadd.f32 v9, v4  }
0x1c0: {  	[tilespmem:s28+$0x7020] =	vst v6;
	v5 =	vmax.f32 v5, $0.0e+00;
	v3 =	vadd.f32 v8, v3  }
0x1c1: {  	[tilespmem:s28+$0x7030] =	vst v5;
	v4 =	vmax.f32 v4, $0.0e+00;
	v2 =	vadd.f32 v7, v2  }
0x1c2: {  	[tilespmem:s28+$0x7040] =	vst v4;
	v3 =	vmax.f32 v3, $0.0e+00;
	v1 =	vadd.f32 v11, v1  }
0x1c3: {  	[tilespmem:s28+$0x7050] =	vst v3;
	v2 =	vmax.f32 v2, $0.0e+00  }
0x1c4: {  	[tilespmem:s28+$0x7060] =	vst v2;
	v1 =	vmax.f32 v1, $0.0e+00  }
0x1c5: {  	s0 =	smul.u32 @!p0 $0xC0, s31;
	[tilespmem:s28+$0x7070] =	vst v1  }
0x1c6: {  	[spmem:s1] =	stream.indirect.scatter.add.f32 [tilespmem:s9], [sflag:$0x8], $0x80, s18, s2, $0xb8;
	[tilespmem:$0x1F980] =	vst v63  }
0x1c7: {  	s3 =	simm.s32 @!p0 $0x30;
	s10 =	simm.s32 @!p0 $0x4000;
	_ =	swait.ge [sflag:s19], $0x1800  }
0x1c8: {  	s0 =	sshra.s32 @!p0 s0, $0x2;
	s28 =	sadd.s32 @!p0 $0x4, s26;
	[sflag:s19] =	ssyncset.done $0x0  }
0x1c9: {  	s0 =	sadd.s32 @!p0 $0x1400, s0;
	s31 =	smul.u32 @!p0 $0xC0, s28;
	[sflag:s19] =	ssyncadd.s32 $0xFFFFE800  }
0x1ca: {  	[tilespmem:s10], [sflag:$0x2] =	stream.indirect.gather @!p0 [hbm4b:s5+s3], $0x80, s0, s3, $0xb8;
	[tilespmem:$0x1F980] =	vst v63  }
0x1cb: {  	s0 =	sshra.s32 @!p0 s31, $0x2;
	s10 =	simm.s32 @!p0 $0x5800  }
0x1cc: {  	[tilespmem:s10], [sflag:$0x3] =	stream.indirect.gather @!p0 [hbm4b:s4+s3], $0x80, s0, s3, $0xb8;
	[tilespmem:$0x1F980] =	vst v63  }
0x1cd: {  	_ =	swait.ge [sflag:s7], $0x1800  }
0x1ce: {  	[sflag:s7] =	ssyncset.done $0x0  }
0x1cf: {  	[sflag:s7] =	ssyncadd.s32 $0xFFFFE800  }
0x1d0: {  	_ =	swait.ge [sflag:s20], $0x1800  }
0x1d1: {  	[sflag:s20] =	ssyncset.done $0x0  }
0x1d2: {  	[sflag:s20] =	ssyncadd.s32 $0xFFFFE800  }
0x1d3: {  	v1 =	vld [tilespmem:s25+$0x1400];
	_ =	sdelay $0x4  }
0x1d4: {  	[tilespmem:$0xB900] =	vst v1  }
0x1d5: {  	v1 =	vld [tilespmem:s25+$0x1410];
	_ =	sdelay $0x4  }
0x1d6: {  	[tilespmem:$0xB910] =	vst v1  }
0x1d7: {  	v1 =	vld [tilespmem:s25+$0x1420];
	_ =	sdelay $0x4  }
0x1d8: {  	s25 =	simm.s32 $0x0;
	[tilespmem:$0xB920] =	vst v1  }
0x1d9: {  	v7 =	vld [tilespmem:s25+$0x8800]  }
0x1da: {  	v12 =	vld [tilespmem:s25+$0x8810]  }
0x1db: {  	v6 =	vld [tilespmem:s25+$0x8820]  }
0x1dc: {  	v5 =	vld [tilespmem:s25+$0x8830]  }
0x1dd: {  	v4 =	vld [tilespmem:s25+$0x8840]  }
0x1de: {  	v3 =	vld [tilespmem:s25+$0x8850]  }
0x1df: {  	v2 =	vld [tilespmem:s25+$0x8860]  }
0x1e0: {  	v1 =	vld [tilespmem:s25+$0x8870]  }
0x1e1: {  	v13 =	vld [tilespmem:s25+$0xA000]  }
0x1e2: {  	v14 =	vld [tilespmem:s25+$0xA010]  }
0x1e3: {  	v11 =	vld [tilespmem:s25+$0xA020]  }
0x1e4: {  	v10 =	vld [tilespmem:s25+$0xA030]  }
0x1e5: {  	v9 =	vld [tilespmem:s25+$0xA040]  }
0x1e6: {  	s0 =	sadd.s32 @p0 $0x4, s26;
	v8 =	vld [tilespmem:s25+$0xA050];
	v13 =	vadd.f32 v13, v7  }
0x1e7: {  	s28 =	smov.u32 @p0 s0;
	s0 =	simm.s32 $0x200;
	v12 =	vadd.f32 v14, v12;
	v7 =	vld [tilespmem:s25+$0xA060]  }
.LBB2_25:
0x1e8: {  	s3 =	sshra.s32 s0, $0x2;
	p1 =	sne.s32 s0, $0x5E00;
	v13 =	vmax.f32 v13, $0.0e+00;
	v6 =	vadd.f32 v11, v6;
	v11 =	vld [tilespmem:s25+$0xA070]  }
0x1e9: {  	v14 =	vld [tilespmem:s3+$0x8800];
	[tilespmem:s25+$0xA000] =	vst v13;
	v12 =	vmax.f32 v12, $0.0e+00;
	v5 =	vadd.f32 v10, v5  }
0x1ea: {  	v15 =	vld [tilespmem:s3+$0x8810];
	[tilespmem:s25+$0xA010] =	vst v12;
	v10 =	vmax.f32 v6, $0.0e+00;
	v4 =	vadd.f32 v9, v4  }
0x1eb: {  	v6 =	vld [tilespmem:s3+$0x8820];
	[tilespmem:s25+$0xA020] =	vst v10;
	v9 =	vmax.f32 v5, $0.0e+00;
	v3 =	vadd.f32 v8, v3  }
0x1ec: {  	v5 =	vld [tilespmem:s3+$0x8830];
	[tilespmem:s25+$0xA030] =	vst v9;
	v8 =	vmax.f32 v4, $0.0e+00;
	v2 =	vadd.f32 v7, v2  }
0x1ed: {  	v4 =	vld [tilespmem:s3+$0x8840];
	[tilespmem:s25+$0xA040] =	vst v8;
	v7 =	vmax.f32 v3, $0.0e+00;
	v1 =	vadd.f32 v11, v1  }
0x1ee: {  	v3 =	vld [tilespmem:s3+$0x8850];
	[tilespmem:s25+$0xA050] =	vst v7;
	v7 =	vmax.f32 v2, $0.0e+00  }
0x1ef: {  	v2 =	vld [tilespmem:s3+$0x8860];
	[tilespmem:s25+$0xA060] =	vst v7;
	v7 =	vmax.f32 v1, $0.0e+00  }
0x1f0: {  	v1 =	vld [tilespmem:s3+$0x8870];
	[tilespmem:s25+$0xA070] =	vst v7;
	s25 =	smov.u32 s3  }
0x1f1: {  	v7 =	vld [tilespmem:s25+$0xA000]  }
0x1f2: {  	v12 =	vld [tilespmem:s25+$0xA010]  }
.Ltmp13:
0x1f3: {  	v11 =	vld [tilespmem:s25+$0xA020];
	(pc) =	sbr.rel @p1 .LBB2_25-.Ltmp13, $4  }
0x1f4: {  	v10 =	vld [tilespmem:s25+$0xA030]  }
0x1f5: {  	v9 =	vld [tilespmem:s25+$0xA040]  }
0x1f6: {  	v13 =	vadd.f32 v7, v14;
	v8 =	vld [tilespmem:s25+$0xA050]  }
0x1f7: {  	s0 =	sadd.s32 $0x200, s0;
	v12 =	vadd.f32 v12, v15;
	v7 =	vld [tilespmem:s25+$0xA060]  }
0x1f8: {  	v13 =	vmax.f32 v13, $0.0e+00;
	v6 =	vadd.f32 v11, v6;
	v63 =	vld [tilespmem:s25+$0xA070]  }
0x1f9: {  	[tilespmem:s25+$0xA000] =	vst v13;
	v12 =	vmax.f32 v12, $0.0e+00;
	v5 =	vadd.f32 v10, v5  }
0x1fa: {  	[tilespmem:s25+$0xA010] =	vst v12;
	v6 =	vmax.f32 v6, $0.0e+00;
	v4 =	vadd.f32 v9, v4  }
0x1fb: {  	[tilespmem:s25+$0xA020] =	vst v6;
	v5 =	vmax.f32 v5, $0.0e+00;
	v3 =	vadd.f32 v8, v3  }
0x1fc: {  	[tilespmem:s25+$0xA030] =	vst v5;
	v4 =	vmax.f32 v4, $0.0e+00;
	v2 =	vadd.f32 v7, v2  }
0x1fd: {  	[tilespmem:s25+$0xA040] =	vst v4;
	v3 =	vmax.f32 v3, $0.0e+00;
	v1 =	vadd.f32 v63, v1  }
0x1fe: {  	[tilespmem:s25+$0xA050] =	vst v3;
	v2 =	vmax.f32 v2, $0.0e+00  }
0x1ff: {  	[tilespmem:s25+$0xA060] =	vst v2;
	v1 =	vmax.f32 v1, $0.0e+00  }
0x200: {  	s0 =	smul.u32 @!p0 $0xC0, s28;
	[tilespmem:s25+$0xA070] =	vst v1  }
0x201: {  	[spmem:s1] =	stream.indirect.scatter.add.f32 [tilespmem:s15], [sflag:$0x9], $0x80, s8, s2, $0xb8;
	[tilespmem:$0x1F980] =	vst v63  }
0x202: {  	s3 =	simm.s32 @!p0 $0x30;
	_ =	swait.ge [sflag:s21], $0x1800  }
0x203: {  	s10 =	simm.s32 @!p0 $0x7000;
	s0 =	sshra.s32 @!p0 s0, $0x2;
	[sflag:s21] =	ssyncset.done $0x0  }
0x204: {  	s24 =	sadd.s32 $0x1, s24;
	s0 =	sadd.s32 @!p0 $0x1400, s0;
	[sflag:s21] =	ssyncadd.s32 $0xFFFFE800  }
0x205: {  	[tilespmem:s10], [sflag:$0x4] =	stream.indirect.gather @!p0 [hbm4b:s5+s3], $0x80, s0, s3, $0xb8;
	[tilespmem:$0x1F980] =	vst v63  }
0x206: {  	p0 =	sne.s32 s24, $0x23  }
.Ltmp14:
0x207: {  	_ = 	snop;
	(pc) =	sbr.rel @p0 .LBB2_16-.Ltmp14, $1  }
0x208: {  	_ =	sdelay $0x3  }
0x209: {  	_ =	swait.ge [sflag:s22], $0x1800  }
0x20a: {  	[sflag:s22] =	ssyncset.done $0x0  }
0x20b: {  	[sflag:s22] =	ssyncadd.s32 $0xFFFFE800  }
0x20c: {  	s0 =	stileid.u32;
	[bflag:$0x0] =	sbarrier.arrive $0xFFFF  }
0x20d: {  	s0 =	sshll.u32 s0, $0x6;
	s28 =	rddreg [dreg:$0x8]  }
0x20e: {  	s0 =	sor.u32 $0x1C0A, s0;
	s10 =	rddreg [dreg:$0x16];
	s3 =	sshrl.u32 s28, $0x3  }
0x20f: {  	[hbm:s10], [sflag:s0] =	dma.local [spmem:s3], $0x2800  }
0x210: {  	_ =	swait.ge [sflag:s30], $0x2800  }
0x211: {  	s23 =	sadd.s32 $0x1, s23;
	s31 =	rddreg [dreg:$0x9]  }
0x212: {  	p0 =	sne.s32 s23, s31  }
.Ltmp15:
0x213: {  	_ = 	snop;
	(pc) =	sbr.rel @p0 .LBB2_1-.Ltmp15, $3  }
0x214: {  	_ =	sdelay $0x1  }
0x215: {  	[sflag:s30] =	ssyncset.done $0x0  }
0x216: {  	[sflag:s30] =	ssyncadd.s32 $0xFFFFD800  }
0x217: {  	_ =	sfence.sel $0x180000  }
0x218: {  	[bflag:$0x0] =	sbarrier.arrive $0xFFFF  }
0x219: {  	_ =	strace $0x90000047  }
0x21a: {  	s0 =	stileid.u32;
	[bflag:$0x2] =	sbarrier.arrive $0xFFFF  }
0x21b: {  	p0 =	sne.s32 s0, $0x0;
	s0 =	rddreg [dreg:$0x3]  }
0x21c: {  	s0 =	sadd.s32 @!p0 $0x100000, s0  }
0x21d: {  	[sflag:s0] =	ssyncadd.tile.s32 @!p0 $0x1;
	_ =	shalt  }
.Lfunc_end2:
_tile_overlayer_lowered:
.L_overlay_start_2:
0x21e: {  	(tag) =	ssettag $0x2  }
0x21f: {  	s0 =	rddreg [dreg:$0x0];
	s2 =	stileid.u32  }
0x220: {  	s1 =	rddreg [dreg:$0x1];
	p0 =	sne.s32 s2, $0x0  }
0x221: {  	s3 =	rddreg [dreg:$0x2];
	[bflag:$0x3] =	sbarrier.arrive $0xFFFF;
	s2 =	simm.s32 @!p0 $0x1C0A  }
0x222: {  	[timem:s3], [sflag:s2] =	dma.local @!p0 [hbm:s0], s1  }
0x223: {  	s0 =	simm.s32 @!p0 $0xA  }
0x224: {  	_ =	swait.ge @!p0 [sflag:s0], s1  }
0x225: {  	s1 =	ssub.s32 @!p0 $0x0, s1;
	[sflag:s0] =	ssyncset.done @!p0 $0x0  }
0x226: {  	[sflag:s0] =	ssyncadd.s32 @!p0 s1  }
0x227: {  	[bflag:$0x3] =	sbarrier.arrive $0xFFFF  }
0x228: {  	_ =	shalt  }

</sc_bundles>
